<compile_context>
chip_gen: v7x
topology: tpu7x:2x2x1
jax: 0.10.2.dev20260603
libtpu: 0.0.44.dev20260713+nightly
codegen_flags: <defaults>
</compile_context>

<pallas_src>
import functools

import jax
import jax.numpy as jnp
from jax import lax
from jax.experimental import pallas as pl
from jax.experimental.pallas import tpu as pltpu
from jax.experimental.pallas import tpu_sc as plsc

_N = 10000
_E = 320000
_D = 128
_EPS = 1e-5

_NC = 2
_NS = 16
_NW = _NC * _NS
_NP = 10240
_RPT = _NP // _NS
_EP = 327680
_EPW = _EP // _NW
_CH = 128
_NCHUNK = _EPW // _CH

_MESH = plsc.VectorSubcoreMesh(
    core_axis_name="c", subcore_axis_name="s", num_cores=_NC, num_subcores=_NS
)


def _worker_ids():
    cid = lax.axis_index("c")
    sid = lax.axis_index("s")
    return cid, sid, sid * _NC + cid


_K = 8


@functools.partial(
    pl.kernel,
    out_type=jax.ShapeDtypeStruct((_NC, 2, _NP), jnp.float32),
    mesh=_MESH,
    scratch_types=[
        pltpu.VMEM((_NCHUNK, _CH), jnp.int32),
        pltpu.VMEM((_NCHUNK, _CH), jnp.int32),
        pltpu.VMEM((_CH,), jnp.float32),
        pltpu.SemaphoreType.DMA,
        pltpu.SemaphoreType.DMA,
        pltpu.VMEM_SHARED((_NP,), jnp.float32),
        pltpu.VMEM_SHARED((_NP,), jnp.float32),
    ],
)
def _deg_kernel(eidx_hbm, ones_hbm, zeros_hbm, out_hbm,
                sidx, didx, ones_v, ssem, dsem, acc_s, acc_d):
    cid, sid, wid = _worker_ids()
    rows = pl.ds(sid * _RPT, _RPT)
    chunks = pl.ds(wid * _NCHUNK, _NCHUNK)
    pltpu.sync_copy(zeros_hbm, acc_s.at[rows])
    pltpu.sync_copy(zeros_hbm, acc_d.at[rows])
    pltpu.sync_copy(ones_hbm, ones_v)
    pltpu.sync_copy(eidx_hbm.at[0, chunks], sidx)
    pltpu.sync_copy(eidx_hbm.at[1, chunks], didx)
    plsc.subcore_barrier()

    def body(i, carry):
        pltpu.async_copy(ones_v, acc_s.at[sidx.at[i]], ssem, add=True)
        pltpu.async_copy(ones_v, acc_d.at[didx.at[i]], dsem, add=True)

        @pl.when(i >= _K)
        def _():
            pltpu.make_async_copy(ones_v, acc_s.at[sidx.at[0]], ssem).wait()
            pltpu.make_async_copy(ones_v, acc_d.at[didx.at[0]], dsem).wait()

        return carry

    lax.fori_loop(0, _NCHUNK, body, 0)
    for _ in range(_K):
        pltpu.make_async_copy(ones_v, acc_s.at[sidx.at[0]], ssem).wait()
        pltpu.make_async_copy(ones_v, acc_d.at[didx.at[0]], dsem).wait()
    plsc.subcore_barrier()
    pltpu.sync_copy(acc_s.at[rows], out_hbm.at[cid, 0, rows])
    pltpu.sync_copy(acc_d.at[rows], out_hbm.at[cid, 1, rows])


def _deg_call(eidx2):
    ones1 = jnp.ones((_CH,), jnp.float32)
    zeros1 = jnp.zeros((_RPT,), jnp.float32)
    return _deg_kernel(eidx2, ones1, zeros1)


_S0 = 80
_S1 = _NCHUNK * 2 - _S0
_G = 40


@functools.partial(
    pl.kernel,
    out_type=jax.ShapeDtypeStruct((_NC, _NP, _D), jnp.float32),
    mesh=_MESH,
    scratch_types=[
        pltpu.VMEM((_G, _CH), jnp.int32),
        pltpu.VMEM((_G, _CH), jnp.int32),
        pltpu.VMEM((_CH, _D), jnp.float32),
        pltpu.VMEM((_CH, _D), jnp.float32),
        pltpu.SemaphoreType.DMA,
        pltpu.SemaphoreType.DMA,
        pltpu.SemaphoreType.DMA,
        pltpu.SemaphoreType.DMA,
        pltpu.VMEM_SHARED((_NP, _D), jnp.float32),
    ],
)
def _edge_kernel(x_hbm, eidx_hbm, zeros_hbm, out_hbm,
                 sidx, didx, rows0, rows1, g0, g1, s0, s1, acc):
    cid, sid, wid = _worker_ids()
    rows = pl.ds(sid * _RPT, _RPT)
    pltpu.sync_copy(zeros_hbm, acc.at[rows])
    plsc.subcore_barrier()

    def run_groups(tile_start, n_groups):
        for g in range(n_groups):
            chunks = pl.ds(tile_start + g * _G, _G)
            pltpu.sync_copy(eidx_hbm.at[0, chunks], sidx)
            pltpu.sync_copy(eidx_hbm.at[1, chunks], didx)
            pltpu.async_copy(x_hbm.at[sidx.at[0]], rows0, g0)
            pltpu.async_copy(x_hbm.at[sidx.at[1]], rows1, g1)

            def body(i, carry):
                i2 = i * 2
                pltpu.make_async_copy(
                    x_hbm.at[sidx.at[i2]], rows0, g0).wait()
                pltpu.async_copy(rows0, acc.at[didx.at[i2]], s0, add=True)
                pltpu.make_async_copy(
                    x_hbm.at[sidx.at[i2 + 1]], rows1, g1).wait()
                pltpu.async_copy(
                    rows1, acc.at[didx.at[i2 + 1]], s1, add=True)

                @pl.when(i2 + 2 < _G)
                def _():
                    pltpu.make_async_copy(
                        rows0, acc.at[didx.at[0]], s0).wait()
                    pltpu.async_copy(x_hbm.at[sidx.at[i2 + 2]], rows0, g0)

                @pl.when(i2 + 3 < _G)
                def _():
                    pltpu.make_async_copy(
                        rows1, acc.at[didx.at[0]], s1).wait()
                    pltpu.async_copy(x_hbm.at[sidx.at[i2 + 3]], rows1, g1)

                return carry

            lax.fori_loop(0, _G // 2, body, 0)
            pltpu.make_async_copy(rows0, acc.at[didx.at[0]], s0).wait()
            pltpu.make_async_copy(rows1, acc.at[didx.at[0]], s1).wait()

    @pl.when(cid == 0)
    def _():
        run_groups(sid * _S0, _S0 // _G)

    if _S1 > 0:
        @pl.when(cid == 1)
        def _():
            run_groups(16 * _S0 + sid * _S1, _S1 // _G)

    plsc.subcore_barrier()
    pltpu.sync_copy(acc.at[rows], out_hbm.at[cid, rows])


def _norms_from(degs, which):
    d = degs[0, which, : _N] + degs[1, which, : _N]
    return lax.rsqrt(jnp.maximum(d, 1.0))[:, None]


def _prep_body(h_ref, degs_ref, x0_ref):
    degs = degs_ref[...]
    x0_ref[0:_N] = h_ref[...] * _norms_from(degs, 0)
    x0_ref[_N:] = jnp.zeros((_NP - _N, _D), jnp.float32)


def _dense0_body(aggp_ref, degs_ref, w_ref, b_ref, g_ref, be_ref,
                 h1_ref, x1_ref):
    degs = degs_ref[...]
    agg = (aggp_ref[0, : _N] + aggp_ref[1, : _N]) * _norms_from(degs, 1)
    t = jnp.dot(agg, w_ref[...], preferred_element_type=jnp.float32) + b_ref[...]
    m = jnp.mean(t, axis=0, keepdims=True)
    v = jnp.mean((t - m) ** 2, axis=0, keepdims=True)
    h1 = jnp.maximum((t - m) * lax.rsqrt(v + _EPS) * g_ref[...] + be_ref[...], 0.0)
    h1_ref[...] = h1
    x1_ref[0:_N] = h1 * _norms_from(degs, 0)
    x1_ref[_N:] = jnp.zeros((_NP - _N, _D), jnp.float32)


def _final_body(aggp_ref, degs_ref, w_ref, b_ref, g_ref, be_ref, h1_ref,
                wp_ref, bp_ref, score_ref):
    degs = degs_ref[...]
    agg = (aggp_ref[0, : _N] + aggp_ref[1, : _N]) * _norms_from(degs, 1)
    t = jnp.dot(agg, w_ref[...], preferred_element_type=jnp.float32) + b_ref[...]
    m = jnp.mean(t, axis=0, keepdims=True)
    v = jnp.mean((t - m) ** 2, axis=0, keepdims=True)
    h2 = jnp.maximum((t - m) * lax.rsqrt(v + _EPS) * g_ref[...] + be_ref[...], 0.0)
    h2 = h2 + h1_ref[...]
    pooled = jnp.sum(h2, axis=0, keepdims=True)
    score_ref[...] = (
        jnp.dot(pooled, wp_ref[...], preferred_element_type=jnp.float32) + bp_ref[...]
    )


_prep_call = pl.pallas_call(
    _prep_body, out_shape=jax.ShapeDtypeStruct((_NP, _D), jnp.float32)
)
_dense0_call = pl.pallas_call(
    _dense0_body,
    out_shape=(
        jax.ShapeDtypeStruct((_N, _D), jnp.float32),
        jax.ShapeDtypeStruct((_NP, _D), jnp.float32),
    ),
)
_final_call = pl.pallas_call(
    _final_body, out_shape=jax.ShapeDtypeStruct((1, _D), jnp.float32)
)


def kernel(h, edge_index, W0, b0, g0, be0, W1, b1, g1, be1, Wp, bp):
    pad = _N + (jnp.arange(_EP - _E, dtype=jnp.int32) % (_NP - _N))
    pad2 = jnp.broadcast_to(pad, (2, _EP - _E))
    eidx2 = jnp.concatenate([edge_index, pad2], axis=1).reshape(
        2, _EP // _CH, _CH)
    zeros_row = jnp.zeros((_RPT, _D), jnp.float32)

    degs = _deg_call(eidx2)
    x0 = _prep_call(h, degs)
    agg0p = _edge_kernel(x0, eidx2, zeros_row)
    h1, x1 = _dense0_call(agg0p, degs, W0, b0, g0, be0)
    agg1p = _edge_kernel(x1, eidx2, zeros_row)
    score = _final_call(agg1p, degs, W1, b1, g1, be1, h1, Wp, bp)
    return score

# --- scband reference (transcript-rebuilt; emitter-appended) ---
"""Pipeline reference for scband-gcn-40888088658390 (READ-ONLY COPY).

The authoritative reference and input builder live on the scoring server;
editing this copy changes nothing except your own understanding.
"""

import jax, jax.numpy as jnp
import numpy as np

N = 10000
E = 320000
D = 128
OUT = 128
EPS = 1e-5


def setup_inputs(seed: int = 0) -> dict:
    key = jax.random.key(seed)
    ks = jax.random.split(key, 12)
    h = jax.random.normal(ks[0], (N, D), dtype=jnp.float32)
    edge_index = jax.random.randint(ks[1], (2, E), 0, N, dtype=jnp.int32)
    s = 1.0 / np.sqrt(D)
    W0 = jax.random.uniform(ks[2], (D, D), dtype=jnp.float32, minval=-s, maxval=s)
    b0 = jnp.zeros((D,), dtype=jnp.float32)
    g0 = jnp.ones((D,), dtype=jnp.float32)
    be0 = jnp.zeros((D,), dtype=jnp.float32)
    W1 = jax.random.uniform(ks[3], (D, D), dtype=jnp.float32, minval=-s, maxval=s)
    b1 = jnp.zeros((D,), dtype=jnp.float32)
    g1 = jnp.ones((D,), dtype=jnp.float32)
    be1 = jnp.zeros((D,), dtype=jnp.float32)
    Wp = jax.random.uniform(ks[4], (D, OUT), dtype=jnp.float32, minval=-s, maxval=s)
    bp = jax.random.uniform(ks[5], (OUT,), dtype=jnp.float32, minval=-s, maxval=s)
    return {"h": h, "edge_index": edge_index, "W0": W0, "b0": b0, "g0": g0, "be0": be0,
            "W1": W1, "b1": b1, "g1": g1, "be1": be1, "Wp": Wp, "bp": bp}


def _graph_conv(h, src, dst, W, b):
    # DGL GraphConv with norm='both': D_out^{-1/2} A^T D_in^{-1/2} style symmetric norm
    out_deg = jnp.clip(jnp.bincount(src, length=N), 1).astype(jnp.float32)
    in_deg = jnp.clip(jnp.bincount(dst, length=N), 1).astype(jnp.float32)
    norm_src = out_deg ** -0.5
    norm_dst = in_deg ** -0.5
    msg = h[src] * norm_src[src][:, None]
    agg = jax.ops.segment_sum(msg, dst, num_segments=N)
    agg = agg * norm_dst[:, None]
    return agg @ W + b


def _batch_norm(h, gamma, beta):
    mean = jnp.mean(h, axis=0)
    var = jnp.var(h, axis=0)
    return (h - mean) / jnp.sqrt(var + EPS) * gamma + beta


def reference(h, edge_index, W0, b0, g0, be0, W1, b1, g1, be1, Wp, bp):
    src = edge_index[0]
    dst = edge_index[1]
    # layer 0
    t = _graph_conv(h, src, dst, W0, b0)
    t = _batch_norm(t, g0, be0)
    h1 = jax.nn.relu(t)
    # layer 1 (with residual)
    t = _graph_conv(h1, src, dst, W1, b1)
    t = _batch_norm(t, g1, be1)
    h2 = jax.nn.relu(t) + h1
    # sum pooling over the (single) graph, then prediction head (dropout is identity in eval)
    pooled = jnp.sum(h2, axis=0, keepdims=True)
    score = pooled @ Wp + bp
    return score

if __name__ == "__main__":
    import jax
    _d = setup_inputs()
    print(jax.jit(kernel)(*tuple(_d.values())))

</pallas_src>

<mosaic_0001>
#map = affine_map<(d0, d1) -> (0, 0, 0)>
#map1 = affine_map<(d0, d1) -> (0)>
module attributes {stable_mosaic.version = 14 : i64} {
  func.func @_deg_kernel(%arg0: i32, %arg1: i32, %arg2: memref<2x2560x128xi32, #tpu.memory_space<hbm>>, %arg3: memref<128xf32, #tpu.memory_space<hbm>>, %arg4: memref<640xf32, #tpu.memory_space<hbm>>, %arg5: memref<2x2x10240xf32, #tpu.memory_space<hbm>>, %arg6: memref<80x128xi32, #tpu.memory_space<vmem>>, %arg7: memref<80x128xi32, #tpu.memory_space<vmem>>, %arg8: memref<128xf32, #tpu.memory_space<vmem>>, %arg9: memref<!tpu.dma_semaphore, #tpu.memory_space<semaphore_mem>>, %arg10: memref<!tpu.dma_semaphore, #tpu.memory_space<semaphore_mem>>, %arg11: memref<10240xf32, #tpu.memory_space<vmem_shared>>, %arg12: memref<10240xf32, #tpu.memory_space<vmem_shared>>) attributes {dimension_semantics = [#tpu.dimension_semantics<core_parallel>, #tpu.dimension_semantics<subcore_parallel>], iteration_bounds = array<i64: 2, 16>, scalar_prefetch = 0 : i64, scratch_operands = 7 : i64, tpu.core_type = #tpu.core_type<sc_vector_subcore>, window_params = [{transform_indices = #map}, {transform_indices = #map1}, {transform_indices = #map1}, {transform_indices = #map}]} {
    %mul3A = arith.constant 2 : i32
    %mul3A_0 = arith.muli %arg1, %mul3A : i32
    %add3A = arith.addi %mul3A_0, %arg0 : i32
    %mul3A_1 = arith.constant 640 : i32
    %mul3A_2 = arith.muli %arg1, %mul3A_1 : i32
    %mul3A_3 = arith.constant 80 : i32
    %mul3A_4 = arith.muli %add3A, %mul3A_3 : i32
    "tpu.region"() ({
      %run_scoped3A_109 = tpu.sem_alloc : memref<!tpu.dma_semaphore, #tpu.memory_space<semaphore_mem>>
      %dma_start3A = tpu.memref_slice %arg11[%mul3A_2] : memref<10240xf32, #tpu.memory_space<vmem_shared>> -> memref<640xf32, #tpu.memory_space<vmem_shared>>
      tpu.enqueue_dma source(%arg4 : memref<640xf32, #tpu.memory_space<hbm>>) target(%dma_start3A : memref<640xf32, #tpu.memory_space<vmem_shared>>) target_semaphore(%run_scoped3A_109 : memref<!tpu.dma_semaphore, #tpu.memory_space<semaphore_mem>>)
      %dma_wait3A_110 = tpu.memref_slice %arg11[%mul3A_2] : memref<10240xf32, #tpu.memory_space<vmem_shared>> -> memref<640xf32, #tpu.memory_space<vmem_shared>>
      tpu.wait_dma2 semaphore(%run_scoped3A_109 : memref<!tpu.dma_semaphore, #tpu.memory_space<semaphore_mem>>) src(%arg4 : memref<640xf32, #tpu.memory_space<hbm>>) dst(%dma_wait3A_110 : memref<640xf32, #tpu.memory_space<vmem_shared>>)
      tpu.yield
    }) : () -> ()
    "tpu.region"() ({
      %run_scoped3A_109 = tpu.sem_alloc : memref<!tpu.dma_semaphore, #tpu.memory_space<semaphore_mem>>
      %dma_start3A = tpu.memref_slice %arg12[%mul3A_2] : memref<10240xf32, #tpu.memory_space<vmem_shared>> -> memref<640xf32, #tpu.memory_space<vmem_shared>>
      tpu.enqueue_dma source(%arg4 : memref<640xf32, #tpu.memory_space<hbm>>) target(%dma_start3A : memref<640xf32, #tpu.memory_space<vmem_shared>>) target_semaphore(%run_scoped3A_109 : memref<!tpu.dma_semaphore, #tpu.memory_space<semaphore_mem>>)
      %dma_wait3A_110 = tpu.memref_slice %arg12[%mul3A_2] : memref<10240xf32, #tpu.memory_space<vmem_shared>> -> memref<640xf32, #tpu.memory_space<vmem_shared>>
      tpu.wait_dma2 semaphore(%run_scoped3A_109 : memref<!tpu.dma_semaphore, #tpu.memory_space<semaphore_mem>>) src(%arg4 : memref<640xf32, #tpu.memory_space<hbm>>) dst(%dma_wait3A_110 : memref<640xf32, #tpu.memory_space<vmem_shared>>)
      tpu.yield
    }) : () -> ()
    "tpu.region"() ({
      %run_scoped3A_109 = tpu.sem_alloc : memref<!tpu.dma_semaphore, #tpu.memory_space<semaphore_mem>>
      tpu.enqueue_dma source(%arg3 : memref<128xf32, #tpu.memory_space<hbm>>) target(%arg8 : memref<128xf32, #tpu.memory_space<vmem>>) target_semaphore(%run_scoped3A_109 : memref<!tpu.dma_semaphore, #tpu.memory_space<semaphore_mem>>)
      tpu.wait_dma2 semaphore(%run_scoped3A_109 : memref<!tpu.dma_semaphore, #tpu.memory_space<semaphore_mem>>) src(%arg3 : memref<128xf32, #tpu.memory_space<hbm>>) dst(%arg8 : memref<128xf32, #tpu.memory_space<vmem>>)
      tpu.yield
    }) : () -> ()
    %run_scoped3A = arith.constant 0 : i32
    "tpu.region"() ({
      %run_scoped3A_109 = tpu.sem_alloc : memref<!tpu.dma_semaphore, #tpu.memory_space<semaphore_mem>>
      %dma_start3A = arith.constant 0 : i32
      %dma_start3A_110 = tpu.memref_slice %arg2[%run_scoped3A, %mul3A_4, %dma_start3A] : memref<2x2560x128xi32, #tpu.memory_space<hbm>> -> memref<1x80x128xi32, #tpu.memory_space<hbm>>
      %dma_start3A_111 = tpu.memref_squeeze %dma_start3A_110 : memref<1x80x128xi32, #tpu.memory_space<hbm>> -> memref<80x128xi32, #tpu.memory_space<hbm>>
      %dma_start3A_112 = arith.constant 0 : i32
      %dma_start3A_113 = tpu.memref_slice %arg2[%run_scoped3A, %mul3A_4, %dma_start3A_112] : memref<2x2560x128xi32, #tpu.memory_space<hbm>> -> memref<1x80x128xi32, #tpu.memory_space<hbm>>
      %dma_start3A_114 = tpu.memref_squeeze %dma_start3A_113 : memref<1x80x128xi32, #tpu.memory_space<hbm>> -> memref<80x128xi32, #tpu.memory_space<hbm>>
      tpu.enqueue_dma source(%dma_start3A_114 : memref<80x128xi32, #tpu.memory_space<hbm>>) target(%arg6 : memref<80x128xi32, #tpu.memory_space<vmem>>) target_semaphore(%run_scoped3A_109 : memref<!tpu.dma_semaphore, #tpu.memory_space<semaphore_mem>>)
      %dma_wait3A_115 = arith.constant 0 : i32
      %dma_wait3A_116 = tpu.memref_slice %arg2[%run_scoped3A, %mul3A_4, %dma_wait3A_115] : memref<2x2560x128xi32, #tpu.memory_space<hbm>> -> memref<1x80x128xi32, #tpu.memory_space<hbm>>
      %dma_wait3A_117 = tpu.memref_squeeze %dma_wait3A_116 : memref<1x80x128xi32, #tpu.memory_space<hbm>> -> memref<80x128xi32, #tpu.memory_space<hbm>>
      %dma_wait3A_118 = arith.constant 0 : i32
      %dma_wait3A_119 = tpu.memref_slice %arg2[%run_scoped3A, %mul3A_4, %dma_wait3A_118] : memref<2x2560x128xi32, #tpu.memory_space<hbm>> -> memref<1x80x128xi32, #tpu.memory_space<hbm>>
      %dma_wait3A_120 = tpu.memref_squeeze %dma_wait3A_119 : memref<1x80x128xi32, #tpu.memory_space<hbm>> -> memref<80x128xi32, #tpu.memory_space<hbm>>
      tpu.wait_dma2 semaphore(%run_scoped3A_109 : memref<!tpu.dma_semaphore, #tpu.memory_space<semaphore_mem>>) src(%dma_wait3A_120 : memref<80x128xi32, #tpu.memory_space<hbm>>) dst(%arg6 : memref<80x128xi32, #tpu.memory_space<vmem>>)
      tpu.yield
    }) : () -> ()
    %run_scoped3A_5 = arith.constant 1 : i32
    "tpu.region"() ({
      %run_scoped3A_109 = tpu.sem_alloc : memref<!tpu.dma_semaphore, #tpu.memory_space<semaphore_mem>>
      %dma_start3A = arith.constant 0 : i32
      %dma_start3A_110 = tpu.memref_slice %arg2[%run_scoped3A_5, %mul3A_4, %dma_start3A] : memref<2x2560x128xi32, #tpu.memory_space<hbm>> -> memref<1x80x128xi32, #tpu.memory_space<hbm>>
      %dma_start3A_111 = tpu.memref_squeeze %dma_start3A_110 : memref<1x80x128xi32, #tpu.memory_space<hbm>> -> memref<80x128xi32, #tpu.memory_space<hbm>>
      %dma_start3A_112 = arith.constant 0 : i32
      %dma_start3A_113 = tpu.memref_slice %arg2[%run_scoped3A_5, %mul3A_4, %dma_start3A_112] : memref<2x2560x128xi32, #tpu.memory_space<hbm>> -> memref<1x80x128xi32, #tpu.memory_space<hbm>>
      %dma_start3A_114 = tpu.memref_squeeze %dma_start3A_113 : memref<1x80x128xi32, #tpu.memory_space<hbm>> -> memref<80x128xi32, #tpu.memory_space<hbm>>
      tpu.enqueue_dma source(%dma_start3A_114 : memref<80x128xi32, #tpu.memory_space<hbm>>) target(%arg7 : memref<80x128xi32, #tpu.memory_space<vmem>>) target_semaphore(%run_scoped3A_109 : memref<!tpu.dma_semaphore, #tpu.memory_space<semaphore_mem>>)
      %dma_wait3A_115 = arith.constant 0 : i32
      %dma_wait3A_116 = tpu.memref_slice %arg2[%run_scoped3A_5, %mul3A_4, %dma_wait3A_115] : memref<2x2560x128xi32, #tpu.memory_space<hbm>> -> memref<1x80x128xi32, #tpu.memory_space<hbm>>
      %dma_wait3A_117 = tpu.memref_squeeze %dma_wait3A_116 : memref<1x80x128xi32, #tpu.memory_space<hbm>> -> memref<80x128xi32, #tpu.memory_space<hbm>>
      %dma_wait3A_118 = arith.constant 0 : i32
      %dma_wait3A_119 = tpu.memref_slice %arg2[%run_scoped3A_5, %mul3A_4, %dma_wait3A_118] : memref<2x2560x128xi32, #tpu.memory_space<hbm>> -> memref<1x80x128xi32, #tpu.memory_space<hbm>>
      %dma_wait3A_120 = tpu.memref_squeeze %dma_wait3A_119 : memref<1x80x128xi32, #tpu.memory_space<hbm>> -> memref<80x128xi32, #tpu.memory_space<hbm>>
      tpu.wait_dma2 semaphore(%run_scoped3A_109 : memref<!tpu.dma_semaphore, #tpu.memory_space<semaphore_mem>>) src(%dma_wait3A_120 : memref<80x128xi32, #tpu.memory_space<hbm>>) dst(%arg7 : memref<80x128xi32, #tpu.memory_space<vmem>>)
      tpu.yield
    }) : () -> ()
    %barrier3A = arith.constant 0 : index
    tpu.barrier barrier_id(%barrier3A)
    %scan3A = arith.constant 0 : i32
    %scan3A_6 = arith.constant 0 : i32
    %scan3A_7 = arith.constant 80 : i32
    %scan3A_8 = arith.addi %scan3A_6, %scan3A_7 : i32
    %scan3A_9 = arith.constant 1 : i32
    scf.for %scan3A_109 = %scan3A_6 to %scan3A_8 step %scan3A_9  : i32 {
      %dma_start3A = arith.constant 0 : i32
      %dma_start3A_110 = tpu.memref_slice %arg6[%scan3A_109, %dma_start3A] : memref<80x128xi32, #tpu.memory_space<vmem>> -> memref<1x128xi32, #tpu.memory_space<vmem>>
      %dma_start3A_111 = tpu.memref_squeeze %dma_start3A_110 : memref<1x128xi32, #tpu.memory_space<vmem>> -> memref<128xi32, #tpu.memory_space<vmem>>
      %dma_start3A_112 = arith.constant 0 : i32
      %dma_start3A_113 = tpu.memref_slice %arg11[%dma_start3A_112] : memref<10240xf32, #tpu.memory_space<vmem_shared>> -> memref<10240xf32, #tpu.memory_space<vmem_shared>>
      tpu.enqueue_indirect_dma source(%arg8 : memref<128xf32, #tpu.memory_space<vmem>>) target(%dma_start3A_113 : memref<10240xf32, #tpu.memory_space<vmem_shared>>) offsets(%dma_start3A_111 : memref<128xi32, #tpu.memory_space<vmem>>) semaphore(%arg9 : memref<!tpu.dma_semaphore, #tpu.memory_space<semaphore_mem>>) {add = true}
      %dma_start3A_114 = arith.constant 0 : i32
      %dma_start3A_115 = tpu.memref_slice %arg7[%scan3A_109, %dma_start3A_114] : memref<80x128xi32, #tpu.memory_space<vmem>> -> memref<1x128xi32, #tpu.memory_space<vmem>>
      %dma_start3A_116 = tpu.memref_squeeze %dma_start3A_115 : memref<1x128xi32, #tpu.memory_space<vmem>> -> memref<128xi32, #tpu.memory_space<vmem>>
      %dma_start3A_117 = arith.constant 0 : i32
      %dma_start3A_118 = tpu.memref_slice %arg12[%dma_start3A_117] : memref<10240xf32, #tpu.memory_space<vmem_shared>> -> memref<10240xf32, #tpu.memory_space<vmem_shared>>
      tpu.enqueue_indirect_dma source(%arg8 : memref<128xf32, #tpu.memory_space<vmem>>) target(%dma_start3A_118 : memref<10240xf32, #tpu.memory_space<vmem_shared>>) offsets(%dma_start3A_116 : memref<128xi32, #tpu.memory_space<vmem>>) semaphore(%arg10 : memref<!tpu.dma_semaphore, #tpu.memory_space<semaphore_mem>>) {add = true}
      %ge3A = arith.constant 8 : i32
      %ge3A_119 = arith.cmpi sge, %scan3A_109, %ge3A : i32
      %convert_element_type3A = arith.extui %ge3A_119 : i1 to i32
      %cond3A = arith.constant 0 : i32
      %cond3A_120 = arith.cmpi ne, %convert_element_type3A, %cond3A : i32
      scf.if %cond3A_120 {
        %dma_wait3A_121 = arith.constant 0 : i32
        %dma_wait3A_122 = arith.constant 0 : i32
        %dma_wait3A_123 = tpu.memref_slice %arg6[%dma_wait3A_121, %dma_wait3A_122] : memref<80x128xi32, #tpu.memory_space<vmem>> -> memref<1x128xi32, #tpu.memory_space<vmem>>
        %dma_wait3A_124 = tpu.memref_squeeze %dma_wait3A_123 : memref<1x128xi32, #tpu.memory_space<vmem>> -> memref<128xi32, #tpu.memory_space<vmem>>
        %dma_wait3A_125 = arith.constant 0 : i32
        %dma_wait3A_126 = tpu.memref_slice %arg11[%dma_wait3A_125] : memref<10240xf32, #tpu.memory_space<vmem_shared>> -> memref<10240xf32, #tpu.memory_space<vmem_shared>>
        tpu.wait_indirect_dma semaphore(%arg9 : memref<!tpu.dma_semaphore, #tpu.memory_space<semaphore_mem>>) src(%arg8 : memref<128xf32, #tpu.memory_space<vmem>>) dst(%dma_wait3A_126 : memref<10240xf32, #tpu.memory_space<vmem_shared>>)
        %dma_wait3A_127 = arith.constant 0 : i32
        %dma_wait3A_128 = arith.constant 0 : i32
        %dma_wait3A_129 = tpu.memref_slice %arg7[%dma_wait3A_127, %dma_wait3A_128] : memref<80x128xi32, #tpu.memory_space<vmem>> -> memref<1x128xi32, #tpu.memory_space<vmem>>
        %dma_wait3A_130 = tpu.memref_squeeze %dma_wait3A_129 : memref<1x128xi32, #tpu.memory_space<vmem>> -> memref<128xi32, #tpu.memory_space<vmem>>
        %dma_wait3A_131 = arith.constant 0 : i32
        %dma_wait3A_132 = tpu.memref_slice %arg12[%dma_wait3A_131] : memref<10240xf32, #tpu.memory_space<vmem_shared>> -> memref<10240xf32, #tpu.memory_space<vmem_shared>>
        tpu.wait_indirect_dma semaphore(%arg10 : memref<!tpu.dma_semaphore, #tpu.memory_space<semaphore_mem>>) src(%arg8 : memref<128xf32, #tpu.memory_space<vmem>>) dst(%dma_wait3A_132 : memref<10240xf32, #tpu.memory_space<vmem_shared>>)
      } else {
      }
    }
    %scan3A_10 = arith.constant 80 : i32
    %dma_wait3A = arith.constant 0 : i32
    %dma_wait3A_11 = arith.constant 0 : i32
    %dma_wait3A_12 = tpu.memref_slice %arg6[%dma_wait3A, %dma_wait3A_11] : memref<80x128xi32, #tpu.memory_space<vmem>> -> memref<1x128xi32, #tpu.memory_space<vmem>>
    %dma_wait3A_13 = tpu.memref_squeeze %dma_wait3A_12 : memref<1x128xi32, #tpu.memory_space<vmem>> -> memref<128xi32, #tpu.memory_space<vmem>>
    %dma_wait3A_14 = arith.constant 0 : i32
    %dma_wait3A_15 = tpu.memref_slice %arg11[%dma_wait3A_14] : memref<10240xf32, #tpu.memory_space<vmem_shared>> -> memref<10240xf32, #tpu.memory_space<vmem_shared>>
    tpu.wait_indirect_dma semaphore(%arg9 : memref<!tpu.dma_semaphore, #tpu.memory_space<semaphore_mem>>) src(%arg8 : memref<128xf32, #tpu.memory_space<vmem>>) dst(%dma_wait3A_15 : memref<10240xf32, #tpu.memory_space<vmem_shared>>)
    %dma_wait3A_16 = arith.constant 0 : i32
    %dma_wait3A_17 = arith.constant 0 : i32
    %dma_wait3A_18 = tpu.memref_slice %arg7[%dma_wait3A_16, %dma_wait3A_17] : memref<80x128xi32, #tpu.memory_space<vmem>> -> memref<1x128xi32, #tpu.memory_space<vmem>>
    %dma_wait3A_19 = tpu.memref_squeeze %dma_wait3A_18 : memref<1x128xi32, #tpu.memory_space<vmem>> -> memref<128xi32, #tpu.memory_space<vmem>>
    %dma_wait3A_20 = arith.constant 0 : i32
    %dma_wait3A_21 = tpu.memref_slice %arg12[%dma_wait3A_20] : memref<10240xf32, #tpu.memory_space<vmem_shared>> -> memref<10240xf32, #tpu.memory_space<vmem_shared>>
    tpu.wait_indirect_dma semaphore(%arg10 : memref<!tpu.dma_semaphore, #tpu.memory_space<semaphore_mem>>) src(%arg8 : memref<128xf32, #tpu.memory_space<vmem>>) dst(%dma_wait3A_21 : memref<10240xf32, #tpu.memory_space<vmem_shared>>)
    %dma_wait3A_22 = arith.constant 0 : i32
    %dma_wait3A_23 = arith.constant 0 : i32
    %dma_wait3A_24 = tpu.memref_slice %arg6[%dma_wait3A_22, %dma_wait3A_23] : memref<80x128xi32, #tpu.memory_space<vmem>> -> memref<1x128xi32, #tpu.memory_space<vmem>>
    %dma_wait3A_25 = tpu.memref_squeeze %dma_wait3A_24 : memref<1x128xi32, #tpu.memory_space<vmem>> -> memref<128xi32, #tpu.memory_space<vmem>>
    %dma_wait3A_26 = arith.constant 0 : i32
    %dma_wait3A_27 = tpu.memref_slice %arg11[%dma_wait3A_26] : memref<10240xf32, #tpu.memory_space<vmem_shared>> -> memref<10240xf32, #tpu.memory_space<vmem_shared>>
    tpu.wait_indirect_dma semaphore(%arg9 : memref<!tpu.dma_semaphore, #tpu.memory_space<semaphore_mem>>) src(%arg8 : memref<128xf32, #tpu.memory_space<vmem>>) dst(%dma_wait3A_27 : memref<10240xf32, #tpu.memory_space<vmem_shared>>)
    %dma_wait3A_28 = arith.constant 0 : i32
    %dma_wait3A_29 = arith.constant 0 : i32
    %dma_wait3A_30 = tpu.memref_slice %arg7[%dma_wait3A_28, %dma_wait3A_29] : memref<80x128xi32, #tpu.memory_space<vmem>> -> memref<1x128xi32, #tpu.memory_space<vmem>>
    %dma_wait3A_31 = tpu.memref_squeeze %dma_wait3A_30 : memref<1x128xi32, #tpu.memory_space<vmem>> -> memref<128xi32, #tpu.memory_space<vmem>>
    %dma_wait3A_32 = arith.constant 0 : i32
    %dma_wait3A_33 = tpu.memref_slice %arg12[%dma_wait3A_32] : memref<10240xf32, #tpu.memory_space<vmem_shared>> -> memref<10240xf32, #tpu.memory_space<vmem_shared>>
    tpu.wait_indirect_dma semaphore(%arg10 : memref<!tpu.dma_semaphore, #tpu.memory_space<semaphore_mem>>) src(%arg8 : memref<128xf32, #tpu.memory_space<vmem>>) dst(%dma_wait3A_33 : memref<10240xf32, #tpu.memory_space<vmem_shared>>)
    %dma_wait3A_34 = arith.constant 0 : i32
    %dma_wait3A_35 = arith.constant 0 : i32
    %dma_wait3A_36 = tpu.memref_slice %arg6[%dma_wait3A_34, %dma_wait3A_35] : memref<80x128xi32, #tpu.memory_space<vmem>> -> memref<1x128xi32, #tpu.memory_space<vmem>>
    %dma_wait3A_37 = tpu.memref_squeeze %dma_wait3A_36 : memref<1x128xi32, #tpu.memory_space<vmem>> -> memref<128xi32, #tpu.memory_space<vmem>>
    %dma_wait3A_38 = arith.constant 0 : i32
    %dma_wait3A_39 = tpu.memref_slice %arg11[%dma_wait3A_38] : memref<10240xf32, #tpu.memory_space<vmem_shared>> -> memref<10240xf32, #tpu.memory_space<vmem_shared>>
    tpu.wait_indirect_dma semaphore(%arg9 : memref<!tpu.dma_semaphore, #tpu.memory_space<semaphore_mem>>) src(%arg8 : memref<128xf32, #tpu.memory_space<vmem>>) dst(%dma_wait3A_39 : memref<10240xf32, #tpu.memory_space<vmem_shared>>)
    %dma_wait3A_40 = arith.constant 0 : i32
    %dma_wait3A_41 = arith.constant 0 : i32
    %dma_wait3A_42 = tpu.memref_slice %arg7[%dma_wait3A_40, %dma_wait3A_41] : memref<80x128xi32, #tpu.memory_space<vmem>> -> memref<1x128xi32, #tpu.memory_space<vmem>>
    %dma_wait3A_43 = tpu.memref_squeeze %dma_wait3A_42 : memref<1x128xi32, #tpu.memory_space<vmem>> -> memref<128xi32, #tpu.memory_space<vmem>>
    %dma_wait3A_44 = arith.constant 0 : i32
    %dma_wait3A_45 = tpu.memref_slice %arg12[%dma_wait3A_44] : memref<10240xf32, #tpu.memory_space<vmem_shared>> -> memref<10240xf32, #tpu.memory_space<vmem_shared>>
    tpu.wait_indirect_dma semaphore(%arg10 : memref<!tpu.dma_semaphore, #tpu.memory_space<semaphore_mem>>) src(%arg8 : memref<128xf32, #tpu.memory_space<vmem>>) dst(%dma_wait3A_45 : memref<10240xf32, #tpu.memory_space<vmem_shared>>)
    %dma_wait3A_46 = arith.constant 0 : i32
    %dma_wait3A_47 = arith.constant 0 : i32
    %dma_wait3A_48 = tpu.memref_slice %arg6[%dma_wait3A_46, %dma_wait3A_47] : memref<80x128xi32, #tpu.memory_space<vmem>> -> memref<1x128xi32, #tpu.memory_space<vmem>>
    %dma_wait3A_49 = tpu.memref_squeeze %dma_wait3A_48 : memref<1x128xi32, #tpu.memory_space<vmem>> -> memref<128xi32, #tpu.memory_space<vmem>>
    %dma_wait3A_50 = arith.constant 0 : i32
    %dma_wait3A_51 = tpu.memref_slice %arg11[%dma_wait3A_50] : memref<10240xf32, #tpu.memory_space<vmem_shared>> -> memref<10240xf32, #tpu.memory_space<vmem_shared>>
    tpu.wait_indirect_dma semaphore(%arg9 : memref<!tpu.dma_semaphore, #tpu.memory_space<semaphore_mem>>) src(%arg8 : memref<128xf32, #tpu.memory_space<vmem>>) dst(%dma_wait3A_51 : memref<10240xf32, #tpu.memory_space<vmem_shared>>)
    %dma_wait3A_52 = arith.constant 0 : i32
    %dma_wait3A_53 = arith.constant 0 : i32
    %dma_wait3A_54 = tpu.memref_slice %arg7[%dma_wait3A_52, %dma_wait3A_53] : memref<80x128xi32, #tpu.memory_space<vmem>> -> memref<1x128xi32, #tpu.memory_space<vmem>>
    %dma_wait3A_55 = tpu.memref_squeeze %dma_wait3A_54 : memref<1x128xi32, #tpu.memory_space<vmem>> -> memref<128xi32, #tpu.memory_space<vmem>>
    %dma_wait3A_56 = arith.constant 0 : i32
    %dma_wait3A_57 = tpu.memref_slice %arg12[%dma_wait3A_56] : memref<10240xf32, #tpu.memory_space<vmem_shared>> -> memref<10240xf32, #tpu.memory_space<vmem_shared>>
    tpu.wait_indirect_dma semaphore(%arg10 : memref<!tpu.dma_semaphore, #tpu.memory_space<semaphore_mem>>) src(%arg8 : memref<128xf32, #tpu.memory_space<vmem>>) dst(%dma_wait3A_57 : memref<10240xf32, #tpu.memory_space<vmem_shared>>)
    %dma_wait3A_58 = arith.constant 0 : i32
    %dma_wait3A_59 = arith.constant 0 : i32
    %dma_wait3A_60 = tpu.memref_slice %arg6[%dma_wait3A_58, %dma_wait3A_59] : memref<80x128xi32, #tpu.memory_space<vmem>> -> memref<1x128xi32, #tpu.memory_space<vmem>>
    %dma_wait3A_61 = tpu.memref_squeeze %dma_wait3A_60 : memref<1x128xi32, #tpu.memory_space<vmem>> -> memref<128xi32, #tpu.memory_space<vmem>>
    %dma_wait3A_62 = arith.constant 0 : i32
    %dma_wait3A_63 = tpu.memref_slice %arg11[%dma_wait3A_62] : memref<10240xf32, #tpu.memory_space<vmem_shared>> -> memref<10240xf32, #tpu.memory_space<vmem_shared>>
    tpu.wait_indirect_dma semaphore(%arg9 : memref<!tpu.dma_semaphore, #tpu.memory_space<semaphore_mem>>) src(%arg8 : memref<128xf32, #tpu.memory_space<vmem>>) dst(%dma_wait3A_63 : memref<10240xf32, #tpu.memory_space<vmem_shared>>)
    %dma_wait3A_64 = arith.constant 0 : i32
    %dma_wait3A_65 = arith.constant 0 : i32
    %dma_wait3A_66 = tpu.memref_slice %arg7[%dma_wait3A_64, %dma_wait3A_65] : memref<80x128xi32, #tpu.memory_space<vmem>> -> memref<1x128xi32, #tpu.memory_space<vmem>>
    %dma_wait3A_67 = tpu.memref_squeeze %dma_wait3A_66 : memref<1x128xi32, #tpu.memory_space<vmem>> -> memref<128xi32, #tpu.memory_space<vmem>>
    %dma_wait3A_68 = arith.constant 0 : i32
    %dma_wait3A_69 = tpu.memref_slice %arg12[%dma_wait3A_68] : memref<10240xf32, #tpu.memory_space<vmem_shared>> -> memref<10240xf32, #tpu.memory_space<vmem_shared>>
    tpu.wait_indirect_dma semaphore(%arg10 : memref<!tpu.dma_semaphore, #tpu.memory_space<semaphore_mem>>) src(%arg8 : memref<128xf32, #tpu.memory_space<vmem>>) dst(%dma_wait3A_69 : memref<10240xf32, #tpu.memory_space<vmem_shared>>)
    %dma_wait3A_70 = arith.constant 0 : i32
    %dma_wait3A_71 = arith.constant 0 : i32
    %dma_wait3A_72 = tpu.memref_slice %arg6[%dma_wait3A_70, %dma_wait3A_71] : memref<80x128xi32, #tpu.memory_space<vmem>> -> memref<1x128xi32, #tpu.memory_space<vmem>>
    %dma_wait3A_73 = tpu.memref_squeeze %dma_wait3A_72 : memref<1x128xi32, #tpu.memory_space<vmem>> -> memref<128xi32, #tpu.memory_space<vmem>>
    %dma_wait3A_74 = arith.constant 0 : i32
    %dma_wait3A_75 = tpu.memref_slice %arg11[%dma_wait3A_74] : memref<10240xf32, #tpu.memory_space<vmem_shared>> -> memref<10240xf32, #tpu.memory_space<vmem_shared>>
    tpu.wait_indirect_dma semaphore(%arg9 : memref<!tpu.dma_semaphore, #tpu.memory_space<semaphore_mem>>) src(%arg8 : memref<128xf32, #tpu.memory_space<vmem>>) dst(%dma_wait3A_75 : memref<10240xf32, #tpu.memory_space<vmem_shared>>)
    %dma_wait3A_76 = arith.constant 0 : i32
    %dma_wait3A_77 = arith.constant 0 : i32
    %dma_wait3A_78 = tpu.memref_slice %arg7[%dma_wait3A_76, %dma_wait3A_77] : memref<80x128xi32, #tpu.memory_space<vmem>> -> memref<1x128xi32, #tpu.memory_space<vmem>>
    %dma_wait3A_79 = tpu.memref_squeeze %dma_wait3A_78 : memref<1x128xi32, #tpu.memory_space<vmem>> -> memref<128xi32, #tpu.memory_space<vmem>>
    %dma_wait3A_80 = arith.constant 0 : i32
    %dma_wait3A_81 = tpu.memref_slice %arg12[%dma_wait3A_80] : memref<10240xf32, #tpu.memory_space<vmem_shared>> -> memref<10240xf32, #tpu.memory_space<vmem_shared>>
    tpu.wait_indirect_dma semaphore(%arg10 : memref<!tpu.dma_semaphore, #tpu.memory_space<semaphore_mem>>) src(%arg8 : memref<128xf32, #tpu.memory_space<vmem>>) dst(%dma_wait3A_81 : memref<10240xf32, #tpu.memory_space<vmem_shared>>)
    %dma_wait3A_82 = arith.constant 0 : i32
    %dma_wait3A_83 = arith.constant 0 : i32
    %dma_wait3A_84 = tpu.memref_slice %arg6[%dma_wait3A_82, %dma_wait3A_83] : memref<80x128xi32, #tpu.memory_space<vmem>> -> memref<1x128xi32, #tpu.memory_space<vmem>>
    %dma_wait3A_85 = tpu.memref_squeeze %dma_wait3A_84 : memref<1x128xi32, #tpu.memory_space<vmem>> -> memref<128xi32, #tpu.memory_space<vmem>>
    %dma_wait3A_86 = arith.constant 0 : i32
    %dma_wait3A_87 = tpu.memref_slice %arg11[%dma_wait3A_86] : memref<10240xf32, #tpu.memory_space<vmem_shared>> -> memref<10240xf32, #tpu.memory_space<vmem_shared>>
    tpu.wait_indirect_dma semaphore(%arg9 : memref<!tpu.dma_semaphore, #tpu.memory_space<semaphore_mem>>) src(%arg8 : memref<128xf32, #tpu.memory_space<vmem>>) dst(%dma_wait3A_87 : memref<10240xf32, #tpu.memory_space<vmem_shared>>)
    %dma_wait3A_88 = arith.constant 0 : i32
    %dma_wait3A_89 = arith.constant 0 : i32
    %dma_wait3A_90 = tpu.memref_slice %arg7[%dma_wait3A_88, %dma_wait3A_89] : memref<80x128xi32, #tpu.memory_space<vmem>> -> memref<1x128xi32, #tpu.memory_space<vmem>>
    %dma_wait3A_91 = tpu.memref_squeeze %dma_wait3A_90 : memref<1x128xi32, #tpu.memory_space<vmem>> -> memref<128xi32, #tpu.memory_space<vmem>>
    %dma_wait3A_92 = arith.constant 0 : i32
    %dma_wait3A_93 = tpu.memref_slice %arg12[%dma_wait3A_92] : memref<10240xf32, #tpu.memory_space<vmem_shared>> -> memref<10240xf32, #tpu.memory_space<vmem_shared>>
    tpu.wait_indirect_dma semaphore(%arg10 : memref<!tpu.dma_semaphore, #tpu.memory_space<semaphore_mem>>) src(%arg8 : memref<128xf32, #tpu.memory_space<vmem>>) dst(%dma_wait3A_93 : memref<10240xf32, #tpu.memory_space<vmem_shared>>)
    %dma_wait3A_94 = arith.constant 0 : i32
    %dma_wait3A_95 = arith.constant 0 : i32
    %dma_wait3A_96 = tpu.memref_slice %arg6[%dma_wait3A_94, %dma_wait3A_95] : memref<80x128xi32, #tpu.memory_space<vmem>> -> memref<1x128xi32, #tpu.memory_space<vmem>>
    %dma_wait3A_97 = tpu.memref_squeeze %dma_wait3A_96 : memref<1x128xi32, #tpu.memory_space<vmem>> -> memref<128xi32, #tpu.memory_space<vmem>>
    %dma_wait3A_98 = arith.constant 0 : i32
    %dma_wait3A_99 = tpu.memref_slice %arg11[%dma_wait3A_98] : memref<10240xf32, #tpu.memory_space<vmem_shared>> -> memref<10240xf32, #tpu.memory_space<vmem_shared>>
    tpu.wait_indirect_dma semaphore(%arg9 : memref<!tpu.dma_semaphore, #tpu.memory_space<semaphore_mem>>) src(%arg8 : memref<128xf32, #tpu.memory_space<vmem>>) dst(%dma_wait3A_99 : memref<10240xf32, #tpu.memory_space<vmem_shared>>)
    %dma_wait3A_100 = arith.constant 0 : i32
    %dma_wait3A_101 = arith.constant 0 : i32
    %dma_wait3A_102 = tpu.memref_slice %arg7[%dma_wait3A_100, %dma_wait3A_101] : memref<80x128xi32, #tpu.memory_space<vmem>> -> memref<1x128xi32, #tpu.memory_space<vmem>>
    %dma_wait3A_103 = tpu.memref_squeeze %dma_wait3A_102 : memref<1x128xi32, #tpu.memory_space<vmem>> -> memref<128xi32, #tpu.memory_space<vmem>>
    %dma_wait3A_104 = arith.constant 0 : i32
    %dma_wait3A_105 = tpu.memref_slice %arg12[%dma_wait3A_104] : memref<10240xf32, #tpu.memory_space<vmem_shared>> -> memref<10240xf32, #tpu.memory_space<vmem_shared>>
    tpu.wait_indirect_dma semaphore(%arg10 : memref<!tpu.dma_semaphore, #tpu.memory_space<semaphore_mem>>) src(%arg8 : memref<128xf32, #tpu.memory_space<vmem>>) dst(%dma_wait3A_105 : memref<10240xf32, #tpu.memory_space<vmem_shared>>)
    %barrier3A_106 = arith.constant 0 : index
    tpu.barrier barrier_id(%barrier3A_106)
    %run_scoped3A_107 = arith.constant 0 : i32
    "tpu.region"() ({
      %run_scoped3A_109 = tpu.sem_alloc : memref<!tpu.dma_semaphore, #tpu.memory_space<semaphore_mem>>
      %dma_start3A = tpu.memref_slice %arg5[%arg0, %run_scoped3A_107, %mul3A_2] : memref<2x2x10240xf32, #tpu.memory_space<hbm>> -> memref<1x1x640xf32, #tpu.memory_space<hbm>>
      %dma_start3A_110 = tpu.memref_squeeze %dma_start3A : memref<1x1x640xf32, #tpu.memory_space<hbm>> -> memref<640xf32, #tpu.memory_space<hbm>>
      %dma_start3A_111 = tpu.memref_slice %arg11[%mul3A_2] : memref<10240xf32, #tpu.memory_space<vmem_shared>> -> memref<640xf32, #tpu.memory_space<vmem_shared>>
      tpu.enqueue_dma source(%dma_start3A_111 : memref<640xf32, #tpu.memory_space<vmem_shared>>) target(%dma_start3A_110 : memref<640xf32, #tpu.memory_space<hbm>>) target_semaphore(%run_scoped3A_109 : memref<!tpu.dma_semaphore, #tpu.memory_space<semaphore_mem>>)
      %dma_wait3A_112 = tpu.memref_slice %arg5[%arg0, %run_scoped3A_107, %mul3A_2] : memref<2x2x10240xf32, #tpu.memory_space<hbm>> -> memref<1x1x640xf32, #tpu.memory_space<hbm>>
      %dma_wait3A_113 = tpu.memref_squeeze %dma_wait3A_112 : memref<1x1x640xf32, #tpu.memory_space<hbm>> -> memref<640xf32, #tpu.memory_space<hbm>>
      %dma_wait3A_114 = tpu.memref_slice %arg11[%mul3A_2] : memref<10240xf32, #tpu.memory_space<vmem_shared>> -> memref<640xf32, #tpu.memory_space<vmem_shared>>
      tpu.wait_dma2 semaphore(%run_scoped3A_109 : memref<!tpu.dma_semaphore, #tpu.memory_space<semaphore_mem>>) src(%dma_wait3A_114 : memref<640xf32, #tpu.memory_space<vmem_shared>>) dst(%dma_wait3A_113 : memref<640xf32, #tpu.memory_space<hbm>>)
      tpu.yield
    }) : () -> ()
    %run_scoped3A_108 = arith.constant 1 : i32
    "tpu.region"() ({
      %run_scoped3A_109 = tpu.sem_alloc : memref<!tpu.dma_semaphore, #tpu.memory_space<semaphore_mem>>
      %dma_start3A = tpu.memref_slice %arg5[%arg0, %run_scoped3A_108, %mul3A_2] : memref<2x2x10240xf32, #tpu.memory_space<hbm>> -> memref<1x1x640xf32, #tpu.memory_space<hbm>>
      %dma_start3A_110 = tpu.memref_squeeze %dma_start3A : memref<1x1x640xf32, #tpu.memory_space<hbm>> -> memref<640xf32, #tpu.memory_space<hbm>>
      %dma_start3A_111 = tpu.memref_slice %arg12[%mul3A_2] : memref<10240xf32, #tpu.memory_space<vmem_shared>> -> memref<640xf32, #tpu.memory_space<vmem_shared>>
      tpu.enqueue_dma source(%dma_start3A_111 : memref<640xf32, #tpu.memory_space<vmem_shared>>) target(%dma_start3A_110 : memref<640xf32, #tpu.memory_space<hbm>>) target_semaphore(%run_scoped3A_109 : memref<!tpu.dma_semaphore, #tpu.memory_space<semaphore_mem>>)
      %dma_wait3A_112 = tpu.memref_slice %arg5[%arg0, %run_scoped3A_108, %mul3A_2] : memref<2x2x10240xf32, #tpu.memory_space<hbm>> -> memref<1x1x640xf32, #tpu.memory_space<hbm>>
      %dma_wait3A_113 = tpu.memref_squeeze %dma_wait3A_112 : memref<1x1x640xf32, #tpu.memory_space<hbm>> -> memref<640xf32, #tpu.memory_space<hbm>>
      %dma_wait3A_114 = tpu.memref_slice %arg12[%mul3A_2] : memref<10240xf32, #tpu.memory_space<vmem_shared>> -> memref<640xf32, #tpu.memory_space<vmem_shared>>
      tpu.wait_dma2 semaphore(%run_scoped3A_109 : memref<!tpu.dma_semaphore, #tpu.memory_space<semaphore_mem>>) src(%dma_wait3A_114 : memref<640xf32, #tpu.memory_space<vmem_shared>>) dst(%dma_wait3A_113 : memref<640xf32, #tpu.memory_space<hbm>>)
      tpu.yield
    }) : () -> ()
    return
  }
}

#map = affine_map<(d0, d1) -> (0, 0)>
#map1 = affine_map<(d0, d1) -> (0, 0, 0)>
module attributes {stable_mosaic.version = 14 : i64} {
  func.func @_edge_kernel(%arg0: i32, %arg1: i32, %arg2: memref<10240x128xf32, #tpu.memory_space<hbm>>, %arg3: memref<2x2560x128xi32, #tpu.memory_space<hbm>>, %arg4: memref<640x128xf32, #tpu.memory_space<hbm>>, %arg5: memref<2x10240x128xf32, #tpu.memory_space<hbm>>, %arg6: memref<40x128xi32, #tpu.memory_space<vmem>>, %arg7: memref<40x128xi32, #tpu.memory_space<vmem>>, %arg8: memref<128x128xf32, #tpu.memory_space<vmem>>, %arg9: memref<128x128xf32, #tpu.memory_space<vmem>>, %arg10: memref<!tpu.dma_semaphore, #tpu.memory_space<semaphore_mem>>, %arg11: memref<!tpu.dma_semaphore, #tpu.memory_space<semaphore_mem>>, %arg12: memref<!tpu.dma_semaphore, #tpu.memory_space<semaphore_mem>>, %arg13: memref<!tpu.dma_semaphore, #tpu.memory_space<semaphore_mem>>, %arg14: memref<10240x128xf32, #tpu.memory_space<vmem_shared>>) attributes {dimension_semantics = [#tpu.dimension_semantics<core_parallel>, #tpu.dimension_semantics<subcore_parallel>], iteration_bounds = array<i64: 2, 16>, scalar_prefetch = 0 : i64, scratch_operands = 9 : i64, tpu.core_type = #tpu.core_type<sc_vector_subcore>, window_params = [{transform_indices = #map}, {transform_indices = #map1}, {transform_indices = #map}, {transform_indices = #map1}]} {
    %mul3A = arith.constant 2 : i32
    %mul3A_0 = arith.muli %arg1, %mul3A : i32
    %add3A = arith.addi %mul3A_0, %arg0 : i32
    %mul3A_1 = arith.constant 640 : i32
    %mul3A_2 = arith.muli %arg1, %mul3A_1 : i32
    "tpu.region"() ({
      %run_scoped3A = tpu.sem_alloc : memref<!tpu.dma_semaphore, #tpu.memory_space<semaphore_mem>>
      %dma_start3A = arith.constant 0 : i32
      %dma_start3A_11 = tpu.memref_slice %arg14[%mul3A_2, %dma_start3A] : memref<10240x128xf32, #tpu.memory_space<vmem_shared>> -> memref<640x128xf32, #tpu.memory_space<vmem_shared>>
      tpu.enqueue_dma source(%arg4 : memref<640x128xf32, #tpu.memory_space<hbm>>) target(%dma_start3A_11 : memref<640x128xf32, #tpu.memory_space<vmem_shared>>) target_semaphore(%run_scoped3A : memref<!tpu.dma_semaphore, #tpu.memory_space<semaphore_mem>>)
      %dma_wait3A = arith.constant 0 : i32
      %dma_wait3A_12 = tpu.memref_slice %arg14[%mul3A_2, %dma_wait3A] : memref<10240x128xf32, #tpu.memory_space<vmem_shared>> -> memref<640x128xf32, #tpu.memory_space<vmem_shared>>
      tpu.wait_dma2 semaphore(%run_scoped3A : memref<!tpu.dma_semaphore, #tpu.memory_space<semaphore_mem>>) src(%arg4 : memref<640x128xf32, #tpu.memory_space<hbm>>) dst(%dma_wait3A_12 : memref<640x128xf32, #tpu.memory_space<vmem_shared>>)
      tpu.yield
    }) : () -> ()
    %barrier3A = arith.constant 0 : index
    tpu.barrier barrier_id(%barrier3A)
    %eq3A = arith.constant 0 : i32
    %eq3A_3 = arith.cmpi eq, %arg0, %eq3A : i32
    %convert_element_type3A = arith.extui %eq3A_3 : i1 to i32
    %cond3A = arith.constant 0 : i32
    %cond3A_4 = arith.cmpi ne, %convert_element_type3A, %cond3A : i32
    scf.if %cond3A_4 {
      %mul3A_11 = arith.constant 80 : i32
      %mul3A_12 = arith.muli %arg1, %mul3A_11 : i32
      %add3A_13 = arith.constant 0 : i32
      %add3A_14 = arith.addi %mul3A_12, %add3A_13 : i32
      %run_scoped3A = arith.constant 0 : i32
      "tpu.region"() ({
        %run_scoped3A_85 = tpu.sem_alloc : memref<!tpu.dma_semaphore, #tpu.memory_space<semaphore_mem>>
        %dma_start3A_86 = arith.constant 0 : i32
        %dma_start3A_87 = tpu.memref_slice %arg3[%run_scoped3A, %add3A_14, %dma_start3A_86] : memref<2x2560x128xi32, #tpu.memory_space<hbm>> -> memref<1x40x128xi32, #tpu.memory_space<hbm>>
        %dma_start3A_88 = tpu.memref_squeeze %dma_start3A_87 : memref<1x40x128xi32, #tpu.memory_space<hbm>> -> memref<40x128xi32, #tpu.memory_space<hbm>>
        %dma_start3A_89 = arith.constant 0 : i32
        %dma_start3A_90 = tpu.memref_slice %arg3[%run_scoped3A, %add3A_14, %dma_start3A_89] : memref<2x2560x128xi32, #tpu.memory_space<hbm>> -> memref<1x40x128xi32, #tpu.memory_space<hbm>>
        %dma_start3A_91 = tpu.memref_squeeze %dma_start3A_90 : memref<1x40x128xi32, #tpu.memory_space<hbm>> -> memref<40x128xi32, #tpu.memory_space<hbm>>
        tpu.enqueue_dma source(%dma_start3A_91 : memref<40x128xi32, #tpu.memory_space<hbm>>) target(%arg6 : memref<40x128xi32, #tpu.memory_space<vmem>>) target_semaphore(%run_scoped3A_85 : memref<!tpu.dma_semaphore, #tpu.memory_space<semaphore_mem>>)
        %dma_wait3A_92 = arith.constant 0 : i32
        %dma_wait3A_93 = tpu.memref_slice %arg3[%run_scoped3A, %add3A_14, %dma_wait3A_92] : memref<2x2560x128xi32, #tpu.memory_space<hbm>> -> memref<1x40x128xi32, #tpu.memory_space<hbm>>
        %dma_wait3A_94 = tpu.memref_squeeze %dma_wait3A_93 : memref<1x40x128xi32, #tpu.memory_space<hbm>> -> memref<40x128xi32, #tpu.memory_space<hbm>>
        %dma_wait3A_95 = arith.constant 0 : i32
        %dma_wait3A_96 = tpu.memref_slice %arg3[%run_scoped3A, %add3A_14, %dma_wait3A_95] : memref<2x2560x128xi32, #tpu.memory_space<hbm>> -> memref<1x40x128xi32, #tpu.memory_space<hbm>>
        %dma_wait3A_97 = tpu.memref_squeeze %dma_wait3A_96 : memref<1x40x128xi32, #tpu.memory_space<hbm>> -> memref<40x128xi32, #tpu.memory_space<hbm>>
        tpu.wait_dma2 semaphore(%run_scoped3A_85 : memref<!tpu.dma_semaphore, #tpu.memory_space<semaphore_mem>>) src(%dma_wait3A_97 : memref<40x128xi32, #tpu.memory_space<hbm>>) dst(%arg6 : memref<40x128xi32, #tpu.memory_space<vmem>>)
        tpu.yield
      }) : () -> ()
      %run_scoped3A_15 = arith.constant 1 : i32
      "tpu.region"() ({
        %run_scoped3A_85 = tpu.sem_alloc : memref<!tpu.dma_semaphore, #tpu.memory_space<semaphore_mem>>
        %dma_start3A_86 = arith.constant 0 : i32
        %dma_start3A_87 = tpu.memref_slice %arg3[%run_scoped3A_15, %add3A_14, %dma_start3A_86] : memref<2x2560x128xi32, #tpu.memory_space<hbm>> -> memref<1x40x128xi32, #tpu.memory_space<hbm>>
        %dma_start3A_88 = tpu.memref_squeeze %dma_start3A_87 : memref<1x40x128xi32, #tpu.memory_space<hbm>> -> memref<40x128xi32, #tpu.memory_space<hbm>>
        %dma_start3A_89 = arith.constant 0 : i32
        %dma_start3A_90 = tpu.memref_slice %arg3[%run_scoped3A_15, %add3A_14, %dma_start3A_89] : memref<2x2560x128xi32, #tpu.memory_space<hbm>> -> memref<1x40x128xi32, #tpu.memory_space<hbm>>
        %dma_start3A_91 = tpu.memref_squeeze %dma_start3A_90 : memref<1x40x128xi32, #tpu.memory_space<hbm>> -> memref<40x128xi32, #tpu.memory_space<hbm>>
        tpu.enqueue_dma source(%dma_start3A_91 : memref<40x128xi32, #tpu.memory_space<hbm>>) target(%arg7 : memref<40x128xi32, #tpu.memory_space<vmem>>) target_semaphore(%run_scoped3A_85 : memref<!tpu.dma_semaphore, #tpu.memory_space<semaphore_mem>>)
        %dma_wait3A_92 = arith.constant 0 : i32
        %dma_wait3A_93 = tpu.memref_slice %arg3[%run_scoped3A_15, %add3A_14, %dma_wait3A_92] : memref<2x2560x128xi32, #tpu.memory_space<hbm>> -> memref<1x40x128xi32, #tpu.memory_space<hbm>>
        %dma_wait3A_94 = tpu.memref_squeeze %dma_wait3A_93 : memref<1x40x128xi32, #tpu.memory_space<hbm>> -> memref<40x128xi32, #tpu.memory_space<hbm>>
        %dma_wait3A_95 = arith.constant 0 : i32
        %dma_wait3A_96 = tpu.memref_slice %arg3[%run_scoped3A_15, %add3A_14, %dma_wait3A_95] : memref<2x2560x128xi32, #tpu.memory_space<hbm>> -> memref<1x40x128xi32, #tpu.memory_space<hbm>>
        %dma_wait3A_97 = tpu.memref_squeeze %dma_wait3A_96 : memref<1x40x128xi32, #tpu.memory_space<hbm>> -> memref<40x128xi32, #tpu.memory_space<hbm>>
        tpu.wait_dma2 semaphore(%run_scoped3A_85 : memref<!tpu.dma_semaphore, #tpu.memory_space<semaphore_mem>>) src(%dma_wait3A_97 : memref<40x128xi32, #tpu.memory_space<hbm>>) dst(%arg7 : memref<40x128xi32, #tpu.memory_space<vmem>>)
        tpu.yield
      }) : () -> ()
      %dma_start3A = arith.constant 0 : i32
      %dma_start3A_16 = arith.constant 0 : i32
      %dma_start3A_17 = tpu.memref_slice %arg6[%dma_start3A, %dma_start3A_16] : memref<40x128xi32, #tpu.memory_space<vmem>> -> memref<1x128xi32, #tpu.memory_space<vmem>>
      %dma_start3A_18 = tpu.memref_squeeze %dma_start3A_17 : memref<1x128xi32, #tpu.memory_space<vmem>> -> memref<128xi32, #tpu.memory_space<vmem>>
      %dma_start3A_19 = arith.constant 0 : i32
      %dma_start3A_20 = arith.constant 0 : i32
      %dma_start3A_21 = tpu.memref_slice %arg2[%dma_start3A_19, %dma_start3A_20] : memref<10240x128xf32, #tpu.memory_space<hbm>> -> memref<10240x128xf32, #tpu.memory_space<hbm>>
      tpu.enqueue_indirect_dma source(%dma_start3A_21 : memref<10240x128xf32, #tpu.memory_space<hbm>>) target(%arg8 : memref<128x128xf32, #tpu.memory_space<vmem>>) offsets(%dma_start3A_18 : memref<128xi32, #tpu.memory_space<vmem>>) semaphore(%arg10 : memref<!tpu.dma_semaphore, #tpu.memory_space<semaphore_mem>>)
      %dma_start3A_22 = arith.constant 1 : i32
      %dma_start3A_23 = arith.constant 0 : i32
      %dma_start3A_24 = tpu.memref_slice %arg6[%dma_start3A_22, %dma_start3A_23] : memref<40x128xi32, #tpu.memory_space<vmem>> -> memref<1x128xi32, #tpu.memory_space<vmem>>
      %dma_start3A_25 = tpu.memref_squeeze %dma_start3A_24 : memref<1x128xi32, #tpu.memory_space<vmem>> -> memref<128xi32, #tpu.memory_space<vmem>>
      %dma_start3A_26 = arith.constant 0 : i32
      %dma_start3A_27 = arith.constant 0 : i32
      %dma_start3A_28 = tpu.memref_slice %arg2[%dma_start3A_26, %dma_start3A_27] : memref<10240x128xf32, #tpu.memory_space<hbm>> -> memref<10240x128xf32, #tpu.memory_space<hbm>>
      tpu.enqueue_indirect_dma source(%dma_start3A_28 : memref<10240x128xf32, #tpu.memory_space<hbm>>) target(%arg9 : memref<128x128xf32, #tpu.memory_space<vmem>>) offsets(%dma_start3A_25 : memref<128xi32, #tpu.memory_space<vmem>>) semaphore(%arg11 : memref<!tpu.dma_semaphore, #tpu.memory_space<semaphore_mem>>)
      %scan3A = arith.constant 0 : i32
      %scan3A_29 = arith.constant 0 : i32
      %scan3A_30 = arith.constant 20 : i32
      %scan3A_31 = arith.addi %scan3A_29, %scan3A_30 : i32
      %scan3A_32 = arith.constant 1 : i32
      scf.for %scan3A_85 = %scan3A_29 to %scan3A_31 step %scan3A_32  : i32 {
        %mul3A_86 = arith.constant 2 : i32
        %mul3A_87 = arith.muli %scan3A_85, %mul3A_86 : i32
        %dma_wait3A_88 = arith.constant 0 : i32
        %dma_wait3A_89 = tpu.memref_slice %arg6[%mul3A_87, %dma_wait3A_88] : memref<40x128xi32, #tpu.memory_space<vmem>> -> memref<1x128xi32, #tpu.memory_space<vmem>>
        %dma_wait3A_90 = tpu.memref_squeeze %dma_wait3A_89 : memref<1x128xi32, #tpu.memory_space<vmem>> -> memref<128xi32, #tpu.memory_space<vmem>>
        %dma_wait3A_91 = arith.constant 0 : i32
        %dma_wait3A_92 = arith.constant 0 : i32
        %dma_wait3A_93 = tpu.memref_slice %arg2[%dma_wait3A_91, %dma_wait3A_92] : memref<10240x128xf32, #tpu.memory_space<hbm>> -> memref<10240x128xf32, #tpu.memory_space<hbm>>
        tpu.wait_indirect_dma semaphore(%arg10 : memref<!tpu.dma_semaphore, #tpu.memory_space<semaphore_mem>>) src(%dma_wait3A_93 : memref<10240x128xf32, #tpu.memory_space<hbm>>) dst(%arg8 : memref<128x128xf32, #tpu.memory_space<vmem>>)
        %dma_start3A_94 = arith.constant 0 : i32
        %dma_start3A_95 = tpu.memref_slice %arg7[%mul3A_87, %dma_start3A_94] : memref<40x128xi32, #tpu.memory_space<vmem>> -> memref<1x128xi32, #tpu.memory_space<vmem>>
        %dma_start3A_96 = tpu.memref_squeeze %dma_start3A_95 : memref<1x128xi32, #tpu.memory_space<vmem>> -> memref<128xi32, #tpu.memory_space<vmem>>
        %dma_start3A_97 = arith.constant 0 : i32
        %dma_start3A_98 = arith.constant 0 : i32
        %dma_start3A_99 = tpu.memref_slice %arg14[%dma_start3A_97, %dma_start3A_98] : memref<10240x128xf32, #tpu.memory_space<vmem_shared>> -> memref<10240x128xf32, #tpu.memory_space<vmem_shared>>
        tpu.enqueue_indirect_dma source(%arg8 : memref<128x128xf32, #tpu.memory_space<vmem>>) target(%dma_start3A_99 : memref<10240x128xf32, #tpu.memory_space<vmem_shared>>) offsets(%dma_start3A_96 : memref<128xi32, #tpu.memory_space<vmem>>) semaphore(%arg12 : memref<!tpu.dma_semaphore, #tpu.memory_space<semaphore_mem>>) {add = true}
        %add3A_100 = arith.constant 1 : i32
        %add3A_101 = arith.addi %mul3A_87, %add3A_100 : i32
        %dma_wait3A_102 = arith.constant 0 : i32
        %dma_wait3A_103 = tpu.memref_slice %arg6[%add3A_101, %dma_wait3A_102] : memref<40x128xi32, #tpu.memory_space<vmem>> -> memref<1x128xi32, #tpu.memory_space<vmem>>
        %dma_wait3A_104 = tpu.memref_squeeze %dma_wait3A_103 : memref<1x128xi32, #tpu.memory_space<vmem>> -> memref<128xi32, #tpu.memory_space<vmem>>
        %dma_wait3A_105 = arith.constant 0 : i32
        %dma_wait3A_106 = arith.constant 0 : i32
        %dma_wait3A_107 = tpu.memref_slice %arg2[%dma_wait3A_105, %dma_wait3A_106] : memref<10240x128xf32, #tpu.memory_space<hbm>> -> memref<10240x128xf32, #tpu.memory_space<hbm>>
        tpu.wait_indirect_dma semaphore(%arg11 : memref<!tpu.dma_semaphore, #tpu.memory_space<semaphore_mem>>) src(%dma_wait3A_107 : memref<10240x128xf32, #tpu.memory_space<hbm>>) dst(%arg9 : memref<128x128xf32, #tpu.memory_space<vmem>>)
        %add3A_108 = arith.constant 1 : i32
        %add3A_109 = arith.addi %mul3A_87, %add3A_108 : i32
        %dma_start3A_110 = arith.constant 0 : i32
        %dma_start3A_111 = tpu.memref_slice %arg7[%add3A_109, %dma_start3A_110] : memref<40x128xi32, #tpu.memory_space<vmem>> -> memref<1x128xi32, #tpu.memory_space<vmem>>
        %dma_start3A_112 = tpu.memref_squeeze %dma_start3A_111 : memref<1x128xi32, #tpu.memory_space<vmem>> -> memref<128xi32, #tpu.memory_space<vmem>>
        %dma_start3A_113 = arith.constant 0 : i32
        %dma_start3A_114 = arith.constant 0 : i32
        %dma_start3A_115 = tpu.memref_slice %arg14[%dma_start3A_113, %dma_start3A_114] : memref<10240x128xf32, #tpu.memory_space<vmem_shared>> -> memref<10240x128xf32, #tpu.memory_space<vmem_shared>>
        tpu.enqueue_indirect_dma source(%arg9 : memref<128x128xf32, #tpu.memory_space<vmem>>) target(%dma_start3A_115 : memref<10240x128xf32, #tpu.memory_space<vmem_shared>>) offsets(%dma_start3A_112 : memref<128xi32, #tpu.memory_space<vmem>>) semaphore(%arg13 : memref<!tpu.dma_semaphore, #tpu.memory_space<semaphore_mem>>) {add = true}
        %add3A_116 = arith.constant 2 : i32
        %add3A_117 = arith.addi %mul3A_87, %add3A_116 : i32
        %lt3A = arith.constant 40 : i32
        %lt3A_118 = arith.cmpi slt, %add3A_117, %lt3A : i32
        %convert_element_type3A_119 = arith.extui %lt3A_118 : i1 to i32
        %cond3A_120 = arith.constant 0 : i32
        %cond3A_121 = arith.cmpi ne, %convert_element_type3A_119, %cond3A_120 : i32
        scf.if %cond3A_121 {
          %dma_wait3A_129 = arith.constant 0 : i32
          %dma_wait3A_130 = arith.constant 0 : i32
          %dma_wait3A_131 = tpu.memref_slice %arg7[%dma_wait3A_129, %dma_wait3A_130] : memref<40x128xi32, #tpu.memory_space<vmem>> -> memref<1x128xi32, #tpu.memory_space<vmem>>
          %dma_wait3A_132 = tpu.memref_squeeze %dma_wait3A_131 : memref<1x128xi32, #tpu.memory_space<vmem>> -> memref<128xi32, #tpu.memory_space<vmem>>
          %dma_wait3A_133 = arith.constant 0 : i32
          %dma_wait3A_134 = arith.constant 0 : i32
          %dma_wait3A_135 = tpu.memref_slice %arg14[%dma_wait3A_133, %dma_wait3A_134] : memref<10240x128xf32, #tpu.memory_space<vmem_shared>> -> memref<10240x128xf32, #tpu.memory_space<vmem_shared>>
          tpu.wait_indirect_dma semaphore(%arg12 : memref<!tpu.dma_semaphore, #tpu.memory_space<semaphore_mem>>) src(%arg8 : memref<128x128xf32, #tpu.memory_space<vmem>>) dst(%dma_wait3A_135 : memref<10240x128xf32, #tpu.memory_space<vmem_shared>>)
          %add3A_136 = arith.constant 2 : i32
          %add3A_137 = arith.addi %mul3A_87, %add3A_136 : i32
          %dma_start3A_138 = arith.constant 0 : i32
          %dma_start3A_139 = tpu.memref_slice %arg6[%add3A_137, %dma_start3A_138] : memref<40x128xi32, #tpu.memory_space<vmem>> -> memref<1x128xi32, #tpu.memory_space<vmem>>
          %dma_start3A_140 = tpu.memref_squeeze %dma_start3A_139 : memref<1x128xi32, #tpu.memory_space<vmem>> -> memref<128xi32, #tpu.memory_space<vmem>>
          %dma_start3A_141 = arith.constant 0 : i32
          %dma_start3A_142 = arith.constant 0 : i32
          %dma_start3A_143 = tpu.memref_slice %arg2[%dma_start3A_141, %dma_start3A_142] : memref<10240x128xf32, #tpu.memory_space<hbm>> -> memref<10240x128xf32, #tpu.memory_space<hbm>>
          tpu.enqueue_indirect_dma source(%dma_start3A_143 : memref<10240x128xf32, #tpu.memory_space<hbm>>) target(%arg8 : memref<128x128xf32, #tpu.memory_space<vmem>>) offsets(%dma_start3A_140 : memref<128xi32, #tpu.memory_space<vmem>>) semaphore(%arg10 : memref<!tpu.dma_semaphore, #tpu.memory_space<semaphore_mem>>)
        } else {
        }
        %add3A_122 = arith.constant 3 : i32
        %add3A_123 = arith.addi %mul3A_87, %add3A_122 : i32
        %lt3A_124 = arith.constant 40 : i32
        %lt3A_125 = arith.cmpi slt, %add3A_123, %lt3A_124 : i32
        %convert_element_type3A_126 = arith.extui %lt3A_125 : i1 to i32
        %cond3A_127 = arith.constant 0 : i32
        %cond3A_128 = arith.cmpi ne, %convert_element_type3A_126, %cond3A_127 : i32
        scf.if %cond3A_128 {
          %dma_wait3A_129 = arith.constant 0 : i32
          %dma_wait3A_130 = arith.constant 0 : i32
          %dma_wait3A_131 = tpu.memref_slice %arg7[%dma_wait3A_129, %dma_wait3A_130] : memref<40x128xi32, #tpu.memory_space<vmem>> -> memref<1x128xi32, #tpu.memory_space<vmem>>
          %dma_wait3A_132 = tpu.memref_squeeze %dma_wait3A_131 : memref<1x128xi32, #tpu.memory_space<vmem>> -> memref<128xi32, #tpu.memory_space<vmem>>
          %dma_wait3A_133 = arith.constant 0 : i32
          %dma_wait3A_134 = arith.constant 0 : i32
          %dma_wait3A_135 = tpu.memref_slice %arg14[%dma_wait3A_133, %dma_wait3A_134] : memref<10240x128xf32, #tpu.memory_space<vmem_shared>> -> memref<10240x128xf32, #tpu.memory_space<vmem_shared>>
          tpu.wait_indirect_dma semaphore(%arg13 : memref<!tpu.dma_semaphore, #tpu.memory_space<semaphore_mem>>) src(%arg9 : memref<128x128xf32, #tpu.memory_space<vmem>>) dst(%dma_wait3A_135 : memref<10240x128xf32, #tpu.memory_space<vmem_shared>>)
          %add3A_136 = arith.constant 3 : i32
          %add3A_137 = arith.addi %mul3A_87, %add3A_136 : i32
          %dma_start3A_138 = arith.constant 0 : i32
          %dma_start3A_139 = tpu.memref_slice %arg6[%add3A_137, %dma_start3A_138] : memref<40x128xi32, #tpu.memory_space<vmem>> -> memref<1x128xi32, #tpu.memory_space<vmem>>
          %dma_start3A_140 = tpu.memref_squeeze %dma_start3A_139 : memref<1x128xi32, #tpu.memory_space<vmem>> -> memref<128xi32, #tpu.memory_space<vmem>>
          %dma_start3A_141 = arith.constant 0 : i32
          %dma_start3A_142 = arith.constant 0 : i32
          %dma_start3A_143 = tpu.memref_slice %arg2[%dma_start3A_141, %dma_start3A_142] : memref<10240x128xf32, #tpu.memory_space<hbm>> -> memref<10240x128xf32, #tpu.memory_space<hbm>>
          tpu.enqueue_indirect_dma source(%dma_start3A_143 : memref<10240x128xf32, #tpu.memory_space<hbm>>) target(%arg9 : memref<128x128xf32, #tpu.memory_space<vmem>>) offsets(%dma_start3A_140 : memref<128xi32, #tpu.memory_space<vmem>>) semaphore(%arg11 : memref<!tpu.dma_semaphore, #tpu.memory_space<semaphore_mem>>)
        } else {
        }
      }
      %scan3A_33 = arith.constant 20 : i32
      %dma_wait3A = arith.constant 0 : i32
      %dma_wait3A_34 = arith.constant 0 : i32
      %dma_wait3A_35 = tpu.memref_slice %arg7[%dma_wait3A, %dma_wait3A_34] : memref<40x128xi32, #tpu.memory_space<vmem>> -> memref<1x128xi32, #tpu.memory_space<vmem>>
      %dma_wait3A_36 = tpu.memref_squeeze %dma_wait3A_35 : memref<1x128xi32, #tpu.memory_space<vmem>> -> memref<128xi32, #tpu.memory_space<vmem>>
      %dma_wait3A_37 = arith.constant 0 : i32
      %dma_wait3A_38 = arith.constant 0 : i32
      %dma_wait3A_39 = tpu.memref_slice %arg14[%dma_wait3A_37, %dma_wait3A_38] : memref<10240x128xf32, #tpu.memory_space<vmem_shared>> -> memref<10240x128xf32, #tpu.memory_space<vmem_shared>>
      tpu.wait_indirect_dma semaphore(%arg12 : memref<!tpu.dma_semaphore, #tpu.memory_space<semaphore_mem>>) src(%arg8 : memref<128x128xf32, #tpu.memory_space<vmem>>) dst(%dma_wait3A_39 : memref<10240x128xf32, #tpu.memory_space<vmem_shared>>)
      %dma_wait3A_40 = arith.constant 0 : i32
      %dma_wait3A_41 = arith.constant 0 : i32
      %dma_wait3A_42 = tpu.memref_slice %arg7[%dma_wait3A_40, %dma_wait3A_41] : memref<40x128xi32, #tpu.memory_space<vmem>> -> memref<1x128xi32, #tpu.memory_space<vmem>>
      %dma_wait3A_43 = tpu.memref_squeeze %dma_wait3A_42 : memref<1x128xi32, #tpu.memory_space<vmem>> -> memref<128xi32, #tpu.memory_space<vmem>>
      %dma_wait3A_44 = arith.constant 0 : i32
      %dma_wait3A_45 = arith.constant 0 : i32
      %dma_wait3A_46 = tpu.memref_slice %arg14[%dma_wait3A_44, %dma_wait3A_45] : memref<10240x128xf32, #tpu.memory_space<vmem_shared>> -> memref<10240x128xf32, #tpu.memory_space<vmem_shared>>
      tpu.wait_indirect_dma semaphore(%arg13 : memref<!tpu.dma_semaphore, #tpu.memory_space<semaphore_mem>>) src(%arg9 : memref<128x128xf32, #tpu.memory_space<vmem>>) dst(%dma_wait3A_46 : memref<10240x128xf32, #tpu.memory_space<vmem_shared>>)
      %add3A_47 = arith.constant 40 : i32
      %add3A_48 = arith.addi %mul3A_12, %add3A_47 : i32
      %run_scoped3A_49 = arith.constant 0 : i32
      "tpu.region"() ({
        %run_scoped3A_85 = tpu.sem_alloc : memref<!tpu.dma_semaphore, #tpu.memory_space<semaphore_mem>>
        %dma_start3A_86 = arith.constant 0 : i32
        %dma_start3A_87 = tpu.memref_slice %arg3[%run_scoped3A_49, %add3A_48, %dma_start3A_86] : memref<2x2560x128xi32, #tpu.memory_space<hbm>> -> memref<1x40x128xi32, #tpu.memory_space<hbm>>
        %dma_start3A_88 = tpu.memref_squeeze %dma_start3A_87 : memref<1x40x128xi32, #tpu.memory_space<hbm>> -> memref<40x128xi32, #tpu.memory_space<hbm>>
        %dma_start3A_89 = arith.constant 0 : i32
        %dma_start3A_90 = tpu.memref_slice %arg3[%run_scoped3A_49, %add3A_48, %dma_start3A_89] : memref<2x2560x128xi32, #tpu.memory_space<hbm>> -> memref<1x40x128xi32, #tpu.memory_space<hbm>>
        %dma_start3A_91 = tpu.memref_squeeze %dma_start3A_90 : memref<1x40x128xi32, #tpu.memory_space<hbm>> -> memref<40x128xi32, #tpu.memory_space<hbm>>
        tpu.enqueue_dma source(%dma_start3A_91 : memref<40x128xi32, #tpu.memory_space<hbm>>) target(%arg6 : memref<40x128xi32, #tpu.memory_space<vmem>>) target_semaphore(%run_scoped3A_85 : memref<!tpu.dma_semaphore, #tpu.memory_space<semaphore_mem>>)
        %dma_wait3A_92 = arith.constant 0 : i32
        %dma_wait3A_93 = tpu.memref_slice %arg3[%run_scoped3A_49, %add3A_48, %dma_wait3A_92] : memref<2x2560x128xi32, #tpu.memory_space<hbm>> -> memref<1x40x128xi32, #tpu.memory_space<hbm>>
        %dma_wait3A_94 = tpu.memref_squeeze %dma_wait3A_93 : memref<1x40x128xi32, #tpu.memory_space<hbm>> -> memref<40x128xi32, #tpu.memory_space<hbm>>
        %dma_wait3A_95 = arith.constant 0 : i32
        %dma_wait3A_96 = tpu.memref_slice %arg3[%run_scoped3A_49, %add3A_48, %dma_wait3A_95] : memref<2x2560x128xi32, #tpu.memory_space<hbm>> -> memref<1x40x128xi32, #tpu.memory_space<hbm>>
        %dma_wait3A_97 = tpu.memref_squeeze %dma_wait3A_96 : memref<1x40x128xi32, #tpu.memory_space<hbm>> -> memref<40x128xi32, #tpu.memory_space<hbm>>
        tpu.wait_dma2 semaphore(%run_scoped3A_85 : memref<!tpu.dma_semaphore, #tpu.memory_space<semaphore_mem>>) src(%dma_wait3A_97 : memref<40x128xi32, #tpu.memory_space<hbm>>) dst(%arg6 : memref<40x128xi32, #tpu.memory_space<vmem>>)
        tpu.yield
      }) : () -> ()
      %run_scoped3A_50 = arith.constant 1 : i32
      "tpu.region"() ({
        %run_scoped3A_85 = tpu.sem_alloc : memref<!tpu.dma_semaphore, #tpu.memory_space<semaphore_mem>>
        %dma_start3A_86 = arith.constant 0 : i32
        %dma_start3A_87 = tpu.memref_slice %arg3[%run_scoped3A_50, %add3A_48, %dma_start3A_86] : memref<2x2560x128xi32, #tpu.memory_space<hbm>> -> memref<1x40x128xi32, #tpu.memory_space<hbm>>
        %dma_start3A_88 = tpu.memref_squeeze %dma_start3A_87 : memref<1x40x128xi32, #tpu.memory_space<hbm>> -> memref<40x128xi32, #tpu.memory_space<hbm>>
        %dma_start3A_89 = arith.constant 0 : i32
        %dma_start3A_90 = tpu.memref_slice %arg3[%run_scoped3A_50, %add3A_48, %dma_start3A_89] : memref<2x2560x128xi32, #tpu.memory_space<hbm>> -> memref<1x40x128xi32, #tpu.memory_space<hbm>>
        %dma_start3A_91 = tpu.memref_squeeze %dma_start3A_90 : memref<1x40x128xi32, #tpu.memory_space<hbm>> -> memref<40x128xi32, #tpu.memory_space<hbm>>
        tpu.enqueue_dma source(%dma_start3A_91 : memref<40x128xi32, #tpu.memory_space<hbm>>) target(%arg7 : memref<40x128xi32, #tpu.memory_space<vmem>>) target_semaphore(%run_scoped3A_85 : memref<!tpu.dma_semaphore, #tpu.memory_space<semaphore_mem>>)
        %dma_wait3A_92 = arith.constant 0 : i32
        %dma_wait3A_93 = tpu.memref_slice %arg3[%run_scoped3A_50, %add3A_48, %dma_wait3A_92] : memref<2x2560x128xi32, #tpu.memory_space<hbm>> -> memref<1x40x128xi32, #tpu.memory_space<hbm>>
        %dma_wait3A_94 = tpu.memref_squeeze %dma_wait3A_93 : memref<1x40x128xi32, #tpu.memory_space<hbm>> -> memref<40x128xi32, #tpu.memory_space<hbm>>
        %dma_wait3A_95 = arith.constant 0 : i32
        %dma_wait3A_96 = tpu.memref_slice %arg3[%run_scoped3A_50, %add3A_48, %dma_wait3A_95] : memref<2x2560x128xi32, #tpu.memory_space<hbm>> -> memref<1x40x128xi32, #tpu.memory_space<hbm>>
        %dma_wait3A_97 = tpu.memref_squeeze %dma_wait3A_96 : memref<1x40x128xi32, #tpu.memory_space<hbm>> -> memref<40x128xi32, #tpu.memory_space<hbm>>
        tpu.wait_dma2 semaphore(%run_scoped3A_85 : memref<!tpu.dma_semaphore, #tpu.memory_space<semaphore_mem>>) src(%dma_wait3A_97 : memref<40x128xi32, #tpu.memory_space<hbm>>) dst(%arg7 : memref<40x128xi32, #tpu.memory_space<vmem>>)
        tpu.yield
      }) : () -> ()
      %dma_start3A_51 = arith.constant 0 : i32
      %dma_start3A_52 = arith.constant 0 : i32
      %dma_start3A_53 = tpu.memref_slice %arg6[%dma_start3A_51, %dma_start3A_52] : memref<40x128xi32, #tpu.memory_space<vmem>> -> memref<1x128xi32, #tpu.memory_space<vmem>>
      %dma_start3A_54 = tpu.memref_squeeze %dma_start3A_53 : memref<1x128xi32, #tpu.memory_space<vmem>> -> memref<128xi32, #tpu.memory_space<vmem>>
      %dma_start3A_55 = arith.constant 0 : i32
      %dma_start3A_56 = arith.constant 0 : i32
      %dma_start3A_57 = tpu.memref_slice %arg2[%dma_start3A_55, %dma_start3A_56] : memref<10240x128xf32, #tpu.memory_space<hbm>> -> memref<10240x128xf32, #tpu.memory_space<hbm>>
      tpu.enqueue_indirect_dma source(%dma_start3A_57 : memref<10240x128xf32, #tpu.memory_space<hbm>>) target(%arg8 : memref<128x128xf32, #tpu.memory_space<vmem>>) offsets(%dma_start3A_54 : memref<128xi32, #tpu.memory_space<vmem>>) semaphore(%arg10 : memref<!tpu.dma_semaphore, #tpu.memory_space<semaphore_mem>>)
      %dma_start3A_58 = arith.constant 1 : i32
      %dma_start3A_59 = arith.constant 0 : i32
      %dma_start3A_60 = tpu.memref_slice %arg6[%dma_start3A_58, %dma_start3A_59] : memref<40x128xi32, #tpu.memory_space<vmem>> -> memref<1x128xi32, #tpu.memory_space<vmem>>
      %dma_start3A_61 = tpu.memref_squeeze %dma_start3A_60 : memref<1x128xi32, #tpu.memory_space<vmem>> -> memref<128xi32, #tpu.memory_space<vmem>>
      %dma_start3A_62 = arith.constant 0 : i32
      %dma_start3A_63 = arith.constant 0 : i32
      %dma_start3A_64 = tpu.memref_slice %arg2[%dma_start3A_62, %dma_start3A_63] : memref<10240x128xf32, #tpu.memory_space<hbm>> -> memref<10240x128xf32, #tpu.memory_space<hbm>>
      tpu.enqueue_indirect_dma source(%dma_start3A_64 : memref<10240x128xf32, #tpu.memory_space<hbm>>) target(%arg9 : memref<128x128xf32, #tpu.memory_space<vmem>>) offsets(%dma_start3A_61 : memref<128xi32, #tpu.memory_space<vmem>>) semaphore(%arg11 : memref<!tpu.dma_semaphore, #tpu.memory_space<semaphore_mem>>)
      %scan3A_65 = arith.constant 0 : i32
      %scan3A_66 = arith.constant 0 : i32
      %scan3A_67 = arith.constant 20 : i32
      %scan3A_68 = arith.addi %scan3A_66, %scan3A_67 : i32
      %scan3A_69 = arith.constant 1 : i32
      scf.for %scan3A_85 = %scan3A_66 to %scan3A_68 step %scan3A_69  : i32 {
        %mul3A_86 = arith.constant 2 : i32
        %mul3A_87 = arith.muli %scan3A_85, %mul3A_86 : i32
        %dma_wait3A_88 = arith.constant 0 : i32
        %dma_wait3A_89 = tpu.memref_slice %arg6[%mul3A_87, %dma_wait3A_88] : memref<40x128xi32, #tpu.memory_space<vmem>> -> memref<1x128xi32, #tpu.memory_space<vmem>>
        %dma_wait3A_90 = tpu.memref_squeeze %dma_wait3A_89 : memref<1x128xi32, #tpu.memory_space<vmem>> -> memref<128xi32, #tpu.memory_space<vmem>>
        %dma_wait3A_91 = arith.constant 0 : i32
        %dma_wait3A_92 = arith.constant 0 : i32
        %dma_wait3A_93 = tpu.memref_slice %arg2[%dma_wait3A_91, %dma_wait3A_92] : memref<10240x128xf32, #tpu.memory_space<hbm>> -> memref<10240x128xf32, #tpu.memory_space<hbm>>
        tpu.wait_indirect_dma semaphore(%arg10 : memref<!tpu.dma_semaphore, #tpu.memory_space<semaphore_mem>>) src(%dma_wait3A_93 : memref<10240x128xf32, #tpu.memory_space<hbm>>) dst(%arg8 : memref<128x128xf32, #tpu.memory_space<vmem>>)
        %dma_start3A_94 = arith.constant 0 : i32
        %dma_start3A_95 = tpu.memref_slice %arg7[%mul3A_87, %dma_start3A_94] : memref<40x128xi32, #tpu.memory_space<vmem>> -> memref<1x128xi32, #tpu.memory_space<vmem>>
        %dma_start3A_96 = tpu.memref_squeeze %dma_start3A_95 : memref<1x128xi32, #tpu.memory_space<vmem>> -> memref<128xi32, #tpu.memory_space<vmem>>
        %dma_start3A_97 = arith.constant 0 : i32
        %dma_start3A_98 = arith.constant 0 : i32
        %dma_start3A_99 = tpu.memref_slice %arg14[%dma_start3A_97, %dma_start3A_98] : memref<10240x128xf32, #tpu.memory_space<vmem_shared>> -> memref<10240x128xf32, #tpu.memory_space<vmem_shared>>
        tpu.enqueue_indirect_dma source(%arg8 : memref<128x128xf32, #tpu.memory_space<vmem>>) target(%dma_start3A_99 : memref<10240x128xf32, #tpu.memory_space<vmem_shared>>) offsets(%dma_start3A_96 : memref<128xi32, #tpu.memory_space<vmem>>) semaphore(%arg12 : memref<!tpu.dma_semaphore, #tpu.memory_space<semaphore_mem>>) {add = true}
        %add3A_100 = arith.constant 1 : i32
        %add3A_101 = arith.addi %mul3A_87, %add3A_100 : i32
        %dma_wait3A_102 = arith.constant 0 : i32
        %dma_wait3A_103 = tpu.memref_slice %arg6[%add3A_101, %dma_wait3A_102] : memref<40x128xi32, #tpu.memory_space<vmem>> -> memref<1x128xi32, #tpu.memory_space<vmem>>
        %dma_wait3A_104 = tpu.memref_squeeze %dma_wait3A_103 : memref<1x128xi32, #tpu.memory_space<vmem>> -> memref<128xi32, #tpu.memory_space<vmem>>
        %dma_wait3A_105 = arith.constant 0 : i32
        %dma_wait3A_106 = arith.constant 0 : i32
        %dma_wait3A_107 = tpu.memref_slice %arg2[%dma_wait3A_105, %dma_wait3A_106] : memref<10240x128xf32, #tpu.memory_space<hbm>> -> memref<10240x128xf32, #tpu.memory_space<hbm>>
        tpu.wait_indirect_dma semaphore(%arg11 : memref<!tpu.dma_semaphore, #tpu.memory_space<semaphore_mem>>) src(%dma_wait3A_107 : memref<10240x128xf32, #tpu.memory_space<hbm>>) dst(%arg9 : memref<128x128xf32, #tpu.memory_space<vmem>>)
        %add3A_108 = arith.constant 1 : i32
        %add3A_109 = arith.addi %mul3A_87, %add3A_108 : i32
        %dma_start3A_110 = arith.constant 0 : i32
        %dma_start3A_111 = tpu.memref_slice %arg7[%add3A_109, %dma_start3A_110] : memref<40x128xi32, #tpu.memory_space<vmem>> -> memref<1x128xi32, #tpu.memory_space<vmem>>
        %dma_start3A_112 = tpu.memref_squeeze %dma_start3A_111 : memref<1x128xi32, #tpu.memory_space<vmem>> -> memref<128xi32, #tpu.memory_space<vmem>>
        %dma_start3A_113 = arith.constant 0 : i32
        %dma_start3A_114 = arith.constant 0 : i32
        %dma_start3A_115 = tpu.memref_slice %arg14[%dma_start3A_113, %dma_start3A_114] : memref<10240x128xf32, #tpu.memory_space<vmem_shared>> -> memref<10240x128xf32, #tpu.memory_space<vmem_shared>>
        tpu.enqueue_indirect_dma source(%arg9 : memref<128x128xf32, #tpu.memory_space<vmem>>) target(%dma_start3A_115 : memref<10240x128xf32, #tpu.memory_space<vmem_shared>>) offsets(%dma_start3A_112 : memref<128xi32, #tpu.memory_space<vmem>>) semaphore(%arg13 : memref<!tpu.dma_semaphore, #tpu.memory_space<semaphore_mem>>) {add = true}
        %add3A_116 = arith.constant 2 : i32
        %add3A_117 = arith.addi %mul3A_87, %add3A_116 : i32
        %lt3A = arith.constant 40 : i32
        %lt3A_118 = arith.cmpi slt, %add3A_117, %lt3A : i32
        %convert_element_type3A_119 = arith.extui %lt3A_118 : i1 to i32
        %cond3A_120 = arith.constant 0 : i32
        %cond3A_121 = arith.cmpi ne, %convert_element_type3A_119, %cond3A_120 : i32
        scf.if %cond3A_121 {
          %dma_wait3A_129 = arith.constant 0 : i32
          %dma_wait3A_130 = arith.constant 0 : i32
          %dma_wait3A_131 = tpu.memref_slice %arg7[%dma_wait3A_129, %dma_wait3A_130] : memref<40x128xi32, #tpu.memory_space<vmem>> -> memref<1x128xi32, #tpu.memory_space<vmem>>
          %dma_wait3A_132 = tpu.memref_squeeze %dma_wait3A_131 : memref<1x128xi32, #tpu.memory_space<vmem>> -> memref<128xi32, #tpu.memory_space<vmem>>
          %dma_wait3A_133 = arith.constant 0 : i32
          %dma_wait3A_134 = arith.constant 0 : i32
          %dma_wait3A_135 = tpu.memref_slice %arg14[%dma_wait3A_133, %dma_wait3A_134] : memref<10240x128xf32, #tpu.memory_space<vmem_shared>> -> memref<10240x128xf32, #tpu.memory_space<vmem_shared>>
          tpu.wait_indirect_dma semaphore(%arg12 : memref<!tpu.dma_semaphore, #tpu.memory_space<semaphore_mem>>) src(%arg8 : memref<128x128xf32, #tpu.memory_space<vmem>>) dst(%dma_wait3A_135 : memref<10240x128xf32, #tpu.memory_space<vmem_shared>>)
          %add3A_136 = arith.constant 2 : i32
          %add3A_137 = arith.addi %mul3A_87, %add3A_136 : i32
          %dma_start3A_138 = arith.constant 0 : i32
          %dma_start3A_139 = tpu.memref_slice %arg6[%add3A_137, %dma_start3A_138] : memref<40x128xi32, #tpu.memory_space<vmem>> -> memref<1x128xi32, #tpu.memory_space<vmem>>
          %dma_start3A_140 = tpu.memref_squeeze %dma_start3A_139 : memref<1x128xi32, #tpu.memory_space<vmem>> -> memref<128xi32, #tpu.memory_space<vmem>>
          %dma_start3A_141 = arith.constant 0 : i32
          %dma_start3A_142 = arith.constant 0 : i32
          %dma_start3A_143 = tpu.memref_slice %arg2[%dma_start3A_141, %dma_start3A_142] : memref<10240x128xf32, #tpu.memory_space<hbm>> -> memref<10240x128xf32, #tpu.memory_space<hbm>>
          tpu.enqueue_indirect_dma source(%dma_start3A_143 : memref<10240x128xf32, #tpu.memory_space<hbm>>) target(%arg8 : memref<128x128xf32, #tpu.memory_space<vmem>>) offsets(%dma_start3A_140 : memref<128xi32, #tpu.memory_space<vmem>>) semaphore(%arg10 : memref<!tpu.dma_semaphore, #tpu.memory_space<semaphore_mem>>)
        } else {
        }
        %add3A_122 = arith.constant 3 : i32
        %add3A_123 = arith.addi %mul3A_87, %add3A_122 : i32
        %lt3A_124 = arith.constant 40 : i32
        %lt3A_125 = arith.cmpi slt, %add3A_123, %lt3A_124 : i32
        %convert_element_type3A_126 = arith.extui %lt3A_125 : i1 to i32
        %cond3A_127 = arith.constant 0 : i32
        %cond3A_128 = arith.cmpi ne, %convert_element_type3A_126, %cond3A_127 : i32
        scf.if %cond3A_128 {
          %dma_wait3A_129 = arith.constant 0 : i32
          %dma_wait3A_130 = arith.constant 0 : i32
          %dma_wait3A_131 = tpu.memref_slice %arg7[%dma_wait3A_129, %dma_wait3A_130] : memref<40x128xi32, #tpu.memory_space<vmem>> -> memref<1x128xi32, #tpu.memory_space<vmem>>
          %dma_wait3A_132 = tpu.memref_squeeze %dma_wait3A_131 : memref<1x128xi32, #tpu.memory_space<vmem>> -> memref<128xi32, #tpu.memory_space<vmem>>
          %dma_wait3A_133 = arith.constant 0 : i32
          %dma_wait3A_134 = arith.constant 0 : i32
          %dma_wait3A_135 = tpu.memref_slice %arg14[%dma_wait3A_133, %dma_wait3A_134] : memref<10240x128xf32, #tpu.memory_space<vmem_shared>> -> memref<10240x128xf32, #tpu.memory_space<vmem_shared>>
          tpu.wait_indirect_dma semaphore(%arg13 : memref<!tpu.dma_semaphore, #tpu.memory_space<semaphore_mem>>) src(%arg9 : memref<128x128xf32, #tpu.memory_space<vmem>>) dst(%dma_wait3A_135 : memref<10240x128xf32, #tpu.memory_space<vmem_shared>>)
          %add3A_136 = arith.constant 3 : i32
          %add3A_137 = arith.addi %mul3A_87, %add3A_136 : i32
          %dma_start3A_138 = arith.constant 0 : i32
          %dma_start3A_139 = tpu.memref_slice %arg6[%add3A_137, %dma_start3A_138] : memref<40x128xi32, #tpu.memory_space<vmem>> -> memref<1x128xi32, #tpu.memory_space<vmem>>
          %dma_start3A_140 = tpu.memref_squeeze %dma_start3A_139 : memref<1x128xi32, #tpu.memory_space<vmem>> -> memref<128xi32, #tpu.memory_space<vmem>>
          %dma_start3A_141 = arith.constant 0 : i32
          %dma_start3A_142 = arith.constant 0 : i32
          %dma_start3A_143 = tpu.memref_slice %arg2[%dma_start3A_141, %dma_start3A_142] : memref<10240x128xf32, #tpu.memory_space<hbm>> -> memref<10240x128xf32, #tpu.memory_space<hbm>>
          tpu.enqueue_indirect_dma source(%dma_start3A_143 : memref<10240x128xf32, #tpu.memory_space<hbm>>) target(%arg9 : memref<128x128xf32, #tpu.memory_space<vmem>>) offsets(%dma_start3A_140 : memref<128xi32, #tpu.memory_space<vmem>>) semaphore(%arg11 : memref<!tpu.dma_semaphore, #tpu.memory_space<semaphore_mem>>)
        } else {
        }
      }
      %scan3A_70 = arith.constant 20 : i32
      %dma_wait3A_71 = arith.constant 0 : i32
      %dma_wait3A_72 = arith.constant 0 : i32
      %dma_wait3A_73 = tpu.memref_slice %arg7[%dma_wait3A_71, %dma_wait3A_72] : memref<40x128xi32, #tpu.memory_space<vmem>> -> memref<1x128xi32, #tpu.memory_space<vmem>>
      %dma_wait3A_74 = tpu.memref_squeeze %dma_wait3A_73 : memref<1x128xi32, #tpu.memory_space<vmem>> -> memref<128xi32, #tpu.memory_space<vmem>>
      %dma_wait3A_75 = arith.constant 0 : i32
      %dma_wait3A_76 = arith.constant 0 : i32
      %dma_wait3A_77 = tpu.memref_slice %arg14[%dma_wait3A_75, %dma_wait3A_76] : memref<10240x128xf32, #tpu.memory_space<vmem_shared>> -> memref<10240x128xf32, #tpu.memory_space<vmem_shared>>
      tpu.wait_indirect_dma semaphore(%arg12 : memref<!tpu.dma_semaphore, #tpu.memory_space<semaphore_mem>>) src(%arg8 : memref<128x128xf32, #tpu.memory_space<vmem>>) dst(%dma_wait3A_77 : memref<10240x128xf32, #tpu.memory_space<vmem_shared>>)
      %dma_wait3A_78 = arith.constant 0 : i32
      %dma_wait3A_79 = arith.constant 0 : i32
      %dma_wait3A_80 = tpu.memref_slice %arg7[%dma_wait3A_78, %dma_wait3A_79] : memref<40x128xi32, #tpu.memory_space<vmem>> -> memref<1x128xi32, #tpu.memory_space<vmem>>
      %dma_wait3A_81 = tpu.memref_squeeze %dma_wait3A_80 : memref<1x128xi32, #tpu.memory_space<vmem>> -> memref<128xi32, #tpu.memory_space<vmem>>
      %dma_wait3A_82 = arith.constant 0 : i32
      %dma_wait3A_83 = arith.constant 0 : i32
      %dma_wait3A_84 = tpu.memref_slice %arg14[%dma_wait3A_82, %dma_wait3A_83] : memref<10240x128xf32, #tpu.memory_space<vmem_shared>> -> memref<10240x128xf32, #tpu.memory_space<vmem_shared>>
      tpu.wait_indirect_dma semaphore(%arg13 : memref<!tpu.dma_semaphore, #tpu.memory_space<semaphore_mem>>) src(%arg9 : memref<128x128xf32, #tpu.memory_space<vmem>>) dst(%dma_wait3A_84 : memref<10240x128xf32, #tpu.memory_space<vmem_shared>>)
    } else {
    }
    %eq3A_5 = arith.constant 1 : i32
    %eq3A_6 = arith.cmpi eq, %arg0, %eq3A_5 : i32
    %convert_element_type3A_7 = arith.extui %eq3A_6 : i1 to i32
    %cond3A_8 = arith.constant 0 : i32
    %cond3A_9 = arith.cmpi ne, %convert_element_type3A_7, %cond3A_8 : i32
    scf.if %cond3A_9 {
      %mul3A_11 = arith.constant 80 : i32
      %mul3A_12 = arith.muli %arg1, %mul3A_11 : i32
      %add3A_13 = arith.constant 1280 : i32
      %add3A_14 = arith.addi %add3A_13, %mul3A_12 : i32
      %add3A_15 = arith.constant 0 : i32
      %add3A_16 = arith.addi %add3A_14, %add3A_15 : i32
      %run_scoped3A = arith.constant 0 : i32
      "tpu.region"() ({
        %run_scoped3A_87 = tpu.sem_alloc : memref<!tpu.dma_semaphore, #tpu.memory_space<semaphore_mem>>
        %dma_start3A_88 = arith.constant 0 : i32
        %dma_start3A_89 = tpu.memref_slice %arg3[%run_scoped3A, %add3A_16, %dma_start3A_88] : memref<2x2560x128xi32, #tpu.memory_space<hbm>> -> memref<1x40x128xi32, #tpu.memory_space<hbm>>
        %dma_start3A_90 = tpu.memref_squeeze %dma_start3A_89 : memref<1x40x128xi32, #tpu.memory_space<hbm>> -> memref<40x128xi32, #tpu.memory_space<hbm>>
        %dma_start3A_91 = arith.constant 0 : i32
        %dma_start3A_92 = tpu.memref_slice %arg3[%run_scoped3A, %add3A_16, %dma_start3A_91] : memref<2x2560x128xi32, #tpu.memory_space<hbm>> -> memref<1x40x128xi32, #tpu.memory_space<hbm>>
        %dma_start3A_93 = tpu.memref_squeeze %dma_start3A_92 : memref<1x40x128xi32, #tpu.memory_space<hbm>> -> memref<40x128xi32, #tpu.memory_space<hbm>>
        tpu.enqueue_dma source(%dma_start3A_93 : memref<40x128xi32, #tpu.memory_space<hbm>>) target(%arg6 : memref<40x128xi32, #tpu.memory_space<vmem>>) target_semaphore(%run_scoped3A_87 : memref<!tpu.dma_semaphore, #tpu.memory_space<semaphore_mem>>)
        %dma_wait3A_94 = arith.constant 0 : i32
        %dma_wait3A_95 = tpu.memref_slice %arg3[%run_scoped3A, %add3A_16, %dma_wait3A_94] : memref<2x2560x128xi32, #tpu.memory_space<hbm>> -> memref<1x40x128xi32, #tpu.memory_space<hbm>>
        %dma_wait3A_96 = tpu.memref_squeeze %dma_wait3A_95 : memref<1x40x128xi32, #tpu.memory_space<hbm>> -> memref<40x128xi32, #tpu.memory_space<hbm>>
        %dma_wait3A_97 = arith.constant 0 : i32
        %dma_wait3A_98 = tpu.memref_slice %arg3[%run_scoped3A, %add3A_16, %dma_wait3A_97] : memref<2x2560x128xi32, #tpu.memory_space<hbm>> -> memref<1x40x128xi32, #tpu.memory_space<hbm>>
        %dma_wait3A_99 = tpu.memref_squeeze %dma_wait3A_98 : memref<1x40x128xi32, #tpu.memory_space<hbm>> -> memref<40x128xi32, #tpu.memory_space<hbm>>
        tpu.wait_dma2 semaphore(%run_scoped3A_87 : memref<!tpu.dma_semaphore, #tpu.memory_space<semaphore_mem>>) src(%dma_wait3A_99 : memref<40x128xi32, #tpu.memory_space<hbm>>) dst(%arg6 : memref<40x128xi32, #tpu.memory_space<vmem>>)
        tpu.yield
      }) : () -> ()
      %run_scoped3A_17 = arith.constant 1 : i32
      "tpu.region"() ({
        %run_scoped3A_87 = tpu.sem_alloc : memref<!tpu.dma_semaphore, #tpu.memory_space<semaphore_mem>>
        %dma_start3A_88 = arith.constant 0 : i32
        %dma_start3A_89 = tpu.memref_slice %arg3[%run_scoped3A_17, %add3A_16, %dma_start3A_88] : memref<2x2560x128xi32, #tpu.memory_space<hbm>> -> memref<1x40x128xi32, #tpu.memory_space<hbm>>
        %dma_start3A_90 = tpu.memref_squeeze %dma_start3A_89 : memref<1x40x128xi32, #tpu.memory_space<hbm>> -> memref<40x128xi32, #tpu.memory_space<hbm>>
        %dma_start3A_91 = arith.constant 0 : i32
        %dma_start3A_92 = tpu.memref_slice %arg3[%run_scoped3A_17, %add3A_16, %dma_start3A_91] : memref<2x2560x128xi32, #tpu.memory_space<hbm>> -> memref<1x40x128xi32, #tpu.memory_space<hbm>>
        %dma_start3A_93 = tpu.memref_squeeze %dma_start3A_92 : memref<1x40x128xi32, #tpu.memory_space<hbm>> -> memref<40x128xi32, #tpu.memory_space<hbm>>
        tpu.enqueue_dma source(%dma_start3A_93 : memref<40x128xi32, #tpu.memory_space<hbm>>) target(%arg7 : memref<40x128xi32, #tpu.memory_space<vmem>>) target_semaphore(%run_scoped3A_87 : memref<!tpu.dma_semaphore, #tpu.memory_space<semaphore_mem>>)
        %dma_wait3A_94 = arith.constant 0 : i32
        %dma_wait3A_95 = tpu.memref_slice %arg3[%run_scoped3A_17, %add3A_16, %dma_wait3A_94] : memref<2x2560x128xi32, #tpu.memory_space<hbm>> -> memref<1x40x128xi32, #tpu.memory_space<hbm>>
        %dma_wait3A_96 = tpu.memref_squeeze %dma_wait3A_95 : memref<1x40x128xi32, #tpu.memory_space<hbm>> -> memref<40x128xi32, #tpu.memory_space<hbm>>
        %dma_wait3A_97 = arith.constant 0 : i32
        %dma_wait3A_98 = tpu.memref_slice %arg3[%run_scoped3A_17, %add3A_16, %dma_wait3A_97] : memref<2x2560x128xi32, #tpu.memory_space<hbm>> -> memref<1x40x128xi32, #tpu.memory_space<hbm>>
        %dma_wait3A_99 = tpu.memref_squeeze %dma_wait3A_98 : memref<1x40x128xi32, #tpu.memory_space<hbm>> -> memref<40x128xi32, #tpu.memory_space<hbm>>
        tpu.wait_dma2 semaphore(%run_scoped3A_87 : memref<!tpu.dma_semaphore, #tpu.memory_space<semaphore_mem>>) src(%dma_wait3A_99 : memref<40x128xi32, #tpu.memory_space<hbm>>) dst(%arg7 : memref<40x128xi32, #tpu.memory_space<vmem>>)
        tpu.yield
      }) : () -> ()
      %dma_start3A = arith.constant 0 : i32
      %dma_start3A_18 = arith.constant 0 : i32
      %dma_start3A_19 = tpu.memref_slice %arg6[%dma_start3A, %dma_start3A_18] : memref<40x128xi32, #tpu.memory_space<vmem>> -> memref<1x128xi32, #tpu.memory_space<vmem>>
      %dma_start3A_20 = tpu.memref_squeeze %dma_start3A_19 : memref<1x128xi32, #tpu.memory_space<vmem>> -> memref<128xi32, #tpu.memory_space<vmem>>
      %dma_start3A_21 = arith.constant 0 : i32
      %dma_start3A_22 = arith.constant 0 : i32
      %dma_start3A_23 = tpu.memref_slice %arg2[%dma_start3A_21, %dma_start3A_22] : memref<10240x128xf32, #tpu.memory_space<hbm>> -> memref<10240x128xf32, #tpu.memory_space<hbm>>
      tpu.enqueue_indirect_dma source(%dma_start3A_23 : memref<10240x128xf32, #tpu.memory_space<hbm>>) target(%arg8 : memref<128x128xf32, #tpu.memory_space<vmem>>) offsets(%dma_start3A_20 : memref<128xi32, #tpu.memory_space<vmem>>) semaphore(%arg10 : memref<!tpu.dma_semaphore, #tpu.memory_space<semaphore_mem>>)
      %dma_start3A_24 = arith.constant 1 : i32
      %dma_start3A_25 = arith.constant 0 : i32
      %dma_start3A_26 = tpu.memref_slice %arg6[%dma_start3A_24, %dma_start3A_25] : memref<40x128xi32, #tpu.memory_space<vmem>> -> memref<1x128xi32, #tpu.memory_space<vmem>>
      %dma_start3A_27 = tpu.memref_squeeze %dma_start3A_26 : memref<1x128xi32, #tpu.memory_space<vmem>> -> memref<128xi32, #tpu.memory_space<vmem>>
      %dma_start3A_28 = arith.constant 0 : i32
      %dma_start3A_29 = arith.constant 0 : i32
      %dma_start3A_30 = tpu.memref_slice %arg2[%dma_start3A_28, %dma_start3A_29] : memref<10240x128xf32, #tpu.memory_space<hbm>> -> memref<10240x128xf32, #tpu.memory_space<hbm>>
      tpu.enqueue_indirect_dma source(%dma_start3A_30 : memref<10240x128xf32, #tpu.memory_space<hbm>>) target(%arg9 : memref<128x128xf32, #tpu.memory_space<vmem>>) offsets(%dma_start3A_27 : memref<128xi32, #tpu.memory_space<vmem>>) semaphore(%arg11 : memref<!tpu.dma_semaphore, #tpu.memory_space<semaphore_mem>>)
      %scan3A = arith.constant 0 : i32
      %scan3A_31 = arith.constant 0 : i32
      %scan3A_32 = arith.constant 20 : i32
      %scan3A_33 = arith.addi %scan3A_31, %scan3A_32 : i32
      %scan3A_34 = arith.constant 1 : i32
      scf.for %scan3A_87 = %scan3A_31 to %scan3A_33 step %scan3A_34  : i32 {
        %mul3A_88 = arith.constant 2 : i32
        %mul3A_89 = arith.muli %scan3A_87, %mul3A_88 : i32
        %dma_wait3A_90 = arith.constant 0 : i32
        %dma_wait3A_91 = tpu.memref_slice %arg6[%mul3A_89, %dma_wait3A_90] : memref<40x128xi32, #tpu.memory_space<vmem>> -> memref<1x128xi32, #tpu.memory_space<vmem>>
        %dma_wait3A_92 = tpu.memref_squeeze %dma_wait3A_91 : memref<1x128xi32, #tpu.memory_space<vmem>> -> memref<128xi32, #tpu.memory_space<vmem>>
        %dma_wait3A_93 = arith.constant 0 : i32
        %dma_wait3A_94 = arith.constant 0 : i32
        %dma_wait3A_95 = tpu.memref_slice %arg2[%dma_wait3A_93, %dma_wait3A_94] : memref<10240x128xf32, #tpu.memory_space<hbm>> -> memref<10240x128xf32, #tpu.memory_space<hbm>>
        tpu.wait_indirect_dma semaphore(%arg10 : memref<!tpu.dma_semaphore, #tpu.memory_space<semaphore_mem>>) src(%dma_wait3A_95 : memref<10240x128xf32, #tpu.memory_space<hbm>>) dst(%arg8 : memref<128x128xf32, #tpu.memory_space<vmem>>)
        %dma_start3A_96 = arith.constant 0 : i32
        %dma_start3A_97 = tpu.memref_slice %arg7[%mul3A_89, %dma_start3A_96] : memref<40x128xi32, #tpu.memory_space<vmem>> -> memref<1x128xi32, #tpu.memory_space<vmem>>
        %dma_start3A_98 = tpu.memref_squeeze %dma_start3A_97 : memref<1x128xi32, #tpu.memory_space<vmem>> -> memref<128xi32, #tpu.memory_space<vmem>>
        %dma_start3A_99 = arith.constant 0 : i32
        %dma_start3A_100 = arith.constant 0 : i32
        %dma_start3A_101 = tpu.memref_slice %arg14[%dma_start3A_99, %dma_start3A_100] : memref<10240x128xf32, #tpu.memory_space<vmem_shared>> -> memref<10240x128xf32, #tpu.memory_space<vmem_shared>>
        tpu.enqueue_indirect_dma source(%arg8 : memref<128x128xf32, #tpu.memory_space<vmem>>) target(%dma_start3A_101 : memref<10240x128xf32, #tpu.memory_space<vmem_shared>>) offsets(%dma_start3A_98 : memref<128xi32, #tpu.memory_space<vmem>>) semaphore(%arg12 : memref<!tpu.dma_semaphore, #tpu.memory_space<semaphore_mem>>) {add = true}
        %add3A_102 = arith.constant 1 : i32
        %add3A_103 = arith.addi %mul3A_89, %add3A_102 : i32
        %dma_wait3A_104 = arith.constant 0 : i32
        %dma_wait3A_105 = tpu.memref_slice %arg6[%add3A_103, %dma_wait3A_104] : memref<40x128xi32, #tpu.memory_space<vmem>> -> memref<1x128xi32, #tpu.memory_space<vmem>>
        %dma_wait3A_106 = tpu.memref_squeeze %dma_wait3A_105 : memref<1x128xi32, #tpu.memory_space<vmem>> -> memref<128xi32, #tpu.memory_space<vmem>>
        %dma_wait3A_107 = arith.constant 0 : i32
        %dma_wait3A_108 = arith.constant 0 : i32
        %dma_wait3A_109 = tpu.memref_slice %arg2[%dma_wait3A_107, %dma_wait3A_108] : memref<10240x128xf32, #tpu.memory_space<hbm>> -> memref<10240x128xf32, #tpu.memory_space<hbm>>
        tpu.wait_indirect_dma semaphore(%arg11 : memref<!tpu.dma_semaphore, #tpu.memory_space<semaphore_mem>>) src(%dma_wait3A_109 : memref<10240x128xf32, #tpu.memory_space<hbm>>) dst(%arg9 : memref<128x128xf32, #tpu.memory_space<vmem>>)
        %add3A_110 = arith.constant 1 : i32
        %add3A_111 = arith.addi %mul3A_89, %add3A_110 : i32
        %dma_start3A_112 = arith.constant 0 : i32
        %dma_start3A_113 = tpu.memref_slice %arg7[%add3A_111, %dma_start3A_112] : memref<40x128xi32, #tpu.memory_space<vmem>> -> memref<1x128xi32, #tpu.memory_space<vmem>>
        %dma_start3A_114 = tpu.memref_squeeze %dma_start3A_113 : memref<1x128xi32, #tpu.memory_space<vmem>> -> memref<128xi32, #tpu.memory_space<vmem>>
        %dma_start3A_115 = arith.constant 0 : i32
        %dma_start3A_116 = arith.constant 0 : i32
        %dma_start3A_117 = tpu.memref_slice %arg14[%dma_start3A_115, %dma_start3A_116] : memref<10240x128xf32, #tpu.memory_space<vmem_shared>> -> memref<10240x128xf32, #tpu.memory_space<vmem_shared>>
        tpu.enqueue_indirect_dma source(%arg9 : memref<128x128xf32, #tpu.memory_space<vmem>>) target(%dma_start3A_117 : memref<10240x128xf32, #tpu.memory_space<vmem_shared>>) offsets(%dma_start3A_114 : memref<128xi32, #tpu.memory_space<vmem>>) semaphore(%arg13 : memref<!tpu.dma_semaphore, #tpu.memory_space<semaphore_mem>>) {add = true}
        %add3A_118 = arith.constant 2 : i32
        %add3A_119 = arith.addi %mul3A_89, %add3A_118 : i32
        %lt3A = arith.constant 40 : i32
        %lt3A_120 = arith.cmpi slt, %add3A_119, %lt3A : i32
        %convert_element_type3A_121 = arith.extui %lt3A_120 : i1 to i32
        %cond3A_122 = arith.constant 0 : i32
        %cond3A_123 = arith.cmpi ne, %convert_element_type3A_121, %cond3A_122 : i32
        scf.if %cond3A_123 {
          %dma_wait3A_131 = arith.constant 0 : i32
          %dma_wait3A_132 = arith.constant 0 : i32
          %dma_wait3A_133 = tpu.memref_slice %arg7[%dma_wait3A_131, %dma_wait3A_132] : memref<40x128xi32, #tpu.memory_space<vmem>> -> memref<1x128xi32, #tpu.memory_space<vmem>>
          %dma_wait3A_134 = tpu.memref_squeeze %dma_wait3A_133 : memref<1x128xi32, #tpu.memory_space<vmem>> -> memref<128xi32, #tpu.memory_space<vmem>>
          %dma_wait3A_135 = arith.constant 0 : i32
          %dma_wait3A_136 = arith.constant 0 : i32
          %dma_wait3A_137 = tpu.memref_slice %arg14[%dma_wait3A_135, %dma_wait3A_136] : memref<10240x128xf32, #tpu.memory_space<vmem_shared>> -> memref<10240x128xf32, #tpu.memory_space<vmem_shared>>
          tpu.wait_indirect_dma semaphore(%arg12 : memref<!tpu.dma_semaphore, #tpu.memory_space<semaphore_mem>>) src(%arg8 : memref<128x128xf32, #tpu.memory_space<vmem>>) dst(%dma_wait3A_137 : memref<10240x128xf32, #tpu.memory_space<vmem_shared>>)
          %add3A_138 = arith.constant 2 : i32
          %add3A_139 = arith.addi %mul3A_89, %add3A_138 : i32
          %dma_start3A_140 = arith.constant 0 : i32
          %dma_start3A_141 = tpu.memref_slice %arg6[%add3A_139, %dma_start3A_140] : memref<40x128xi32, #tpu.memory_space<vmem>> -> memref<1x128xi32, #tpu.memory_space<vmem>>
          %dma_start3A_142 = tpu.memref_squeeze %dma_start3A_141 : memref<1x128xi32, #tpu.memory_space<vmem>> -> memref<128xi32, #tpu.memory_space<vmem>>
          %dma_start3A_143 = arith.constant 0 : i32
          %dma_start3A_144 = arith.constant 0 : i32
          %dma_start3A_145 = tpu.memref_slice %arg2[%dma_start3A_143, %dma_start3A_144] : memref<10240x128xf32, #tpu.memory_space<hbm>> -> memref<10240x128xf32, #tpu.memory_space<hbm>>
          tpu.enqueue_indirect_dma source(%dma_start3A_145 : memref<10240x128xf32, #tpu.memory_space<hbm>>) target(%arg8 : memref<128x128xf32, #tpu.memory_space<vmem>>) offsets(%dma_start3A_142 : memref<128xi32, #tpu.memory_space<vmem>>) semaphore(%arg10 : memref<!tpu.dma_semaphore, #tpu.memory_space<semaphore_mem>>)
        } else {
        }
        %add3A_124 = arith.constant 3 : i32
        %add3A_125 = arith.addi %mul3A_89, %add3A_124 : i32
        %lt3A_126 = arith.constant 40 : i32
        %lt3A_127 = arith.cmpi slt, %add3A_125, %lt3A_126 : i32
        %convert_element_type3A_128 = arith.extui %lt3A_127 : i1 to i32
        %cond3A_129 = arith.constant 0 : i32
        %cond3A_130 = arith.cmpi ne, %convert_element_type3A_128, %cond3A_129 : i32
        scf.if %cond3A_130 {
          %dma_wait3A_131 = arith.constant 0 : i32
          %dma_wait3A_132 = arith.constant 0 : i32
          %dma_wait3A_133 = tpu.memref_slice %arg7[%dma_wait3A_131, %dma_wait3A_132] : memref<40x128xi32, #tpu.memory_space<vmem>> -> memref<1x128xi32, #tpu.memory_space<vmem>>
          %dma_wait3A_134 = tpu.memref_squeeze %dma_wait3A_133 : memref<1x128xi32, #tpu.memory_space<vmem>> -> memref<128xi32, #tpu.memory_space<vmem>>
          %dma_wait3A_135 = arith.constant 0 : i32
          %dma_wait3A_136 = arith.constant 0 : i32
          %dma_wait3A_137 = tpu.memref_slice %arg14[%dma_wait3A_135, %dma_wait3A_136] : memref<10240x128xf32, #tpu.memory_space<vmem_shared>> -> memref<10240x128xf32, #tpu.memory_space<vmem_shared>>
          tpu.wait_indirect_dma semaphore(%arg13 : memref<!tpu.dma_semaphore, #tpu.memory_space<semaphore_mem>>) src(%arg9 : memref<128x128xf32, #tpu.memory_space<vmem>>) dst(%dma_wait3A_137 : memref<10240x128xf32, #tpu.memory_space<vmem_shared>>)
          %add3A_138 = arith.constant 3 : i32
          %add3A_139 = arith.addi %mul3A_89, %add3A_138 : i32
          %dma_start3A_140 = arith.constant 0 : i32
          %dma_start3A_141 = tpu.memref_slice %arg6[%add3A_139, %dma_start3A_140] : memref<40x128xi32, #tpu.memory_space<vmem>> -> memref<1x128xi32, #tpu.memory_space<vmem>>
          %dma_start3A_142 = tpu.memref_squeeze %dma_start3A_141 : memref<1x128xi32, #tpu.memory_space<vmem>> -> memref<128xi32, #tpu.memory_space<vmem>>
          %dma_start3A_143 = arith.constant 0 : i32
          %dma_start3A_144 = arith.constant 0 : i32
          %dma_start3A_145 = tpu.memref_slice %arg2[%dma_start3A_143, %dma_start3A_144] : memref<10240x128xf32, #tpu.memory_space<hbm>> -> memref<10240x128xf32, #tpu.memory_space<hbm>>
          tpu.enqueue_indirect_dma source(%dma_start3A_145 : memref<10240x128xf32, #tpu.memory_space<hbm>>) target(%arg9 : memref<128x128xf32, #tpu.memory_space<vmem>>) offsets(%dma_start3A_142 : memref<128xi32, #tpu.memory_space<vmem>>) semaphore(%arg11 : memref<!tpu.dma_semaphore, #tpu.memory_space<semaphore_mem>>)
        } else {
        }
      }
      %scan3A_35 = arith.constant 20 : i32
      %dma_wait3A = arith.constant 0 : i32
      %dma_wait3A_36 = arith.constant 0 : i32
      %dma_wait3A_37 = tpu.memref_slice %arg7[%dma_wait3A, %dma_wait3A_36] : memref<40x128xi32, #tpu.memory_space<vmem>> -> memref<1x128xi32, #tpu.memory_space<vmem>>
      %dma_wait3A_38 = tpu.memref_squeeze %dma_wait3A_37 : memref<1x128xi32, #tpu.memory_space<vmem>> -> memref<128xi32, #tpu.memory_space<vmem>>
      %dma_wait3A_39 = arith.constant 0 : i32
      %dma_wait3A_40 = arith.constant 0 : i32
      %dma_wait3A_41 = tpu.memref_slice %arg14[%dma_wait3A_39, %dma_wait3A_40] : memref<10240x128xf32, #tpu.memory_space<vmem_shared>> -> memref<10240x128xf32, #tpu.memory_space<vmem_shared>>
      tpu.wait_indirect_dma semaphore(%arg12 : memref<!tpu.dma_semaphore, #tpu.memory_space<semaphore_mem>>) src(%arg8 : memref<128x128xf32, #tpu.memory_space<vmem>>) dst(%dma_wait3A_41 : memref<10240x128xf32, #tpu.memory_space<vmem_shared>>)
      %dma_wait3A_42 = arith.constant 0 : i32
      %dma_wait3A_43 = arith.constant 0 : i32
      %dma_wait3A_44 = tpu.memref_slice %arg7[%dma_wait3A_42, %dma_wait3A_43] : memref<40x128xi32, #tpu.memory_space<vmem>> -> memref<1x128xi32, #tpu.memory_space<vmem>>
      %dma_wait3A_45 = tpu.memref_squeeze %dma_wait3A_44 : memref<1x128xi32, #tpu.memory_space<vmem>> -> memref<128xi32, #tpu.memory_space<vmem>>
      %dma_wait3A_46 = arith.constant 0 : i32
      %dma_wait3A_47 = arith.constant 0 : i32
      %dma_wait3A_48 = tpu.memref_slice %arg14[%dma_wait3A_46, %dma_wait3A_47] : memref<10240x128xf32, #tpu.memory_space<vmem_shared>> -> memref<10240x128xf32, #tpu.memory_space<vmem_shared>>
      tpu.wait_indirect_dma semaphore(%arg13 : memref<!tpu.dma_semaphore, #tpu.memory_space<semaphore_mem>>) src(%arg9 : memref<128x128xf32, #tpu.memory_space<vmem>>) dst(%dma_wait3A_48 : memref<10240x128xf32, #tpu.memory_space<vmem_shared>>)
      %add3A_49 = arith.constant 40 : i32
      %add3A_50 = arith.addi %add3A_14, %add3A_49 : i32
      %run_scoped3A_51 = arith.constant 0 : i32
      "tpu.region"() ({
        %run_scoped3A_87 = tpu.sem_alloc : memref<!tpu.dma_semaphore, #tpu.memory_space<semaphore_mem>>
        %dma_start3A_88 = arith.constant 0 : i32
        %dma_start3A_89 = tpu.memref_slice %arg3[%run_scoped3A_51, %add3A_50, %dma_start3A_88] : memref<2x2560x128xi32, #tpu.memory_space<hbm>> -> memref<1x40x128xi32, #tpu.memory_space<hbm>>
        %dma_start3A_90 = tpu.memref_squeeze %dma_start3A_89 : memref<1x40x128xi32, #tpu.memory_space<hbm>> -> memref<40x128xi32, #tpu.memory_space<hbm>>
        %dma_start3A_91 = arith.constant 0 : i32
        %dma_start3A_92 = tpu.memref_slice %arg3[%run_scoped3A_51, %add3A_50, %dma_start3A_91] : memref<2x2560x128xi32, #tpu.memory_space<hbm>> -> memref<1x40x128xi32, #tpu.memory_space<hbm>>
        %dma_start3A_93 = tpu.memref_squeeze %dma_start3A_92 : memref<1x40x128xi32, #tpu.memory_space<hbm>> -> memref<40x128xi32, #tpu.memory_space<hbm>>
        tpu.enqueue_dma source(%dma_start3A_93 : memref<40x128xi32, #tpu.memory_space<hbm>>) target(%arg6 : memref<40x128xi32, #tpu.memory_space<vmem>>) target_semaphore(%run_scoped3A_87 : memref<!tpu.dma_semaphore, #tpu.memory_space<semaphore_mem>>)
        %dma_wait3A_94 = arith.constant 0 : i32
        %dma_wait3A_95 = tpu.memref_slice %arg3[%run_scoped3A_51, %add3A_50, %dma_wait3A_94] : memref<2x2560x128xi32, #tpu.memory_space<hbm>> -> memref<1x40x128xi32, #tpu.memory_space<hbm>>
        %dma_wait3A_96 = tpu.memref_squeeze %dma_wait3A_95 : memref<1x40x128xi32, #tpu.memory_space<hbm>> -> memref<40x128xi32, #tpu.memory_space<hbm>>
        %dma_wait3A_97 = arith.constant 0 : i32
        %dma_wait3A_98 = tpu.memref_slice %arg3[%run_scoped3A_51, %add3A_50, %dma_wait3A_97] : memref<2x2560x128xi32, #tpu.memory_space<hbm>> -> memref<1x40x128xi32, #tpu.memory_space<hbm>>
        %dma_wait3A_99 = tpu.memref_squeeze %dma_wait3A_98 : memref<1x40x128xi32, #tpu.memory_space<hbm>> -> memref<40x128xi32, #tpu.memory_space<hbm>>
        tpu.wait_dma2 semaphore(%run_scoped3A_87 : memref<!tpu.dma_semaphore, #tpu.memory_space<semaphore_mem>>) src(%dma_wait3A_99 : memref<40x128xi32, #tpu.memory_space<hbm>>) dst(%arg6 : memref<40x128xi32, #tpu.memory_space<vmem>>)
        tpu.yield
      }) : () -> ()
      %run_scoped3A_52 = arith.constant 1 : i32
      "tpu.region"() ({
        %run_scoped3A_87 = tpu.sem_alloc : memref<!tpu.dma_semaphore, #tpu.memory_space<semaphore_mem>>
        %dma_start3A_88 = arith.constant 0 : i32
        %dma_start3A_89 = tpu.memref_slice %arg3[%run_scoped3A_52, %add3A_50, %dma_start3A_88] : memref<2x2560x128xi32, #tpu.memory_space<hbm>> -> memref<1x40x128xi32, #tpu.memory_space<hbm>>
        %dma_start3A_90 = tpu.memref_squeeze %dma_start3A_89 : memref<1x40x128xi32, #tpu.memory_space<hbm>> -> memref<40x128xi32, #tpu.memory_space<hbm>>
        %dma_start3A_91 = arith.constant 0 : i32
        %dma_start3A_92 = tpu.memref_slice %arg3[%run_scoped3A_52, %add3A_50, %dma_start3A_91] : memref<2x2560x128xi32, #tpu.memory_space<hbm>> -> memref<1x40x128xi32, #tpu.memory_space<hbm>>
        %dma_start3A_93 = tpu.memref_squeeze %dma_start3A_92 : memref<1x40x128xi32, #tpu.memory_space<hbm>> -> memref<40x128xi32, #tpu.memory_space<hbm>>
        tpu.enqueue_dma source(%dma_start3A_93 : memref<40x128xi32, #tpu.memory_space<hbm>>) target(%arg7 : memref<40x128xi32, #tpu.memory_space<vmem>>) target_semaphore(%run_scoped3A_87 : memref<!tpu.dma_semaphore, #tpu.memory_space<semaphore_mem>>)
        %dma_wait3A_94 = arith.constant 0 : i32
        %dma_wait3A_95 = tpu.memref_slice %arg3[%run_scoped3A_52, %add3A_50, %dma_wait3A_94] : memref<2x2560x128xi32, #tpu.memory_space<hbm>> -> memref<1x40x128xi32, #tpu.memory_space<hbm>>
        %dma_wait3A_96 = tpu.memref_squeeze %dma_wait3A_95 : memref<1x40x128xi32, #tpu.memory_space<hbm>> -> memref<40x128xi32, #tpu.memory_space<hbm>>
        %dma_wait3A_97 = arith.constant 0 : i32
        %dma_wait3A_98 = tpu.memref_slice %arg3[%run_scoped3A_52, %add3A_50, %dma_wait3A_97] : memref<2x2560x128xi32, #tpu.memory_space<hbm>> -> memref<1x40x128xi32, #tpu.memory_space<hbm>>
        %dma_wait3A_99 = tpu.memref_squeeze %dma_wait3A_98 : memref<1x40x128xi32, #tpu.memory_space<hbm>> -> memref<40x128xi32, #tpu.memory_space<hbm>>
        tpu.wait_dma2 semaphore(%run_scoped3A_87 : memref<!tpu.dma_semaphore, #tpu.memory_space<semaphore_mem>>) src(%dma_wait3A_99 : memref<40x128xi32, #tpu.memory_space<hbm>>) dst(%arg7 : memref<40x128xi32, #tpu.memory_space<vmem>>)
        tpu.yield
      }) : () -> ()
      %dma_start3A_53 = arith.constant 0 : i32
      %dma_start3A_54 = arith.constant 0 : i32
      %dma_start3A_55 = tpu.memref_slice %arg6[%dma_start3A_53, %dma_start3A_54] : memref<40x128xi32, #tpu.memory_space<vmem>> -> memref<1x128xi32, #tpu.memory_space<vmem>>
      %dma_start3A_56 = tpu.memref_squeeze %dma_start3A_55 : memref<1x128xi32, #tpu.memory_space<vmem>> -> memref<128xi32, #tpu.memory_space<vmem>>
      %dma_start3A_57 = arith.constant 0 : i32
      %dma_start3A_58 = arith.constant 0 : i32
      %dma_start3A_59 = tpu.memref_slice %arg2[%dma_start3A_57, %dma_start3A_58] : memref<10240x128xf32, #tpu.memory_space<hbm>> -> memref<10240x128xf32, #tpu.memory_space<hbm>>
      tpu.enqueue_indirect_dma source(%dma_start3A_59 : memref<10240x128xf32, #tpu.memory_space<hbm>>) target(%arg8 : memref<128x128xf32, #tpu.memory_space<vmem>>) offsets(%dma_start3A_56 : memref<128xi32, #tpu.memory_space<vmem>>) semaphore(%arg10 : memref<!tpu.dma_semaphore, #tpu.memory_space<semaphore_mem>>)
      %dma_start3A_60 = arith.constant 1 : i32
      %dma_start3A_61 = arith.constant 0 : i32
      %dma_start3A_62 = tpu.memref_slice %arg6[%dma_start3A_60, %dma_start3A_61] : memref<40x128xi32, #tpu.memory_space<vmem>> -> memref<1x128xi32, #tpu.memory_space<vmem>>
      %dma_start3A_63 = tpu.memref_squeeze %dma_start3A_62 : memref<1x128xi32, #tpu.memory_space<vmem>> -> memref<128xi32, #tpu.memory_space<vmem>>
      %dma_start3A_64 = arith.constant 0 : i32
      %dma_start3A_65 = arith.constant 0 : i32
      %dma_start3A_66 = tpu.memref_slice %arg2[%dma_start3A_64, %dma_start3A_65] : memref<10240x128xf32, #tpu.memory_space<hbm>> -> memref<10240x128xf32, #tpu.memory_space<hbm>>
      tpu.enqueue_indirect_dma source(%dma_start3A_66 : memref<10240x128xf32, #tpu.memory_space<hbm>>) target(%arg9 : memref<128x128xf32, #tpu.memory_space<vmem>>) offsets(%dma_start3A_63 : memref<128xi32, #tpu.memory_space<vmem>>) semaphore(%arg11 : memref<!tpu.dma_semaphore, #tpu.memory_space<semaphore_mem>>)
      %scan3A_67 = arith.constant 0 : i32
      %scan3A_68 = arith.constant 0 : i32
      %scan3A_69 = arith.constant 20 : i32
      %scan3A_70 = arith.addi %scan3A_68, %scan3A_69 : i32
      %scan3A_71 = arith.constant 1 : i32
      scf.for %scan3A_87 = %scan3A_68 to %scan3A_70 step %scan3A_71  : i32 {
        %mul3A_88 = arith.constant 2 : i32
        %mul3A_89 = arith.muli %scan3A_87, %mul3A_88 : i32
        %dma_wait3A_90 = arith.constant 0 : i32
        %dma_wait3A_91 = tpu.memref_slice %arg6[%mul3A_89, %dma_wait3A_90] : memref<40x128xi32, #tpu.memory_space<vmem>> -> memref<1x128xi32, #tpu.memory_space<vmem>>
        %dma_wait3A_92 = tpu.memref_squeeze %dma_wait3A_91 : memref<1x128xi32, #tpu.memory_space<vmem>> -> memref<128xi32, #tpu.memory_space<vmem>>
        %dma_wait3A_93 = arith.constant 0 : i32
        %dma_wait3A_94 = arith.constant 0 : i32
        %dma_wait3A_95 = tpu.memref_slice %arg2[%dma_wait3A_93, %dma_wait3A_94] : memref<10240x128xf32, #tpu.memory_space<hbm>> -> memref<10240x128xf32, #tpu.memory_space<hbm>>
        tpu.wait_indirect_dma semaphore(%arg10 : memref<!tpu.dma_semaphore, #tpu.memory_space<semaphore_mem>>) src(%dma_wait3A_95 : memref<10240x128xf32, #tpu.memory_space<hbm>>) dst(%arg8 : memref<128x128xf32, #tpu.memory_space<vmem>>)
        %dma_start3A_96 = arith.constant 0 : i32
        %dma_start3A_97 = tpu.memref_slice %arg7[%mul3A_89, %dma_start3A_96] : memref<40x128xi32, #tpu.memory_space<vmem>> -> memref<1x128xi32, #tpu.memory_space<vmem>>
        %dma_start3A_98 = tpu.memref_squeeze %dma_start3A_97 : memref<1x128xi32, #tpu.memory_space<vmem>> -> memref<128xi32, #tpu.memory_space<vmem>>
        %dma_start3A_99 = arith.constant 0 : i32
        %dma_start3A_100 = arith.constant 0 : i32
        %dma_start3A_101 = tpu.memref_slice %arg14[%dma_start3A_99, %dma_start3A_100] : memref<10240x128xf32, #tpu.memory_space<vmem_shared>> -> memref<10240x128xf32, #tpu.memory_space<vmem_shared>>
        tpu.enqueue_indirect_dma source(%arg8 : memref<128x128xf32, #tpu.memory_space<vmem>>) target(%dma_start3A_101 : memref<10240x128xf32, #tpu.memory_space<vmem_shared>>) offsets(%dma_start3A_98 : memref<128xi32, #tpu.memory_space<vmem>>) semaphore(%arg12 : memref<!tpu.dma_semaphore, #tpu.memory_space<semaphore_mem>>) {add = true}
        %add3A_102 = arith.constant 1 : i32
        %add3A_103 = arith.addi %mul3A_89, %add3A_102 : i32
        %dma_wait3A_104 = arith.constant 0 : i32
        %dma_wait3A_105 = tpu.memref_slice %arg6[%add3A_103, %dma_wait3A_104] : memref<40x128xi32, #tpu.memory_space<vmem>> -> memref<1x128xi32, #tpu.memory_space<vmem>>
        %dma_wait3A_106 = tpu.memref_squeeze %dma_wait3A_105 : memref<1x128xi32, #tpu.memory_space<vmem>> -> memref<128xi32, #tpu.memory_space<vmem>>
        %dma_wait3A_107 = arith.constant 0 : i32
        %dma_wait3A_108 = arith.constant 0 : i32
        %dma_wait3A_109 = tpu.memref_slice %arg2[%dma_wait3A_107, %dma_wait3A_108] : memref<10240x128xf32, #tpu.memory_space<hbm>> -> memref<10240x128xf32, #tpu.memory_space<hbm>>
        tpu.wait_indirect_dma semaphore(%arg11 : memref<!tpu.dma_semaphore, #tpu.memory_space<semaphore_mem>>) src(%dma_wait3A_109 : memref<10240x128xf32, #tpu.memory_space<hbm>>) dst(%arg9 : memref<128x128xf32, #tpu.memory_space<vmem>>)
        %add3A_110 = arith.constant 1 : i32
        %add3A_111 = arith.addi %mul3A_89, %add3A_110 : i32
        %dma_start3A_112 = arith.constant 0 : i32
        %dma_start3A_113 = tpu.memref_slice %arg7[%add3A_111, %dma_start3A_112] : memref<40x128xi32, #tpu.memory_space<vmem>> -> memref<1x128xi32, #tpu.memory_space<vmem>>
        %dma_start3A_114 = tpu.memref_squeeze %dma_start3A_113 : memref<1x128xi32, #tpu.memory_space<vmem>> -> memref<128xi32, #tpu.memory_space<vmem>>
        %dma_start3A_115 = arith.constant 0 : i32
        %dma_start3A_116 = arith.constant 0 : i32
        %dma_start3A_117 = tpu.memref_slice %arg14[%dma_start3A_115, %dma_start3A_116] : memref<10240x128xf32, #tpu.memory_space<vmem_shared>> -> memref<10240x128xf32, #tpu.memory_space<vmem_shared>>
        tpu.enqueue_indirect_dma source(%arg9 : memref<128x128xf32, #tpu.memory_space<vmem>>) target(%dma_start3A_117 : memref<10240x128xf32, #tpu.memory_space<vmem_shared>>) offsets(%dma_start3A_114 : memref<128xi32, #tpu.memory_space<vmem>>) semaphore(%arg13 : memref<!tpu.dma_semaphore, #tpu.memory_space<semaphore_mem>>) {add = true}
        %add3A_118 = arith.constant 2 : i32
        %add3A_119 = arith.addi %mul3A_89, %add3A_118 : i32
        %lt3A = arith.constant 40 : i32
        %lt3A_120 = arith.cmpi slt, %add3A_119, %lt3A : i32
        %convert_element_type3A_121 = arith.extui %lt3A_120 : i1 to i32
        %cond3A_122 = arith.constant 0 : i32
        %cond3A_123 = arith.cmpi ne, %convert_element_type3A_121, %cond3A_122 : i32
        scf.if %cond3A_123 {
          %dma_wait3A_131 = arith.constant 0 : i32
          %dma_wait3A_132 = arith.constant 0 : i32
          %dma_wait3A_133 = tpu.memref_slice %arg7[%dma_wait3A_131, %dma_wait3A_132] : memref<40x128xi32, #tpu.memory_space<vmem>> -> memref<1x128xi32, #tpu.memory_space<vmem>>
          %dma_wait3A_134 = tpu.memref_squeeze %dma_wait3A_133 : memref<1x128xi32, #tpu.memory_space<vmem>> -> memref<128xi32, #tpu.memory_space<vmem>>
          %dma_wait3A_135 = arith.constant 0 : i32
          %dma_wait3A_136 = arith.constant 0 : i32
          %dma_wait3A_137 = tpu.memref_slice %arg14[%dma_wait3A_135, %dma_wait3A_136] : memref<10240x128xf32, #tpu.memory_space<vmem_shared>> -> memref<10240x128xf32, #tpu.memory_space<vmem_shared>>
          tpu.wait_indirect_dma semaphore(%arg12 : memref<!tpu.dma_semaphore, #tpu.memory_space<semaphore_mem>>) src(%arg8 : memref<128x128xf32, #tpu.memory_space<vmem>>) dst(%dma_wait3A_137 : memref<10240x128xf32, #tpu.memory_space<vmem_shared>>)
          %add3A_138 = arith.constant 2 : i32
          %add3A_139 = arith.addi %mul3A_89, %add3A_138 : i32
          %dma_start3A_140 = arith.constant 0 : i32
          %dma_start3A_141 = tpu.memref_slice %arg6[%add3A_139, %dma_start3A_140] : memref<40x128xi32, #tpu.memory_space<vmem>> -> memref<1x128xi32, #tpu.memory_space<vmem>>
          %dma_start3A_142 = tpu.memref_squeeze %dma_start3A_141 : memref<1x128xi32, #tpu.memory_space<vmem>> -> memref<128xi32, #tpu.memory_space<vmem>>
          %dma_start3A_143 = arith.constant 0 : i32
          %dma_start3A_144 = arith.constant 0 : i32
          %dma_start3A_145 = tpu.memref_slice %arg2[%dma_start3A_143, %dma_start3A_144] : memref<10240x128xf32, #tpu.memory_space<hbm>> -> memref<10240x128xf32, #tpu.memory_space<hbm>>
          tpu.enqueue_indirect_dma source(%dma_start3A_145 : memref<10240x128xf32, #tpu.memory_space<hbm>>) target(%arg8 : memref<128x128xf32, #tpu.memory_space<vmem>>) offsets(%dma_start3A_142 : memref<128xi32, #tpu.memory_space<vmem>>) semaphore(%arg10 : memref<!tpu.dma_semaphore, #tpu.memory_space<semaphore_mem>>)
        } else {
        }
        %add3A_124 = arith.constant 3 : i32
        %add3A_125 = arith.addi %mul3A_89, %add3A_124 : i32
        %lt3A_126 = arith.constant 40 : i32
        %lt3A_127 = arith.cmpi slt, %add3A_125, %lt3A_126 : i32
        %convert_element_type3A_128 = arith.extui %lt3A_127 : i1 to i32
        %cond3A_129 = arith.constant 0 : i32
        %cond3A_130 = arith.cmpi ne, %convert_element_type3A_128, %cond3A_129 : i32
        scf.if %cond3A_130 {
          %dma_wait3A_131 = arith.constant 0 : i32
          %dma_wait3A_132 = arith.constant 0 : i32
          %dma_wait3A_133 = tpu.memref_slice %arg7[%dma_wait3A_131, %dma_wait3A_132] : memref<40x128xi32, #tpu.memory_space<vmem>> -> memref<1x128xi32, #tpu.memory_space<vmem>>
          %dma_wait3A_134 = tpu.memref_squeeze %dma_wait3A_133 : memref<1x128xi32, #tpu.memory_space<vmem>> -> memref<128xi32, #tpu.memory_space<vmem>>
          %dma_wait3A_135 = arith.constant 0 : i32
          %dma_wait3A_136 = arith.constant 0 : i32
          %dma_wait3A_137 = tpu.memref_slice %arg14[%dma_wait3A_135, %dma_wait3A_136] : memref<10240x128xf32, #tpu.memory_space<vmem_shared>> -> memref<10240x128xf32, #tpu.memory_space<vmem_shared>>
          tpu.wait_indirect_dma semaphore(%arg13 : memref<!tpu.dma_semaphore, #tpu.memory_space<semaphore_mem>>) src(%arg9 : memref<128x128xf32, #tpu.memory_space<vmem>>) dst(%dma_wait3A_137 : memref<10240x128xf32, #tpu.memory_space<vmem_shared>>)
          %add3A_138 = arith.constant 3 : i32
          %add3A_139 = arith.addi %mul3A_89, %add3A_138 : i32
          %dma_start3A_140 = arith.constant 0 : i32
          %dma_start3A_141 = tpu.memref_slice %arg6[%add3A_139, %dma_start3A_140] : memref<40x128xi32, #tpu.memory_space<vmem>> -> memref<1x128xi32, #tpu.memory_space<vmem>>
          %dma_start3A_142 = tpu.memref_squeeze %dma_start3A_141 : memref<1x128xi32, #tpu.memory_space<vmem>> -> memref<128xi32, #tpu.memory_space<vmem>>
          %dma_start3A_143 = arith.constant 0 : i32
          %dma_start3A_144 = arith.constant 0 : i32
          %dma_start3A_145 = tpu.memref_slice %arg2[%dma_start3A_143, %dma_start3A_144] : memref<10240x128xf32, #tpu.memory_space<hbm>> -> memref<10240x128xf32, #tpu.memory_space<hbm>>
          tpu.enqueue_indirect_dma source(%dma_start3A_145 : memref<10240x128xf32, #tpu.memory_space<hbm>>) target(%arg9 : memref<128x128xf32, #tpu.memory_space<vmem>>) offsets(%dma_start3A_142 : memref<128xi32, #tpu.memory_space<vmem>>) semaphore(%arg11 : memref<!tpu.dma_semaphore, #tpu.memory_space<semaphore_mem>>)
        } else {
        }
      }
      %scan3A_72 = arith.constant 20 : i32
      %dma_wait3A_73 = arith.constant 0 : i32
      %dma_wait3A_74 = arith.constant 0 : i32
      %dma_wait3A_75 = tpu.memref_slice %arg7[%dma_wait3A_73, %dma_wait3A_74] : memref<40x128xi32, #tpu.memory_space<vmem>> -> memref<1x128xi32, #tpu.memory_space<vmem>>
      %dma_wait3A_76 = tpu.memref_squeeze %dma_wait3A_75 : memref<1x128xi32, #tpu.memory_space<vmem>> -> memref<128xi32, #tpu.memory_space<vmem>>
      %dma_wait3A_77 = arith.constant 0 : i32
      %dma_wait3A_78 = arith.constant 0 : i32
      %dma_wait3A_79 = tpu.memref_slice %arg14[%dma_wait3A_77, %dma_wait3A_78] : memref<10240x128xf32, #tpu.memory_space<vmem_shared>> -> memref<10240x128xf32, #tpu.memory_space<vmem_shared>>
      tpu.wait_indirect_dma semaphore(%arg12 : memref<!tpu.dma_semaphore, #tpu.memory_space<semaphore_mem>>) src(%arg8 : memref<128x128xf32, #tpu.memory_space<vmem>>) dst(%dma_wait3A_79 : memref<10240x128xf32, #tpu.memory_space<vmem_shared>>)
      %dma_wait3A_80 = arith.constant 0 : i32
      %dma_wait3A_81 = arith.constant 0 : i32
      %dma_wait3A_82 = tpu.memref_slice %arg7[%dma_wait3A_80, %dma_wait3A_81] : memref<40x128xi32, #tpu.memory_space<vmem>> -> memref<1x128xi32, #tpu.memory_space<vmem>>
      %dma_wait3A_83 = tpu.memref_squeeze %dma_wait3A_82 : memref<1x128xi32, #tpu.memory_space<vmem>> -> memref<128xi32, #tpu.memory_space<vmem>>
      %dma_wait3A_84 = arith.constant 0 : i32
      %dma_wait3A_85 = arith.constant 0 : i32
      %dma_wait3A_86 = tpu.memref_slice %arg14[%dma_wait3A_84, %dma_wait3A_85] : memref<10240x128xf32, #tpu.memory_space<vmem_shared>> -> memref<10240x128xf32, #tpu.memory_space<vmem_shared>>
      tpu.wait_indirect_dma semaphore(%arg13 : memref<!tpu.dma_semaphore, #tpu.memory_space<semaphore_mem>>) src(%arg9 : memref<128x128xf32, #tpu.memory_space<vmem>>) dst(%dma_wait3A_86 : memref<10240x128xf32, #tpu.memory_space<vmem_shared>>)
    } else {
    }
    %barrier3A_10 = arith.constant 0 : index
    tpu.barrier barrier_id(%barrier3A_10)
    "tpu.region"() ({
      %run_scoped3A = tpu.sem_alloc : memref<!tpu.dma_semaphore, #tpu.memory_space<semaphore_mem>>
      %dma_start3A = arith.constant 0 : i32
      %dma_start3A_11 = tpu.memref_slice %arg5[%arg0, %mul3A_2, %dma_start3A] : memref<2x10240x128xf32, #tpu.memory_space<hbm>> -> memref<1x640x128xf32, #tpu.memory_space<hbm>>
      %dma_start3A_12 = tpu.memref_squeeze %dma_start3A_11 : memref<1x640x128xf32, #tpu.memory_space<hbm>> -> memref<640x128xf32, #tpu.memory_space<hbm>>
      %dma_start3A_13 = arith.constant 0 : i32
      %dma_start3A_14 = tpu.memref_slice %arg14[%mul3A_2, %dma_start3A_13] : memref<10240x128xf32, #tpu.memory_space<vmem_shared>> -> memref<640x128xf32, #tpu.memory_space<vmem_shared>>
      tpu.enqueue_dma source(%dma_start3A_14 : memref<640x128xf32, #tpu.memory_space<vmem_shared>>) target(%dma_start3A_12 : memref<640x128xf32, #tpu.memory_space<hbm>>) target_semaphore(%run_scoped3A : memref<!tpu.dma_semaphore, #tpu.memory_space<semaphore_mem>>)
      %dma_wait3A = arith.constant 0 : i32
      %dma_wait3A_15 = tpu.memref_slice %arg5[%arg0, %mul3A_2, %dma_wait3A] : memref<2x10240x128xf32, #tpu.memory_space<hbm>> -> memref<1x640x128xf32, #tpu.memory_space<hbm>>
      %dma_wait3A_16 = tpu.memref_squeeze %dma_wait3A_15 : memref<1x640x128xf32, #tpu.memory_space<hbm>> -> memref<640x128xf32, #tpu.memory_space<hbm>>
      %dma_wait3A_17 = arith.constant 0 : i32
      %dma_wait3A_18 = tpu.memref_slice %arg14[%mul3A_2, %dma_wait3A_17] : memref<10240x128xf32, #tpu.memory_space<vmem_shared>> -> memref<640x128xf32, #tpu.memory_space<vmem_shared>>
      tpu.wait_dma2 semaphore(%run_scoped3A : memref<!tpu.dma_semaphore, #tpu.memory_space<semaphore_mem>>) src(%dma_wait3A_18 : memref<640x128xf32, #tpu.memory_space<vmem_shared>>) dst(%dma_wait3A_16 : memref<640x128xf32, #tpu.memory_space<hbm>>)
      tpu.yield
    }) : () -> ()
    return
  }
}

#map = affine_map<(d0, d1) -> (0, 0)>
#map1 = affine_map<(d0, d1) -> (0, 0, 0)>
module attributes {stable_mosaic.version = 14 : i64} {
  func.func @_edge_kernel(%arg0: i32, %arg1: i32, %arg2: memref<10240x128xf32, #tpu.memory_space<hbm>>, %arg3: memref<2x2560x128xi32, #tpu.memory_space<hbm>>, %arg4: memref<640x128xf32, #tpu.memory_space<hbm>>, %arg5: memref<2x10240x128xf32, #tpu.memory_space<hbm>>, %arg6: memref<40x128xi32, #tpu.memory_space<vmem>>, %arg7: memref<40x128xi32, #tpu.memory_space<vmem>>, %arg8: memref<128x128xf32, #tpu.memory_space<vmem>>, %arg9: memref<128x128xf32, #tpu.memory_space<vmem>>, %arg10: memref<!tpu.dma_semaphore, #tpu.memory_space<semaphore_mem>>, %arg11: memref<!tpu.dma_semaphore, #tpu.memory_space<semaphore_mem>>, %arg12: memref<!tpu.dma_semaphore, #tpu.memory_space<semaphore_mem>>, %arg13: memref<!tpu.dma_semaphore, #tpu.memory_space<semaphore_mem>>, %arg14: memref<10240x128xf32, #tpu.memory_space<vmem_shared>>) attributes {dimension_semantics = [#tpu.dimension_semantics<core_parallel>, #tpu.dimension_semantics<subcore_parallel>], iteration_bounds = array<i64: 2, 16>, scalar_prefetch = 0 : i64, scratch_operands = 9 : i64, tpu.core_type = #tpu.core_type<sc_vector_subcore>, window_params = [{transform_indices = #map}, {transform_indices = #map1}, {transform_indices = #map}, {transform_indices = #map1}]} {
    %mul3A = arith.constant 2 : i32
    %mul3A_0 = arith.muli %arg1, %mul3A : i32
    %add3A = arith.addi %mul3A_0, %arg0 : i32
    %mul3A_1 = arith.constant 640 : i32
    %mul3A_2 = arith.muli %arg1, %mul3A_1 : i32
    "tpu.region"() ({
      %run_scoped3A = tpu.sem_alloc : memref<!tpu.dma_semaphore, #tpu.memory_space<semaphore_mem>>
      %dma_start3A = arith.constant 0 : i32
      %dma_start3A_11 = tpu.memref_slice %arg14[%mul3A_2, %dma_start3A] : memref<10240x128xf32, #tpu.memory_space<vmem_shared>> -> memref<640x128xf32, #tpu.memory_space<vmem_shared>>
      tpu.enqueue_dma source(%arg4 : memref<640x128xf32, #tpu.memory_space<hbm>>) target(%dma_start3A_11 : memref<640x128xf32, #tpu.memory_space<vmem_shared>>) target_semaphore(%run_scoped3A : memref<!tpu.dma_semaphore, #tpu.memory_space<semaphore_mem>>)
      %dma_wait3A = arith.constant 0 : i32
      %dma_wait3A_12 = tpu.memref_slice %arg14[%mul3A_2, %dma_wait3A] : memref<10240x128xf32, #tpu.memory_space<vmem_shared>> -> memref<640x128xf32, #tpu.memory_space<vmem_shared>>
      tpu.wait_dma2 semaphore(%run_scoped3A : memref<!tpu.dma_semaphore, #tpu.memory_space<semaphore_mem>>) src(%arg4 : memref<640x128xf32, #tpu.memory_space<hbm>>) dst(%dma_wait3A_12 : memref<640x128xf32, #tpu.memory_space<vmem_shared>>)
      tpu.yield
    }) : () -> ()
    %barrier3A = arith.constant 0 : index
    tpu.barrier barrier_id(%barrier3A)
    %eq3A = arith.constant 0 : i32
    %eq3A_3 = arith.cmpi eq, %arg0, %eq3A : i32
    %convert_element_type3A = arith.extui %eq3A_3 : i1 to i32
    %cond3A = arith.constant 0 : i32
    %cond3A_4 = arith.cmpi ne, %convert_element_type3A, %cond3A : i32
    scf.if %cond3A_4 {
      %mul3A_11 = arith.constant 80 : i32
      %mul3A_12 = arith.muli %arg1, %mul3A_11 : i32
      %add3A_13 = arith.constant 0 : i32
      %add3A_14 = arith.addi %mul3A_12, %add3A_13 : i32
      %run_scoped3A = arith.constant 0 : i32
      "tpu.region"() ({
        %run_scoped3A_85 = tpu.sem_alloc : memref<!tpu.dma_semaphore, #tpu.memory_space<semaphore_mem>>
        %dma_start3A_86 = arith.constant 0 : i32
        %dma_start3A_87 = tpu.memref_slice %arg3[%run_scoped3A, %add3A_14, %dma_start3A_86] : memref<2x2560x128xi32, #tpu.memory_space<hbm>> -> memref<1x40x128xi32, #tpu.memory_space<hbm>>
        %dma_start3A_88 = tpu.memref_squeeze %dma_start3A_87 : memref<1x40x128xi32, #tpu.memory_space<hbm>> -> memref<40x128xi32, #tpu.memory_space<hbm>>
        %dma_start3A_89 = arith.constant 0 : i32
        %dma_start3A_90 = tpu.memref_slice %arg3[%run_scoped3A, %add3A_14, %dma_start3A_89] : memref<2x2560x128xi32, #tpu.memory_space<hbm>> -> memref<1x40x128xi32, #tpu.memory_space<hbm>>
        %dma_start3A_91 = tpu.memref_squeeze %dma_start3A_90 : memref<1x40x128xi32, #tpu.memory_space<hbm>> -> memref<40x128xi32, #tpu.memory_space<hbm>>
        tpu.enqueue_dma source(%dma_start3A_91 : memref<40x128xi32, #tpu.memory_space<hbm>>) target(%arg6 : memref<40x128xi32, #tpu.memory_space<vmem>>) target_semaphore(%run_scoped3A_85 : memref<!tpu.dma_semaphore, #tpu.memory_space<semaphore_mem>>)
        %dma_wait3A_92 = arith.constant 0 : i32
        %dma_wait3A_93 = tpu.memref_slice %arg3[%run_scoped3A, %add3A_14, %dma_wait3A_92] : memref<2x2560x128xi32, #tpu.memory_space<hbm>> -> memref<1x40x128xi32, #tpu.memory_space<hbm>>
        %dma_wait3A_94 = tpu.memref_squeeze %dma_wait3A_93 : memref<1x40x128xi32, #tpu.memory_space<hbm>> -> memref<40x128xi32, #tpu.memory_space<hbm>>
        %dma_wait3A_95 = arith.constant 0 : i32
        %dma_wait3A_96 = tpu.memref_slice %arg3[%run_scoped3A, %add3A_14, %dma_wait3A_95] : memref<2x2560x128xi32, #tpu.memory_space<hbm>> -> memref<1x40x128xi32, #tpu.memory_space<hbm>>
        %dma_wait3A_97 = tpu.memref_squeeze %dma_wait3A_96 : memref<1x40x128xi32, #tpu.memory_space<hbm>> -> memref<40x128xi32, #tpu.memory_space<hbm>>
        tpu.wait_dma2 semaphore(%run_scoped3A_85 : memref<!tpu.dma_semaphore, #tpu.memory_space<semaphore_mem>>) src(%dma_wait3A_97 : memref<40x128xi32, #tpu.memory_space<hbm>>) dst(%arg6 : memref<40x128xi32, #tpu.memory_space<vmem>>)
        tpu.yield
      }) : () -> ()
      %run_scoped3A_15 = arith.constant 1 : i32
      "tpu.region"() ({
        %run_scoped3A_85 = tpu.sem_alloc : memref<!tpu.dma_semaphore, #tpu.memory_space<semaphore_mem>>
        %dma_start3A_86 = arith.constant 0 : i32
        %dma_start3A_87 = tpu.memref_slice %arg3[%run_scoped3A_15, %add3A_14, %dma_start3A_86] : memref<2x2560x128xi32, #tpu.memory_space<hbm>> -> memref<1x40x128xi32, #tpu.memory_space<hbm>>
        %dma_start3A_88 = tpu.memref_squeeze %dma_start3A_87 : memref<1x40x128xi32, #tpu.memory_space<hbm>> -> memref<40x128xi32, #tpu.memory_space<hbm>>
        %dma_start3A_89 = arith.constant 0 : i32
        %dma_start3A_90 = tpu.memref_slice %arg3[%run_scoped3A_15, %add3A_14, %dma_start3A_89] : memref<2x2560x128xi32, #tpu.memory_space<hbm>> -> memref<1x40x128xi32, #tpu.memory_space<hbm>>
        %dma_start3A_91 = tpu.memref_squeeze %dma_start3A_90 : memref<1x40x128xi32, #tpu.memory_space<hbm>> -> memref<40x128xi32, #tpu.memory_space<hbm>>
        tpu.enqueue_dma source(%dma_start3A_91 : memref<40x128xi32, #tpu.memory_space<hbm>>) target(%arg7 : memref<40x128xi32, #tpu.memory_space<vmem>>) target_semaphore(%run_scoped3A_85 : memref<!tpu.dma_semaphore, #tpu.memory_space<semaphore_mem>>)
        %dma_wait3A_92 = arith.constant 0 : i32
        %dma_wait3A_93 = tpu.memref_slice %arg3[%run_scoped3A_15, %add3A_14, %dma_wait3A_92] : memref<2x2560x128xi32, #tpu.memory_space<hbm>> -> memref<1x40x128xi32, #tpu.memory_space<hbm>>
        %dma_wait3A_94 = tpu.memref_squeeze %dma_wait3A_93 : memref<1x40x128xi32, #tpu.memory_space<hbm>> -> memref<40x128xi32, #tpu.memory_space<hbm>>
        %dma_wait3A_95 = arith.constant 0 : i32
        %dma_wait3A_96 = tpu.memref_slice %arg3[%run_scoped3A_15, %add3A_14, %dma_wait3A_95] : memref<2x2560x128xi32, #tpu.memory_space<hbm>> -> memref<1x40x128xi32, #tpu.memory_space<hbm>>
        %dma_wait3A_97 = tpu.memref_squeeze %dma_wait3A_96 : memref<1x40x128xi32, #tpu.memory_space<hbm>> -> memref<40x128xi32, #tpu.memory_space<hbm>>
        tpu.wait_dma2 semaphore(%run_scoped3A_85 : memref<!tpu.dma_semaphore, #tpu.memory_space<semaphore_mem>>) src(%dma_wait3A_97 : memref<40x128xi32, #tpu.memory_space<hbm>>) dst(%arg7 : memref<40x128xi32, #tpu.memory_space<vmem>>)
        tpu.yield
      }) : () -> ()
      %dma_start3A = arith.constant 0 : i32
      %dma_start3A_16 = arith.constant 0 : i32
      %dma_start3A_17 = tpu.memref_slice %arg6[%dma_start3A, %dma_start3A_16] : memref<40x128xi32, #tpu.memory_space<vmem>> -> memref<1x128xi32, #tpu.memory_space<vmem>>
      %dma_start3A_18 = tpu.memref_squeeze %dma_start3A_17 : memref<1x128xi32, #tpu.memory_space<vmem>> -> memref<128xi32, #tpu.memory_space<vmem>>
      %dma_start3A_19 = arith.constant 0 : i32
      %dma_start3A_20 = arith.constant 0 : i32
      %dma_start3A_21 = tpu.memref_slice %arg2[%dma_start3A_19, %dma_start3A_20] : memref<10240x128xf32, #tpu.memory_space<hbm>> -> memref<10240x128xf32, #tpu.memory_space<hbm>>
      tpu.enqueue_indirect_dma source(%dma_start3A_21 : memref<10240x128xf32, #tpu.memory_space<hbm>>) target(%arg8 : memref<128x128xf32, #tpu.memory_space<vmem>>) offsets(%dma_start3A_18 : memref<128xi32, #tpu.memory_space<vmem>>) semaphore(%arg10 : memref<!tpu.dma_semaphore, #tpu.memory_space<semaphore_mem>>)
      %dma_start3A_22 = arith.constant 1 : i32
      %dma_start3A_23 = arith.constant 0 : i32
      %dma_start3A_24 = tpu.memref_slice %arg6[%dma_start3A_22, %dma_start3A_23] : memref<40x128xi32, #tpu.memory_space<vmem>> -> memref<1x128xi32, #tpu.memory_space<vmem>>
      %dma_start3A_25 = tpu.memref_squeeze %dma_start3A_24 : memref<1x128xi32, #tpu.memory_space<vmem>> -> memref<128xi32, #tpu.memory_space<vmem>>
      %dma_start3A_26 = arith.constant 0 : i32
      %dma_start3A_27 = arith.constant 0 : i32
      %dma_start3A_28 = tpu.memref_slice %arg2[%dma_start3A_26, %dma_start3A_27] : memref<10240x128xf32, #tpu.memory_space<hbm>> -> memref<10240x128xf32, #tpu.memory_space<hbm>>
      tpu.enqueue_indirect_dma source(%dma_start3A_28 : memref<10240x128xf32, #tpu.memory_space<hbm>>) target(%arg9 : memref<128x128xf32, #tpu.memory_space<vmem>>) offsets(%dma_start3A_25 : memref<128xi32, #tpu.memory_space<vmem>>) semaphore(%arg11 : memref<!tpu.dma_semaphore, #tpu.memory_space<semaphore_mem>>)
      %scan3A = arith.constant 0 : i32
      %scan3A_29 = arith.constant 0 : i32
      %scan3A_30 = arith.constant 20 : i32
      %scan3A_31 = arith.addi %scan3A_29, %scan3A_30 : i32
      %scan3A_32 = arith.constant 1 : i32
      scf.for %scan3A_85 = %scan3A_29 to %scan3A_31 step %scan3A_32  : i32 {
        %mul3A_86 = arith.constant 2 : i32
        %mul3A_87 = arith.muli %scan3A_85, %mul3A_86 : i32
        %dma_wait3A_88 = arith.constant 0 : i32
        %dma_wait3A_89 = tpu.memref_slice %arg6[%mul3A_87, %dma_wait3A_88] : memref<40x128xi32, #tpu.memory_space<vmem>> -> memref<1x128xi32, #tpu.memory_space<vmem>>
        %dma_wait3A_90 = tpu.memref_squeeze %dma_wait3A_89 : memref<1x128xi32, #tpu.memory_space<vmem>> -> memref<128xi32, #tpu.memory_space<vmem>>
        %dma_wait3A_91 = arith.constant 0 : i32
        %dma_wait3A_92 = arith.constant 0 : i32
        %dma_wait3A_93 = tpu.memref_slice %arg2[%dma_wait3A_91, %dma_wait3A_92] : memref<10240x128xf32, #tpu.memory_space<hbm>> -> memref<10240x128xf32, #tpu.memory_space<hbm>>
        tpu.wait_indirect_dma semaphore(%arg10 : memref<!tpu.dma_semaphore, #tpu.memory_space<semaphore_mem>>) src(%dma_wait3A_93 : memref<10240x128xf32, #tpu.memory_space<hbm>>) dst(%arg8 : memref<128x128xf32, #tpu.memory_space<vmem>>)
        %dma_start3A_94 = arith.constant 0 : i32
        %dma_start3A_95 = tpu.memref_slice %arg7[%mul3A_87, %dma_start3A_94] : memref<40x128xi32, #tpu.memory_space<vmem>> -> memref<1x128xi32, #tpu.memory_space<vmem>>
        %dma_start3A_96 = tpu.memref_squeeze %dma_start3A_95 : memref<1x128xi32, #tpu.memory_space<vmem>> -> memref<128xi32, #tpu.memory_space<vmem>>
        %dma_start3A_97 = arith.constant 0 : i32
        %dma_start3A_98 = arith.constant 0 : i32
        %dma_start3A_99 = tpu.memref_slice %arg14[%dma_start3A_97, %dma_start3A_98] : memref<10240x128xf32, #tpu.memory_space<vmem_shared>> -> memref<10240x128xf32, #tpu.memory_space<vmem_shared>>
        tpu.enqueue_indirect_dma source(%arg8 : memref<128x128xf32, #tpu.memory_space<vmem>>) target(%dma_start3A_99 : memref<10240x128xf32, #tpu.memory_space<vmem_shared>>) offsets(%dma_start3A_96 : memref<128xi32, #tpu.memory_space<vmem>>) semaphore(%arg12 : memref<!tpu.dma_semaphore, #tpu.memory_space<semaphore_mem>>) {add = true}
        %add3A_100 = arith.constant 1 : i32
        %add3A_101 = arith.addi %mul3A_87, %add3A_100 : i32
        %dma_wait3A_102 = arith.constant 0 : i32
        %dma_wait3A_103 = tpu.memref_slice %arg6[%add3A_101, %dma_wait3A_102] : memref<40x128xi32, #tpu.memory_space<vmem>> -> memref<1x128xi32, #tpu.memory_space<vmem>>
        %dma_wait3A_104 = tpu.memref_squeeze %dma_wait3A_103 : memref<1x128xi32, #tpu.memory_space<vmem>> -> memref<128xi32, #tpu.memory_space<vmem>>
        %dma_wait3A_105 = arith.constant 0 : i32
        %dma_wait3A_106 = arith.constant 0 : i32
        %dma_wait3A_107 = tpu.memref_slice %arg2[%dma_wait3A_105, %dma_wait3A_106] : memref<10240x128xf32, #tpu.memory_space<hbm>> -> memref<10240x128xf32, #tpu.memory_space<hbm>>
        tpu.wait_indirect_dma semaphore(%arg11 : memref<!tpu.dma_semaphore, #tpu.memory_space<semaphore_mem>>) src(%dma_wait3A_107 : memref<10240x128xf32, #tpu.memory_space<hbm>>) dst(%arg9 : memref<128x128xf32, #tpu.memory_space<vmem>>)
        %add3A_108 = arith.constant 1 : i32
        %add3A_109 = arith.addi %mul3A_87, %add3A_108 : i32
        %dma_start3A_110 = arith.constant 0 : i32
        %dma_start3A_111 = tpu.memref_slice %arg7[%add3A_109, %dma_start3A_110] : memref<40x128xi32, #tpu.memory_space<vmem>> -> memref<1x128xi32, #tpu.memory_space<vmem>>
        %dma_start3A_112 = tpu.memref_squeeze %dma_start3A_111 : memref<1x128xi32, #tpu.memory_space<vmem>> -> memref<128xi32, #tpu.memory_space<vmem>>
        %dma_start3A_113 = arith.constant 0 : i32
        %dma_start3A_114 = arith.constant 0 : i32
        %dma_start3A_115 = tpu.memref_slice %arg14[%dma_start3A_113, %dma_start3A_114] : memref<10240x128xf32, #tpu.memory_space<vmem_shared>> -> memref<10240x128xf32, #tpu.memory_space<vmem_shared>>
        tpu.enqueue_indirect_dma source(%arg9 : memref<128x128xf32, #tpu.memory_space<vmem>>) target(%dma_start3A_115 : memref<10240x128xf32, #tpu.memory_space<vmem_shared>>) offsets(%dma_start3A_112 : memref<128xi32, #tpu.memory_space<vmem>>) semaphore(%arg13 : memref<!tpu.dma_semaphore, #tpu.memory_space<semaphore_mem>>) {add = true}
        %add3A_116 = arith.constant 2 : i32
        %add3A_117 = arith.addi %mul3A_87, %add3A_116 : i32
        %lt3A = arith.constant 40 : i32
        %lt3A_118 = arith.cmpi slt, %add3A_117, %lt3A : i32
        %convert_element_type3A_119 = arith.extui %lt3A_118 : i1 to i32
        %cond3A_120 = arith.constant 0 : i32
        %cond3A_121 = arith.cmpi ne, %convert_element_type3A_119, %cond3A_120 : i32
        scf.if %cond3A_121 {
          %dma_wait3A_129 = arith.constant 0 : i32
          %dma_wait3A_130 = arith.constant 0 : i32
          %dma_wait3A_131 = tpu.memref_slice %arg7[%dma_wait3A_129, %dma_wait3A_130] : memref<40x128xi32, #tpu.memory_space<vmem>> -> memref<1x128xi32, #tpu.memory_space<vmem>>
          %dma_wait3A_132 = tpu.memref_squeeze %dma_wait3A_131 : memref<1x128xi32, #tpu.memory_space<vmem>> -> memref<128xi32, #tpu.memory_space<vmem>>
          %dma_wait3A_133 = arith.constant 0 : i32
          %dma_wait3A_134 = arith.constant 0 : i32
          %dma_wait3A_135 = tpu.memref_slice %arg14[%dma_wait3A_133, %dma_wait3A_134] : memref<10240x128xf32, #tpu.memory_space<vmem_shared>> -> memref<10240x128xf32, #tpu.memory_space<vmem_shared>>
          tpu.wait_indirect_dma semaphore(%arg12 : memref<!tpu.dma_semaphore, #tpu.memory_space<semaphore_mem>>) src(%arg8 : memref<128x128xf32, #tpu.memory_space<vmem>>) dst(%dma_wait3A_135 : memref<10240x128xf32, #tpu.memory_space<vmem_shared>>)
          %add3A_136 = arith.constant 2 : i32
          %add3A_137 = arith.addi %mul3A_87, %add3A_136 : i32
          %dma_start3A_138 = arith.constant 0 : i32
          %dma_start3A_139 = tpu.memref_slice %arg6[%add3A_137, %dma_start3A_138] : memref<40x128xi32, #tpu.memory_space<vmem>> -> memref<1x128xi32, #tpu.memory_space<vmem>>
          %dma_start3A_140 = tpu.memref_squeeze %dma_start3A_139 : memref<1x128xi32, #tpu.memory_space<vmem>> -> memref<128xi32, #tpu.memory_space<vmem>>
          %dma_start3A_141 = arith.constant 0 : i32
          %dma_start3A_142 = arith.constant 0 : i32
          %dma_start3A_143 = tpu.memref_slice %arg2[%dma_start3A_141, %dma_start3A_142] : memref<10240x128xf32, #tpu.memory_space<hbm>> -> memref<10240x128xf32, #tpu.memory_space<hbm>>
          tpu.enqueue_indirect_dma source(%dma_start3A_143 : memref<10240x128xf32, #tpu.memory_space<hbm>>) target(%arg8 : memref<128x128xf32, #tpu.memory_space<vmem>>) offsets(%dma_start3A_140 : memref<128xi32, #tpu.memory_space<vmem>>) semaphore(%arg10 : memref<!tpu.dma_semaphore, #tpu.memory_space<semaphore_mem>>)
        } else {
        }
        %add3A_122 = arith.constant 3 : i32
        %add3A_123 = arith.addi %mul3A_87, %add3A_122 : i32
        %lt3A_124 = arith.constant 40 : i32
        %lt3A_125 = arith.cmpi slt, %add3A_123, %lt3A_124 : i32
        %convert_element_type3A_126 = arith.extui %lt3A_125 : i1 to i32
        %cond3A_127 = arith.constant 0 : i32
        %cond3A_128 = arith.cmpi ne, %convert_element_type3A_126, %cond3A_127 : i32
        scf.if %cond3A_128 {
          %dma_wait3A_129 = arith.constant 0 : i32
          %dma_wait3A_130 = arith.constant 0 : i32
          %dma_wait3A_131 = tpu.memref_slice %arg7[%dma_wait3A_129, %dma_wait3A_130] : memref<40x128xi32, #tpu.memory_space<vmem>> -> memref<1x128xi32, #tpu.memory_space<vmem>>
          %dma_wait3A_132 = tpu.memref_squeeze %dma_wait3A_131 : memref<1x128xi32, #tpu.memory_space<vmem>> -> memref<128xi32, #tpu.memory_space<vmem>>
          %dma_wait3A_133 = arith.constant 0 : i32
          %dma_wait3A_134 = arith.constant 0 : i32
          %dma_wait3A_135 = tpu.memref_slice %arg14[%dma_wait3A_133, %dma_wait3A_134] : memref<10240x128xf32, #tpu.memory_space<vmem_shared>> -> memref<10240x128xf32, #tpu.memory_space<vmem_shared>>
          tpu.wait_indirect_dma semaphore(%arg13 : memref<!tpu.dma_semaphore, #tpu.memory_space<semaphore_mem>>) src(%arg9 : memref<128x128xf32, #tpu.memory_space<vmem>>) dst(%dma_wait3A_135 : memref<10240x128xf32, #tpu.memory_space<vmem_shared>>)
          %add3A_136 = arith.constant 3 : i32
          %add3A_137 = arith.addi %mul3A_87, %add3A_136 : i32
          %dma_start3A_138 = arith.constant 0 : i32
          %dma_start3A_139 = tpu.memref_slice %arg6[%add3A_137, %dma_start3A_138] : memref<40x128xi32, #tpu.memory_space<vmem>> -> memref<1x128xi32, #tpu.memory_space<vmem>>
          %dma_start3A_140 = tpu.memref_squeeze %dma_start3A_139 : memref<1x128xi32, #tpu.memory_space<vmem>> -> memref<128xi32, #tpu.memory_space<vmem>>
          %dma_start3A_141 = arith.constant 0 : i32
          %dma_start3A_142 = arith.constant 0 : i32
          %dma_start3A_143 = tpu.memref_slice %arg2[%dma_start3A_141, %dma_start3A_142] : memref<10240x128xf32, #tpu.memory_space<hbm>> -> memref<10240x128xf32, #tpu.memory_space<hbm>>
          tpu.enqueue_indirect_dma source(%dma_start3A_143 : memref<10240x128xf32, #tpu.memory_space<hbm>>) target(%arg9 : memref<128x128xf32, #tpu.memory_space<vmem>>) offsets(%dma_start3A_140 : memref<128xi32, #tpu.memory_space<vmem>>) semaphore(%arg11 : memref<!tpu.dma_semaphore, #tpu.memory_space<semaphore_mem>>)
        } else {
        }
      }
      %scan3A_33 = arith.constant 20 : i32
      %dma_wait3A = arith.constant 0 : i32
      %dma_wait3A_34 = arith.constant 0 : i32
      %dma_wait3A_35 = tpu.memref_slice %arg7[%dma_wait3A, %dma_wait3A_34] : memref<40x128xi32, #tpu.memory_space<vmem>> -> memref<1x128xi32, #tpu.memory_space<vmem>>
      %dma_wait3A_36 = tpu.memref_squeeze %dma_wait3A_35 : memref<1x128xi32, #tpu.memory_space<vmem>> -> memref<128xi32, #tpu.memory_space<vmem>>
      %dma_wait3A_37 = arith.constant 0 : i32
      %dma_wait3A_38 = arith.constant 0 : i32
      %dma_wait3A_39 = tpu.memref_slice %arg14[%dma_wait3A_37, %dma_wait3A_38] : memref<10240x128xf32, #tpu.memory_space<vmem_shared>> -> memref<10240x128xf32, #tpu.memory_space<vmem_shared>>
      tpu.wait_indirect_dma semaphore(%arg12 : memref<!tpu.dma_semaphore, #tpu.memory_space<semaphore_mem>>) src(%arg8 : memref<128x128xf32, #tpu.memory_space<vmem>>) dst(%dma_wait3A_39 : memref<10240x128xf32, #tpu.memory_space<vmem_shared>>)
      %dma_wait3A_40 = arith.constant 0 : i32
      %dma_wait3A_41 = arith.constant 0 : i32
      %dma_wait3A_42 = tpu.memref_slice %arg7[%dma_wait3A_40, %dma_wait3A_41] : memref<40x128xi32, #tpu.memory_space<vmem>> -> memref<1x128xi32, #tpu.memory_space<vmem>>
      %dma_wait3A_43 = tpu.memref_squeeze %dma_wait3A_42 : memref<1x128xi32, #tpu.memory_space<vmem>> -> memref<128xi32, #tpu.memory_space<vmem>>
      %dma_wait3A_44 = arith.constant 0 : i32
      %dma_wait3A_45 = arith.constant 0 : i32
      %dma_wait3A_46 = tpu.memref_slice %arg14[%dma_wait3A_44, %dma_wait3A_45] : memref<10240x128xf32, #tpu.memory_space<vmem_shared>> -> memref<10240x128xf32, #tpu.memory_space<vmem_shared>>
      tpu.wait_indirect_dma semaphore(%arg13 : memref<!tpu.dma_semaphore, #tpu.memory_space<semaphore_mem>>) src(%arg9 : memref<128x128xf32, #tpu.memory_space<vmem>>) dst(%dma_wait3A_46 : memref<10240x128xf32, #tpu.memory_space<vmem_shared>>)
      %add3A_47 = arith.constant 40 : i32
      %add3A_48 = arith.addi %mul3A_12, %add3A_47 : i32
      %run_scoped3A_49 = arith.constant 0 : i32
      "tpu.region"() ({
        %run_scoped3A_85 = tpu.sem_alloc : memref<!tpu.dma_semaphore, #tpu.memory_space<semaphore_mem>>
        %dma_start3A_86 = arith.constant 0 : i32
        %dma_start3A_87 = tpu.memref_slice %arg3[%run_scoped3A_49, %add3A_48, %dma_start3A_86] : memref<2x2560x128xi32, #tpu.memory_space<hbm>> -> memref<1x40x128xi32, #tpu.memory_space<hbm>>
        %dma_start3A_88 = tpu.memref_squeeze %dma_start3A_87 : memref<1x40x128xi32, #tpu.memory_space<hbm>> -> memref<40x128xi32, #tpu.memory_space<hbm>>
        %dma_start3A_89 = arith.constant 0 : i32
        %dma_start3A_90 = tpu.memref_slice %arg3[%run_scoped3A_49, %add3A_48, %dma_start3A_89] : memref<2x2560x128xi32, #tpu.memory_space<hbm>> -> memref<1x40x128xi32, #tpu.memory_space<hbm>>
        %dma_start3A_91 = tpu.memref_squeeze %dma_start3A_90 : memref<1x40x128xi32, #tpu.memory_space<hbm>> -> memref<40x128xi32, #tpu.memory_space<hbm>>
        tpu.enqueue_dma source(%dma_start3A_91 : memref<40x128xi32, #tpu.memory_space<hbm>>) target(%arg6 : memref<40x128xi32, #tpu.memory_space<vmem>>) target_semaphore(%run_scoped3A_85 : memref<!tpu.dma_semaphore, #tpu.memory_space<semaphore_mem>>)
        %dma_wait3A_92 = arith.constant 0 : i32
        %dma_wait3A_93 = tpu.memref_slice %arg3[%run_scoped3A_49, %add3A_48, %dma_wait3A_92] : memref<2x2560x128xi32, #tpu.memory_space<hbm>> -> memref<1x40x128xi32, #tpu.memory_space<hbm>>
        %dma_wait3A_94 = tpu.memref_squeeze %dma_wait3A_93 : memref<1x40x128xi32, #tpu.memory_space<hbm>> -> memref<40x128xi32, #tpu.memory_space<hbm>>
        %dma_wait3A_95 = arith.constant 0 : i32
        %dma_wait3A_96 = tpu.memref_slice %arg3[%run_scoped3A_49, %add3A_48, %dma_wait3A_95] : memref<2x2560x128xi32, #tpu.memory_space<hbm>> -> memref<1x40x128xi32, #tpu.memory_space<hbm>>
        %dma_wait3A_97 = tpu.memref_squeeze %dma_wait3A_96 : memref<1x40x128xi32, #tpu.memory_space<hbm>> -> memref<40x128xi32, #tpu.memory_space<hbm>>
        tpu.wait_dma2 semaphore(%run_scoped3A_85 : memref<!tpu.dma_semaphore, #tpu.memory_space<semaphore_mem>>) src(%dma_wait3A_97 : memref<40x128xi32, #tpu.memory_space<hbm>>) dst(%arg6 : memref<40x128xi32, #tpu.memory_space<vmem>>)
        tpu.yield
      }) : () -> ()
      %run_scoped3A_50 = arith.constant 1 : i32
      "tpu.region"() ({
        %run_scoped3A_85 = tpu.sem_alloc : memref<!tpu.dma_semaphore, #tpu.memory_space<semaphore_mem>>
        %dma_start3A_86 = arith.constant 0 : i32
        %dma_start3A_87 = tpu.memref_slice %arg3[%run_scoped3A_50, %add3A_48, %dma_start3A_86] : memref<2x2560x128xi32, #tpu.memory_space<hbm>> -> memref<1x40x128xi32, #tpu.memory_space<hbm>>
        %dma_start3A_88 = tpu.memref_squeeze %dma_start3A_87 : memref<1x40x128xi32, #tpu.memory_space<hbm>> -> memref<40x128xi32, #tpu.memory_space<hbm>>
        %dma_start3A_89 = arith.constant 0 : i32
        %dma_start3A_90 = tpu.memref_slice %arg3[%run_scoped3A_50, %add3A_48, %dma_start3A_89] : memref<2x2560x128xi32, #tpu.memory_space<hbm>> -> memref<1x40x128xi32, #tpu.memory_space<hbm>>
        %dma_start3A_91 = tpu.memref_squeeze %dma_start3A_90 : memref<1x40x128xi32, #tpu.memory_space<hbm>> -> memref<40x128xi32, #tpu.memory_space<hbm>>
        tpu.enqueue_dma source(%dma_start3A_91 : memref<40x128xi32, #tpu.memory_space<hbm>>) target(%arg7 : memref<40x128xi32, #tpu.memory_space<vmem>>) target_semaphore(%run_scoped3A_85 : memref<!tpu.dma_semaphore, #tpu.memory_space<semaphore_mem>>)
        %dma_wait3A_92 = arith.constant 0 : i32
        %dma_wait3A_93 = tpu.memref_slice %arg3[%run_scoped3A_50, %add3A_48, %dma_wait3A_92] : memref<2x2560x128xi32, #tpu.memory_space<hbm>> -> memref<1x40x128xi32, #tpu.memory_space<hbm>>
        %dma_wait3A_94 = tpu.memref_squeeze %dma_wait3A_93 : memref<1x40x128xi32, #tpu.memory_space<hbm>> -> memref<40x128xi32, #tpu.memory_space<hbm>>
        %dma_wait3A_95 = arith.constant 0 : i32
        %dma_wait3A_96 = tpu.memref_slice %arg3[%run_scoped3A_50, %add3A_48, %dma_wait3A_95] : memref<2x2560x128xi32, #tpu.memory_space<hbm>> -> memref<1x40x128xi32, #tpu.memory_space<hbm>>
        %dma_wait3A_97 = tpu.memref_squeeze %dma_wait3A_96 : memref<1x40x128xi32, #tpu.memory_space<hbm>> -> memref<40x128xi32, #tpu.memory_space<hbm>>
        tpu.wait_dma2 semaphore(%run_scoped3A_85 : memref<!tpu.dma_semaphore, #tpu.memory_space<semaphore_mem>>) src(%dma_wait3A_97 : memref<40x128xi32, #tpu.memory_space<hbm>>) dst(%arg7 : memref<40x128xi32, #tpu.memory_space<vmem>>)
        tpu.yield
      }) : () -> ()
      %dma_start3A_51 = arith.constant 0 : i32
      %dma_start3A_52 = arith.constant 0 : i32
      %dma_start3A_53 = tpu.memref_slice %arg6[%dma_start3A_51, %dma_start3A_52] : memref<40x128xi32, #tpu.memory_space<vmem>> -> memref<1x128xi32, #tpu.memory_space<vmem>>
      %dma_start3A_54 = tpu.memref_squeeze %dma_start3A_53 : memref<1x128xi32, #tpu.memory_space<vmem>> -> memref<128xi32, #tpu.memory_space<vmem>>
      %dma_start3A_55 = arith.constant 0 : i32
      %dma_start3A_56 = arith.constant 0 : i32
      %dma_start3A_57 = tpu.memref_slice %arg2[%dma_start3A_55, %dma_start3A_56] : memref<10240x128xf32, #tpu.memory_space<hbm>> -> memref<10240x128xf32, #tpu.memory_space<hbm>>
      tpu.enqueue_indirect_dma source(%dma_start3A_57 : memref<10240x128xf32, #tpu.memory_space<hbm>>) target(%arg8 : memref<128x128xf32, #tpu.memory_space<vmem>>) offsets(%dma_start3A_54 : memref<128xi32, #tpu.memory_space<vmem>>) semaphore(%arg10 : memref<!tpu.dma_semaphore, #tpu.memory_space<semaphore_mem>>)
      %dma_start3A_58 = arith.constant 1 : i32
      %dma_start3A_59 = arith.constant 0 : i32
      %dma_start3A_60 = tpu.memref_slice %arg6[%dma_start3A_58, %dma_start3A_59] : memref<40x128xi32, #tpu.memory_space<vmem>> -> memref<1x128xi32, #tpu.memory_space<vmem>>
      %dma_start3A_61 = tpu.memref_squeeze %dma_start3A_60 : memref<1x128xi32, #tpu.memory_space<vmem>> -> memref<128xi32, #tpu.memory_space<vmem>>
      %dma_start3A_62 = arith.constant 0 : i32
      %dma_start3A_63 = arith.constant 0 : i32
      %dma_start3A_64 = tpu.memref_slice %arg2[%dma_start3A_62, %dma_start3A_63] : memref<10240x128xf32, #tpu.memory_space<hbm>> -> memref<10240x128xf32, #tpu.memory_space<hbm>>
      tpu.enqueue_indirect_dma source(%dma_start3A_64 : memref<10240x128xf32, #tpu.memory_space<hbm>>) target(%arg9 : memref<128x128xf32, #tpu.memory_space<vmem>>) offsets(%dma_start3A_61 : memref<128xi32, #tpu.memory_space<vmem>>) semaphore(%arg11 : memref<!tpu.dma_semaphore, #tpu.memory_space<semaphore_mem>>)
      %scan3A_65 = arith.constant 0 : i32
      %scan3A_66 = arith.constant 0 : i32
      %scan3A_67 = arith.constant 20 : i32
      %scan3A_68 = arith.addi %scan3A_66, %scan3A_67 : i32
      %scan3A_69 = arith.constant 1 : i32
      scf.for %scan3A_85 = %scan3A_66 to %scan3A_68 step %scan3A_69  : i32 {
        %mul3A_86 = arith.constant 2 : i32
        %mul3A_87 = arith.muli %scan3A_85, %mul3A_86 : i32
        %dma_wait3A_88 = arith.constant 0 : i32
        %dma_wait3A_89 = tpu.memref_slice %arg6[%mul3A_87, %dma_wait3A_88] : memref<40x128xi32, #tpu.memory_space<vmem>> -> memref<1x128xi32, #tpu.memory_space<vmem>>
        %dma_wait3A_90 = tpu.memref_squeeze %dma_wait3A_89 : memref<1x128xi32, #tpu.memory_space<vmem>> -> memref<128xi32, #tpu.memory_space<vmem>>
        %dma_wait3A_91 = arith.constant 0 : i32
        %dma_wait3A_92 = arith.constant 0 : i32
        %dma_wait3A_93 = tpu.memref_slice %arg2[%dma_wait3A_91, %dma_wait3A_92] : memref<10240x128xf32, #tpu.memory_space<hbm>> -> memref<10240x128xf32, #tpu.memory_space<hbm>>
        tpu.wait_indirect_dma semaphore(%arg10 : memref<!tpu.dma_semaphore, #tpu.memory_space<semaphore_mem>>) src(%dma_wait3A_93 : memref<10240x128xf32, #tpu.memory_space<hbm>>) dst(%arg8 : memref<128x128xf32, #tpu.memory_space<vmem>>)
        %dma_start3A_94 = arith.constant 0 : i32
        %dma_start3A_95 = tpu.memref_slice %arg7[%mul3A_87, %dma_start3A_94] : memref<40x128xi32, #tpu.memory_space<vmem>> -> memref<1x128xi32, #tpu.memory_space<vmem>>
        %dma_start3A_96 = tpu.memref_squeeze %dma_start3A_95 : memref<1x128xi32, #tpu.memory_space<vmem>> -> memref<128xi32, #tpu.memory_space<vmem>>
        %dma_start3A_97 = arith.constant 0 : i32
        %dma_start3A_98 = arith.constant 0 : i32
        %dma_start3A_99 = tpu.memref_slice %arg14[%dma_start3A_97, %dma_start3A_98] : memref<10240x128xf32, #tpu.memory_space<vmem_shared>> -> memref<10240x128xf32, #tpu.memory_space<vmem_shared>>
        tpu.enqueue_indirect_dma source(%arg8 : memref<128x128xf32, #tpu.memory_space<vmem>>) target(%dma_start3A_99 : memref<10240x128xf32, #tpu.memory_space<vmem_shared>>) offsets(%dma_start3A_96 : memref<128xi32, #tpu.memory_space<vmem>>) semaphore(%arg12 : memref<!tpu.dma_semaphore, #tpu.memory_space<semaphore_mem>>) {add = true}
        %add3A_100 = arith.constant 1 : i32
        %add3A_101 = arith.addi %mul3A_87, %add3A_100 : i32
        %dma_wait3A_102 = arith.constant 0 : i32
        %dma_wait3A_103 = tpu.memref_slice %arg6[%add3A_101, %dma_wait3A_102] : memref<40x128xi32, #tpu.memory_space<vmem>> -> memref<1x128xi32, #tpu.memory_space<vmem>>
        %dma_wait3A_104 = tpu.memref_squeeze %dma_wait3A_103 : memref<1x128xi32, #tpu.memory_space<vmem>> -> memref<128xi32, #tpu.memory_space<vmem>>
        %dma_wait3A_105 = arith.constant 0 : i32
        %dma_wait3A_106 = arith.constant 0 : i32
        %dma_wait3A_107 = tpu.memref_slice %arg2[%dma_wait3A_105, %dma_wait3A_106] : memref<10240x128xf32, #tpu.memory_space<hbm>> -> memref<10240x128xf32, #tpu.memory_space<hbm>>
        tpu.wait_indirect_dma semaphore(%arg11 : memref<!tpu.dma_semaphore, #tpu.memory_space<semaphore_mem>>) src(%dma_wait3A_107 : memref<10240x128xf32, #tpu.memory_space<hbm>>) dst(%arg9 : memref<128x128xf32, #tpu.memory_space<vmem>>)
        %add3A_108 = arith.constant 1 : i32
        %add3A_109 = arith.addi %mul3A_87, %add3A_108 : i32
        %dma_start3A_110 = arith.constant 0 : i32
        %dma_start3A_111 = tpu.memref_slice %arg7[%add3A_109, %dma_start3A_110] : memref<40x128xi32, #tpu.memory_space<vmem>> -> memref<1x128xi32, #tpu.memory_space<vmem>>
        %dma_start3A_112 = tpu.memref_squeeze %dma_start3A_111 : memref<1x128xi32, #tpu.memory_space<vmem>> -> memref<128xi32, #tpu.memory_space<vmem>>
        %dma_start3A_113 = arith.constant 0 : i32
        %dma_start3A_114 = arith.constant 0 : i32
        %dma_start3A_115 = tpu.memref_slice %arg14[%dma_start3A_113, %dma_start3A_114] : memref<10240x128xf32, #tpu.memory_space<vmem_shared>> -> memref<10240x128xf32, #tpu.memory_space<vmem_shared>>
        tpu.enqueue_indirect_dma source(%arg9 : memref<128x128xf32, #tpu.memory_space<vmem>>) target(%dma_start3A_115 : memref<10240x128xf32, #tpu.memory_space<vmem_shared>>) offsets(%dma_start3A_112 : memref<128xi32, #tpu.memory_space<vmem>>) semaphore(%arg13 : memref<!tpu.dma_semaphore, #tpu.memory_space<semaphore_mem>>) {add = true}
        %add3A_116 = arith.constant 2 : i32
        %add3A_117 = arith.addi %mul3A_87, %add3A_116 : i32
        %lt3A = arith.constant 40 : i32
        %lt3A_118 = arith.cmpi slt, %add3A_117, %lt3A : i32
        %convert_element_type3A_119 = arith.extui %lt3A_118 : i1 to i32
        %cond3A_120 = arith.constant 0 : i32
        %cond3A_121 = arith.cmpi ne, %convert_element_type3A_119, %cond3A_120 : i32
        scf.if %cond3A_121 {
          %dma_wait3A_129 = arith.constant 0 : i32
          %dma_wait3A_130 = arith.constant 0 : i32
          %dma_wait3A_131 = tpu.memref_slice %arg7[%dma_wait3A_129, %dma_wait3A_130] : memref<40x128xi32, #tpu.memory_space<vmem>> -> memref<1x128xi32, #tpu.memory_space<vmem>>
          %dma_wait3A_132 = tpu.memref_squeeze %dma_wait3A_131 : memref<1x128xi32, #tpu.memory_space<vmem>> -> memref<128xi32, #tpu.memory_space<vmem>>
          %dma_wait3A_133 = arith.constant 0 : i32
          %dma_wait3A_134 = arith.constant 0 : i32
          %dma_wait3A_135 = tpu.memref_slice %arg14[%dma_wait3A_133, %dma_wait3A_134] : memref<10240x128xf32, #tpu.memory_space<vmem_shared>> -> memref<10240x128xf32, #tpu.memory_space<vmem_shared>>
          tpu.wait_indirect_dma semaphore(%arg12 : memref<!tpu.dma_semaphore, #tpu.memory_space<semaphore_mem>>) src(%arg8 : memref<128x128xf32, #tpu.memory_space<vmem>>) dst(%dma_wait3A_135 : memref<10240x128xf32, #tpu.memory_space<vmem_shared>>)
          %add3A_136 = arith.constant 2 : i32
          %add3A_137 = arith.addi %mul3A_87, %add3A_136 : i32
          %dma_start3A_138 = arith.constant 0 : i32
          %dma_start3A_139 = tpu.memref_slice %arg6[%add3A_137, %dma_start3A_138] : memref<40x128xi32, #tpu.memory_space<vmem>> -> memref<1x128xi32, #tpu.memory_space<vmem>>
          %dma_start3A_140 = tpu.memref_squeeze %dma_start3A_139 : memref<1x128xi32, #tpu.memory_space<vmem>> -> memref<128xi32, #tpu.memory_space<vmem>>
          %dma_start3A_141 = arith.constant 0 : i32
          %dma_start3A_142 = arith.constant 0 : i32
          %dma_start3A_143 = tpu.memref_slice %arg2[%dma_start3A_141, %dma_start3A_142] : memref<10240x128xf32, #tpu.memory_space<hbm>> -> memref<10240x128xf32, #tpu.memory_space<hbm>>
          tpu.enqueue_indirect_dma source(%dma_start3A_143 : memref<10240x128xf32, #tpu.memory_space<hbm>>) target(%arg8 : memref<128x128xf32, #tpu.memory_space<vmem>>) offsets(%dma_start3A_140 : memref<128xi32, #tpu.memory_space<vmem>>) semaphore(%arg10 : memref<!tpu.dma_semaphore, #tpu.memory_space<semaphore_mem>>)
        } else {
        }
        %add3A_122 = arith.constant 3 : i32
        %add3A_123 = arith.addi %mul3A_87, %add3A_122 : i32
        %lt3A_124 = arith.constant 40 : i32
        %lt3A_125 = arith.cmpi slt, %add3A_123, %lt3A_124 : i32
        %convert_element_type3A_126 = arith.extui %lt3A_125 : i1 to i32
        %cond3A_127 = arith.constant 0 : i32
        %cond3A_128 = arith.cmpi ne, %convert_element_type3A_126, %cond3A_127 : i32
        scf.if %cond3A_128 {
          %dma_wait3A_129 = arith.constant 0 : i32
          %dma_wait3A_130 = arith.constant 0 : i32
          %dma_wait3A_131 = tpu.memref_slice %arg7[%dma_wait3A_129, %dma_wait3A_130] : memref<40x128xi32, #tpu.memory_space<vmem>> -> memref<1x128xi32, #tpu.memory_space<vmem>>
          %dma_wait3A_132 = tpu.memref_squeeze %dma_wait3A_131 : memref<1x128xi32, #tpu.memory_space<vmem>> -> memref<128xi32, #tpu.memory_space<vmem>>
          %dma_wait3A_133 = arith.constant 0 : i32
          %dma_wait3A_134 = arith.constant 0 : i32
          %dma_wait3A_135 = tpu.memref_slice %arg14[%dma_wait3A_133, %dma_wait3A_134] : memref<10240x128xf32, #tpu.memory_space<vmem_shared>> -> memref<10240x128xf32, #tpu.memory_space<vmem_shared>>
          tpu.wait_indirect_dma semaphore(%arg13 : memref<!tpu.dma_semaphore, #tpu.memory_space<semaphore_mem>>) src(%arg9 : memref<128x128xf32, #tpu.memory_space<vmem>>) dst(%dma_wait3A_135 : memref<10240x128xf32, #tpu.memory_space<vmem_shared>>)
          %add3A_136 = arith.constant 3 : i32
          %add3A_137 = arith.addi %mul3A_87, %add3A_136 : i32
          %dma_start3A_138 = arith.constant 0 : i32
          %dma_start3A_139 = tpu.memref_slice %arg6[%add3A_137, %dma_start3A_138] : memref<40x128xi32, #tpu.memory_space<vmem>> -> memref<1x128xi32, #tpu.memory_space<vmem>>
          %dma_start3A_140 = tpu.memref_squeeze %dma_start3A_139 : memref<1x128xi32, #tpu.memory_space<vmem>> -> memref<128xi32, #tpu.memory_space<vmem>>
          %dma_start3A_141 = arith.constant 0 : i32
          %dma_start3A_142 = arith.constant 0 : i32
          %dma_start3A_143 = tpu.memref_slice %arg2[%dma_start3A_141, %dma_start3A_142] : memref<10240x128xf32, #tpu.memory_space<hbm>> -> memref<10240x128xf32, #tpu.memory_space<hbm>>
          tpu.enqueue_indirect_dma source(%dma_start3A_143 : memref<10240x128xf32, #tpu.memory_space<hbm>>) target(%arg9 : memref<128x128xf32, #tpu.memory_space<vmem>>) offsets(%dma_start3A_140 : memref<128xi32, #tpu.memory_space<vmem>>) semaphore(%arg11 : memref<!tpu.dma_semaphore, #tpu.memory_space<semaphore_mem>>)
        } else {
        }
      }
      %scan3A_70 = arith.constant 20 : i32
      %dma_wait3A_71 = arith.constant 0 : i32
      %dma_wait3A_72 = arith.constant 0 : i32
      %dma_wait3A_73 = tpu.memref_slice %arg7[%dma_wait3A_71, %dma_wait3A_72] : memref<40x128xi32, #tpu.memory_space<vmem>> -> memref<1x128xi32, #tpu.memory_space<vmem>>
      %dma_wait3A_74 = tpu.memref_squeeze %dma_wait3A_73 : memref<1x128xi32, #tpu.memory_space<vmem>> -> memref<128xi32, #tpu.memory_space<vmem>>
      %dma_wait3A_75 = arith.constant 0 : i32
      %dma_wait3A_76 = arith.constant 0 : i32
      %dma_wait3A_77 = tpu.memref_slice %arg14[%dma_wait3A_75, %dma_wait3A_76] : memref<10240x128xf32, #tpu.memory_space<vmem_shared>> -> memref<10240x128xf32, #tpu.memory_space<vmem_shared>>
      tpu.wait_indirect_dma semaphore(%arg12 : memref<!tpu.dma_semaphore, #tpu.memory_space<semaphore_mem>>) src(%arg8 : memref<128x128xf32, #tpu.memory_space<vmem>>) dst(%dma_wait3A_77 : memref<10240x128xf32, #tpu.memory_space<vmem_shared>>)
      %dma_wait3A_78 = arith.constant 0 : i32
      %dma_wait3A_79 = arith.constant 0 : i32
      %dma_wait3A_80 = tpu.memref_slice %arg7[%dma_wait3A_78, %dma_wait3A_79] : memref<40x128xi32, #tpu.memory_space<vmem>> -> memref<1x128xi32, #tpu.memory_space<vmem>>
      %dma_wait3A_81 = tpu.memref_squeeze %dma_wait3A_80 : memref<1x128xi32, #tpu.memory_space<vmem>> -> memref<128xi32, #tpu.memory_space<vmem>>
      %dma_wait3A_82 = arith.constant 0 : i32
      %dma_wait3A_83 = arith.constant 0 : i32
      %dma_wait3A_84 = tpu.memref_slice %arg14[%dma_wait3A_82, %dma_wait3A_83] : memref<10240x128xf32, #tpu.memory_space<vmem_shared>> -> memref<10240x128xf32, #tpu.memory_space<vmem_shared>>
      tpu.wait_indirect_dma semaphore(%arg13 : memref<!tpu.dma_semaphore, #tpu.memory_space<semaphore_mem>>) src(%arg9 : memref<128x128xf32, #tpu.memory_space<vmem>>) dst(%dma_wait3A_84 : memref<10240x128xf32, #tpu.memory_space<vmem_shared>>)
    } else {
    }
    %eq3A_5 = arith.constant 1 : i32
    %eq3A_6 = arith.cmpi eq, %arg0, %eq3A_5 : i32
    %convert_element_type3A_7 = arith.extui %eq3A_6 : i1 to i32
    %cond3A_8 = arith.constant 0 : i32
    %cond3A_9 = arith.cmpi ne, %convert_element_type3A_7, %cond3A_8 : i32
    scf.if %cond3A_9 {
      %mul3A_11 = arith.constant 80 : i32
      %mul3A_12 = arith.muli %arg1, %mul3A_11 : i32
      %add3A_13 = arith.constant 1280 : i32
      %add3A_14 = arith.addi %add3A_13, %mul3A_12 : i32
      %add3A_15 = arith.constant 0 : i32
      %add3A_16 = arith.addi %add3A_14, %add3A_15 : i32
      %run_scoped3A = arith.constant 0 : i32
      "tpu.region"() ({
        %run_scoped3A_87 = tpu.sem_alloc : memref<!tpu.dma_semaphore, #tpu.memory_space<semaphore_mem>>
        %dma_start3A_88 = arith.constant 0 : i32
        %dma_start3A_89 = tpu.memref_slice %arg3[%run_scoped3A, %add3A_16, %dma_start3A_88] : memref<2x2560x128xi32, #tpu.memory_space<hbm>> -> memref<1x40x128xi32, #tpu.memory_space<hbm>>
        %dma_start3A_90 = tpu.memref_squeeze %dma_start3A_89 : memref<1x40x128xi32, #tpu.memory_space<hbm>> -> memref<40x128xi32, #tpu.memory_space<hbm>>
        %dma_start3A_91 = arith.constant 0 : i32
        %dma_start3A_92 = tpu.memref_slice %arg3[%run_scoped3A, %add3A_16, %dma_start3A_91] : memref<2x2560x128xi32, #tpu.memory_space<hbm>> -> memref<1x40x128xi32, #tpu.memory_space<hbm>>
        %dma_start3A_93 = tpu.memref_squeeze %dma_start3A_92 : memref<1x40x128xi32, #tpu.memory_space<hbm>> -> memref<40x128xi32, #tpu.memory_space<hbm>>
        tpu.enqueue_dma source(%dma_start3A_93 : memref<40x128xi32, #tpu.memory_space<hbm>>) target(%arg6 : memref<40x128xi32, #tpu.memory_space<vmem>>) target_semaphore(%run_scoped3A_87 : memref<!tpu.dma_semaphore, #tpu.memory_space<semaphore_mem>>)
        %dma_wait3A_94 = arith.constant 0 : i32
        %dma_wait3A_95 = tpu.memref_slice %arg3[%run_scoped3A, %add3A_16, %dma_wait3A_94] : memref<2x2560x128xi32, #tpu.memory_space<hbm>> -> memref<1x40x128xi32, #tpu.memory_space<hbm>>
        %dma_wait3A_96 = tpu.memref_squeeze %dma_wait3A_95 : memref<1x40x128xi32, #tpu.memory_space<hbm>> -> memref<40x128xi32, #tpu.memory_space<hbm>>
        %dma_wait3A_97 = arith.constant 0 : i32
        %dma_wait3A_98 = tpu.memref_slice %arg3[%run_scoped3A, %add3A_16, %dma_wait3A_97] : memref<2x2560x128xi32, #tpu.memory_space<hbm>> -> memref<1x40x128xi32, #tpu.memory_space<hbm>>
        %dma_wait3A_99 = tpu.memref_squeeze %dma_wait3A_98 : memref<1x40x128xi32, #tpu.memory_space<hbm>> -> memref<40x128xi32, #tpu.memory_space<hbm>>
        tpu.wait_dma2 semaphore(%run_scoped3A_87 : memref<!tpu.dma_semaphore, #tpu.memory_space<semaphore_mem>>) src(%dma_wait3A_99 : memref<40x128xi32, #tpu.memory_space<hbm>>) dst(%arg6 : memref<40x128xi32, #tpu.memory_space<vmem>>)
        tpu.yield
      }) : () -> ()
      %run_scoped3A_17 = arith.constant 1 : i32
      "tpu.region"() ({
        %run_scoped3A_87 = tpu.sem_alloc : memref<!tpu.dma_semaphore, #tpu.memory_space<semaphore_mem>>
        %dma_start3A_88 = arith.constant 0 : i32
        %dma_start3A_89 = tpu.memref_slice %arg3[%run_scoped3A_17, %add3A_16, %dma_start3A_88] : memref<2x2560x128xi32, #tpu.memory_space<hbm>> -> memref<1x40x128xi32, #tpu.memory_space<hbm>>
        %dma_start3A_90 = tpu.memref_squeeze %dma_start3A_89 : memref<1x40x128xi32, #tpu.memory_space<hbm>> -> memref<40x128xi32, #tpu.memory_space<hbm>>
        %dma_start3A_91 = arith.constant 0 : i32
        %dma_start3A_92 = tpu.memref_slice %arg3[%run_scoped3A_17, %add3A_16, %dma_start3A_91] : memref<2x2560x128xi32, #tpu.memory_space<hbm>> -> memref<1x40x128xi32, #tpu.memory_space<hbm>>
        %dma_start3A_93 = tpu.memref_squeeze %dma_start3A_92 : memref<1x40x128xi32, #tpu.memory_space<hbm>> -> memref<40x128xi32, #tpu.memory_space<hbm>>
        tpu.enqueue_dma source(%dma_start3A_93 : memref<40x128xi32, #tpu.memory_space<hbm>>) target(%arg7 : memref<40x128xi32, #tpu.memory_space<vmem>>) target_semaphore(%run_scoped3A_87 : memref<!tpu.dma_semaphore, #tpu.memory_space<semaphore_mem>>)
        %dma_wait3A_94 = arith.constant 0 : i32
        %dma_wait3A_95 = tpu.memref_slice %arg3[%run_scoped3A_17, %add3A_16, %dma_wait3A_94] : memref<2x2560x128xi32, #tpu.memory_space<hbm>> -> memref<1x40x128xi32, #tpu.memory_space<hbm>>
        %dma_wait3A_96 = tpu.memref_squeeze %dma_wait3A_95 : memref<1x40x128xi32, #tpu.memory_space<hbm>> -> memref<40x128xi32, #tpu.memory_space<hbm>>
        %dma_wait3A_97 = arith.constant 0 : i32
        %dma_wait3A_98 = tpu.memref_slice %arg3[%run_scoped3A_17, %add3A_16, %dma_wait3A_97] : memref<2x2560x128xi32, #tpu.memory_space<hbm>> -> memref<1x40x128xi32, #tpu.memory_space<hbm>>
        %dma_wait3A_99 = tpu.memref_squeeze %dma_wait3A_98 : memref<1x40x128xi32, #tpu.memory_space<hbm>> -> memref<40x128xi32, #tpu.memory_space<hbm>>
        tpu.wait_dma2 semaphore(%run_scoped3A_87 : memref<!tpu.dma_semaphore, #tpu.memory_space<semaphore_mem>>) src(%dma_wait3A_99 : memref<40x128xi32, #tpu.memory_space<hbm>>) dst(%arg7 : memref<40x128xi32, #tpu.memory_space<vmem>>)
        tpu.yield
      }) : () -> ()
      %dma_start3A = arith.constant 0 : i32
      %dma_start3A_18 = arith.constant 0 : i32
      %dma_start3A_19 = tpu.memref_slice %arg6[%dma_start3A, %dma_start3A_18] : memref<40x128xi32, #tpu.memory_space<vmem>> -> memref<1x128xi32, #tpu.memory_space<vmem>>
      %dma_start3A_20 = tpu.memref_squeeze %dma_start3A_19 : memref<1x128xi32, #tpu.memory_space<vmem>> -> memref<128xi32, #tpu.memory_space<vmem>>
      %dma_start3A_21 = arith.constant 0 : i32
      %dma_start3A_22 = arith.constant 0 : i32
      %dma_start3A_23 = tpu.memref_slice %arg2[%dma_start3A_21, %dma_start3A_22] : memref<10240x128xf32, #tpu.memory_space<hbm>> -> memref<10240x128xf32, #tpu.memory_space<hbm>>
      tpu.enqueue_indirect_dma source(%dma_start3A_23 : memref<10240x128xf32, #tpu.memory_space<hbm>>) target(%arg8 : memref<128x128xf32, #tpu.memory_space<vmem>>) offsets(%dma_start3A_20 : memref<128xi32, #tpu.memory_space<vmem>>) semaphore(%arg10 : memref<!tpu.dma_semaphore, #tpu.memory_space<semaphore_mem>>)
      %dma_start3A_24 = arith.constant 1 : i32
      %dma_start3A_25 = arith.constant 0 : i32
      %dma_start3A_26 = tpu.memref_slice %arg6[%dma_start3A_24, %dma_start3A_25] : memref<40x128xi32, #tpu.memory_space<vmem>> -> memref<1x128xi32, #tpu.memory_space<vmem>>
      %dma_start3A_27 = tpu.memref_squeeze %dma_start3A_26 : memref<1x128xi32, #tpu.memory_space<vmem>> -> memref<128xi32, #tpu.memory_space<vmem>>
      %dma_start3A_28 = arith.constant 0 : i32
      %dma_start3A_29 = arith.constant 0 : i32
      %dma_start3A_30 = tpu.memref_slice %arg2[%dma_start3A_28, %dma_start3A_29] : memref<10240x128xf32, #tpu.memory_space<hbm>> -> memref<10240x128xf32, #tpu.memory_space<hbm>>
      tpu.enqueue_indirect_dma source(%dma_start3A_30 : memref<10240x128xf32, #tpu.memory_space<hbm>>) target(%arg9 : memref<128x128xf32, #tpu.memory_space<vmem>>) offsets(%dma_start3A_27 : memref<128xi32, #tpu.memory_space<vmem>>) semaphore(%arg11 : memref<!tpu.dma_semaphore, #tpu.memory_space<semaphore_mem>>)
      %scan3A = arith.constant 0 : i32
      %scan3A_31 = arith.constant 0 : i32
      %scan3A_32 = arith.constant 20 : i32
      %scan3A_33 = arith.addi %scan3A_31, %scan3A_32 : i32
      %scan3A_34 = arith.constant 1 : i32
      scf.for %scan3A_87 = %scan3A_31 to %scan3A_33 step %scan3A_34  : i32 {
        %mul3A_88 = arith.constant 2 : i32
        %mul3A_89 = arith.muli %scan3A_87, %mul3A_88 : i32
        %dma_wait3A_90 = arith.constant 0 : i32
        %dma_wait3A_91 = tpu.memref_slice %arg6[%mul3A_89, %dma_wait3A_90] : memref<40x128xi32, #tpu.memory_space<vmem>> -> memref<1x128xi32, #tpu.memory_space<vmem>>
        %dma_wait3A_92 = tpu.memref_squeeze %dma_wait3A_91 : memref<1x128xi32, #tpu.memory_space<vmem>> -> memref<128xi32, #tpu.memory_space<vmem>>
        %dma_wait3A_93 = arith.constant 0 : i32
        %dma_wait3A_94 = arith.constant 0 : i32
        %dma_wait3A_95 = tpu.memref_slice %arg2[%dma_wait3A_93, %dma_wait3A_94] : memref<10240x128xf32, #tpu.memory_space<hbm>> -> memref<10240x128xf32, #tpu.memory_space<hbm>>
        tpu.wait_indirect_dma semaphore(%arg10 : memref<!tpu.dma_semaphore, #tpu.memory_space<semaphore_mem>>) src(%dma_wait3A_95 : memref<10240x128xf32, #tpu.memory_space<hbm>>) dst(%arg8 : memref<128x128xf32, #tpu.memory_space<vmem>>)
        %dma_start3A_96 = arith.constant 0 : i32
        %dma_start3A_97 = tpu.memref_slice %arg7[%mul3A_89, %dma_start3A_96] : memref<40x128xi32, #tpu.memory_space<vmem>> -> memref<1x128xi32, #tpu.memory_space<vmem>>
        %dma_start3A_98 = tpu.memref_squeeze %dma_start3A_97 : memref<1x128xi32, #tpu.memory_space<vmem>> -> memref<128xi32, #tpu.memory_space<vmem>>
        %dma_start3A_99 = arith.constant 0 : i32
        %dma_start3A_100 = arith.constant 0 : i32
        %dma_start3A_101 = tpu.memref_slice %arg14[%dma_start3A_99, %dma_start3A_100] : memref<10240x128xf32, #tpu.memory_space<vmem_shared>> -> memref<10240x128xf32, #tpu.memory_space<vmem_shared>>
        tpu.enqueue_indirect_dma source(%arg8 : memref<128x128xf32, #tpu.memory_space<vmem>>) target(%dma_start3A_101 : memref<10240x128xf32, #tpu.memory_space<vmem_shared>>) offsets(%dma_start3A_98 : memref<128xi32, #tpu.memory_space<vmem>>) semaphore(%arg12 : memref<!tpu.dma_semaphore, #tpu.memory_space<semaphore_mem>>) {add = true}
        %add3A_102 = arith.constant 1 : i32
        %add3A_103 = arith.addi %mul3A_89, %add3A_102 : i32
        %dma_wait3A_104 = arith.constant 0 : i32
        %dma_wait3A_105 = tpu.memref_slice %arg6[%add3A_103, %dma_wait3A_104] : memref<40x128xi32, #tpu.memory_space<vmem>> -> memref<1x128xi32, #tpu.memory_space<vmem>>
        %dma_wait3A_106 = tpu.memref_squeeze %dma_wait3A_105 : memref<1x128xi32, #tpu.memory_space<vmem>> -> memref<128xi32, #tpu.memory_space<vmem>>
        %dma_wait3A_107 = arith.constant 0 : i32
        %dma_wait3A_108 = arith.constant 0 : i32
        %dma_wait3A_109 = tpu.memref_slice %arg2[%dma_wait3A_107, %dma_wait3A_108] : memref<10240x128xf32, #tpu.memory_space<hbm>> -> memref<10240x128xf32, #tpu.memory_space<hbm>>
        tpu.wait_indirect_dma semaphore(%arg11 : memref<!tpu.dma_semaphore, #tpu.memory_space<semaphore_mem>>) src(%dma_wait3A_109 : memref<10240x128xf32, #tpu.memory_space<hbm>>) dst(%arg9 : memref<128x128xf32, #tpu.memory_space<vmem>>)
        %add3A_110 = arith.constant 1 : i32
        %add3A_111 = arith.addi %mul3A_89, %add3A_110 : i32
        %dma_start3A_112 = arith.constant 0 : i32
        %dma_start3A_113 = tpu.memref_slice %arg7[%add3A_111, %dma_start3A_112] : memref<40x128xi32, #tpu.memory_space<vmem>> -> memref<1x128xi32, #tpu.memory_space<vmem>>
        %dma_start3A_114 = tpu.memref_squeeze %dma_start3A_113 : memref<1x128xi32, #tpu.memory_space<vmem>> -> memref<128xi32, #tpu.memory_space<vmem>>
        %dma_start3A_115 = arith.constant 0 : i32
        %dma_start3A_116 = arith.constant 0 : i32
        %dma_start3A_117 = tpu.memref_slice %arg14[%dma_start3A_115, %dma_start3A_116] : memref<10240x128xf32, #tpu.memory_space<vmem_shared>> -> memref<10240x128xf32, #tpu.memory_space<vmem_shared>>
        tpu.enqueue_indirect_dma source(%arg9 : memref<128x128xf32, #tpu.memory_space<vmem>>) target(%dma_start3A_117 : memref<10240x128xf32, #tpu.memory_space<vmem_shared>>) offsets(%dma_start3A_114 : memref<128xi32, #tpu.memory_space<vmem>>) semaphore(%arg13 : memref<!tpu.dma_semaphore, #tpu.memory_space<semaphore_mem>>) {add = true}
        %add3A_118 = arith.constant 2 : i32
        %add3A_119 = arith.addi %mul3A_89, %add3A_118 : i32
        %lt3A = arith.constant 40 : i32
        %lt3A_120 = arith.cmpi slt, %add3A_119, %lt3A : i32
        %convert_element_type3A_121 = arith.extui %lt3A_120 : i1 to i32
        %cond3A_122 = arith.constant 0 : i32
        %cond3A_123 = arith.cmpi ne, %convert_element_type3A_121, %cond3A_122 : i32
        scf.if %cond3A_123 {
          %dma_wait3A_131 = arith.constant 0 : i32
          %dma_wait3A_132 = arith.constant 0 : i32
          %dma_wait3A_133 = tpu.memref_slice %arg7[%dma_wait3A_131, %dma_wait3A_132] : memref<40x128xi32, #tpu.memory_space<vmem>> -> memref<1x128xi32, #tpu.memory_space<vmem>>
          %dma_wait3A_134 = tpu.memref_squeeze %dma_wait3A_133 : memref<1x128xi32, #tpu.memory_space<vmem>> -> memref<128xi32, #tpu.memory_space<vmem>>
          %dma_wait3A_135 = arith.constant 0 : i32
          %dma_wait3A_136 = arith.constant 0 : i32
          %dma_wait3A_137 = tpu.memref_slice %arg14[%dma_wait3A_135, %dma_wait3A_136] : memref<10240x128xf32, #tpu.memory_space<vmem_shared>> -> memref<10240x128xf32, #tpu.memory_space<vmem_shared>>
          tpu.wait_indirect_dma semaphore(%arg12 : memref<!tpu.dma_semaphore, #tpu.memory_space<semaphore_mem>>) src(%arg8 : memref<128x128xf32, #tpu.memory_space<vmem>>) dst(%dma_wait3A_137 : memref<10240x128xf32, #tpu.memory_space<vmem_shared>>)
          %add3A_138 = arith.constant 2 : i32
          %add3A_139 = arith.addi %mul3A_89, %add3A_138 : i32
          %dma_start3A_140 = arith.constant 0 : i32
          %dma_start3A_141 = tpu.memref_slice %arg6[%add3A_139, %dma_start3A_140] : memref<40x128xi32, #tpu.memory_space<vmem>> -> memref<1x128xi32, #tpu.memory_space<vmem>>
          %dma_start3A_142 = tpu.memref_squeeze %dma_start3A_141 : memref<1x128xi32, #tpu.memory_space<vmem>> -> memref<128xi32, #tpu.memory_space<vmem>>
          %dma_start3A_143 = arith.constant 0 : i32
          %dma_start3A_144 = arith.constant 0 : i32
          %dma_start3A_145 = tpu.memref_slice %arg2[%dma_start3A_143, %dma_start3A_144] : memref<10240x128xf32, #tpu.memory_space<hbm>> -> memref<10240x128xf32, #tpu.memory_space<hbm>>
          tpu.enqueue_indirect_dma source(%dma_start3A_145 : memref<10240x128xf32, #tpu.memory_space<hbm>>) target(%arg8 : memref<128x128xf32, #tpu.memory_space<vmem>>) offsets(%dma_start3A_142 : memref<128xi32, #tpu.memory_space<vmem>>) semaphore(%arg10 : memref<!tpu.dma_semaphore, #tpu.memory_space<semaphore_mem>>)
        } else {
        }
        %add3A_124 = arith.constant 3 : i32
        %add3A_125 = arith.addi %mul3A_89, %add3A_124 : i32
        %lt3A_126 = arith.constant 40 : i32
        %lt3A_127 = arith.cmpi slt, %add3A_125, %lt3A_126 : i32
        %convert_element_type3A_128 = arith.extui %lt3A_127 : i1 to i32
        %cond3A_129 = arith.constant 0 : i32
        %cond3A_130 = arith.cmpi ne, %convert_element_type3A_128, %cond3A_129 : i32
        scf.if %cond3A_130 {
          %dma_wait3A_131 = arith.constant 0 : i32
          %dma_wait3A_132 = arith.constant 0 : i32
          %dma_wait3A_133 = tpu.memref_slice %arg7[%dma_wait3A_131, %dma_wait3A_132] : memref<40x128xi32, #tpu.memory_space<vmem>> -> memref<1x128xi32, #tpu.memory_space<vmem>>
          %dma_wait3A_134 = tpu.memref_squeeze %dma_wait3A_133 : memref<1x128xi32, #tpu.memory_space<vmem>> -> memref<128xi32, #tpu.memory_space<vmem>>
          %dma_wait3A_135 = arith.constant 0 : i32
          %dma_wait3A_136 = arith.constant 0 : i32
          %dma_wait3A_137 = tpu.memref_slice %arg14[%dma_wait3A_135, %dma_wait3A_136] : memref<10240x128xf32, #tpu.memory_space<vmem_shared>> -> memref<10240x128xf32, #tpu.memory_space<vmem_shared>>
          tpu.wait_indirect_dma semaphore(%arg13 : memref<!tpu.dma_semaphore, #tpu.memory_space<semaphore_mem>>) src(%arg9 : memref<128x128xf32, #tpu.memory_space<vmem>>) dst(%dma_wait3A_137 : memref<10240x128xf32, #tpu.memory_space<vmem_shared>>)
          %add3A_138 = arith.constant 3 : i32
          %add3A_139 = arith.addi %mul3A_89, %add3A_138 : i32
          %dma_start3A_140 = arith.constant 0 : i32
          %dma_start3A_141 = tpu.memref_slice %arg6[%add3A_139, %dma_start3A_140] : memref<40x128xi32, #tpu.memory_space<vmem>> -> memref<1x128xi32, #tpu.memory_space<vmem>>
          %dma_start3A_142 = tpu.memref_squeeze %dma_start3A_141 : memref<1x128xi32, #tpu.memory_space<vmem>> -> memref<128xi32, #tpu.memory_space<vmem>>
          %dma_start3A_143 = arith.constant 0 : i32
          %dma_start3A_144 = arith.constant 0 : i32
          %dma_start3A_145 = tpu.memref_slice %arg2[%dma_start3A_143, %dma_start3A_144] : memref<10240x128xf32, #tpu.memory_space<hbm>> -> memref<10240x128xf32, #tpu.memory_space<hbm>>
          tpu.enqueue_indirect_dma source(%dma_start3A_145 : memref<10240x128xf32, #tpu.memory_space<hbm>>) target(%arg9 : memref<128x128xf32, #tpu.memory_space<vmem>>) offsets(%dma_start3A_142 : memref<128xi32, #tpu.memory_space<vmem>>) semaphore(%arg11 : memref<!tpu.dma_semaphore, #tpu.memory_space<semaphore_mem>>)
        } else {
        }
      }
      %scan3A_35 = arith.constant 20 : i32
      %dma_wait3A = arith.constant 0 : i32
      %dma_wait3A_36 = arith.constant 0 : i32
      %dma_wait3A_37 = tpu.memref_slice %arg7[%dma_wait3A, %dma_wait3A_36] : memref<40x128xi32, #tpu.memory_space<vmem>> -> memref<1x128xi32, #tpu.memory_space<vmem>>
      %dma_wait3A_38 = tpu.memref_squeeze %dma_wait3A_37 : memref<1x128xi32, #tpu.memory_space<vmem>> -> memref<128xi32, #tpu.memory_space<vmem>>
      %dma_wait3A_39 = arith.constant 0 : i32
      %dma_wait3A_40 = arith.constant 0 : i32
      %dma_wait3A_41 = tpu.memref_slice %arg14[%dma_wait3A_39, %dma_wait3A_40] : memref<10240x128xf32, #tpu.memory_space<vmem_shared>> -> memref<10240x128xf32, #tpu.memory_space<vmem_shared>>
      tpu.wait_indirect_dma semaphore(%arg12 : memref<!tpu.dma_semaphore, #tpu.memory_space<semaphore_mem>>) src(%arg8 : memref<128x128xf32, #tpu.memory_space<vmem>>) dst(%dma_wait3A_41 : memref<10240x128xf32, #tpu.memory_space<vmem_shared>>)
      %dma_wait3A_42 = arith.constant 0 : i32
      %dma_wait3A_43 = arith.constant 0 : i32
      %dma_wait3A_44 = tpu.memref_slice %arg7[%dma_wait3A_42, %dma_wait3A_43] : memref<40x128xi32, #tpu.memory_space<vmem>> -> memref<1x128xi32, #tpu.memory_space<vmem>>
      %dma_wait3A_45 = tpu.memref_squeeze %dma_wait3A_44 : memref<1x128xi32, #tpu.memory_space<vmem>> -> memref<128xi32, #tpu.memory_space<vmem>>
      %dma_wait3A_46 = arith.constant 0 : i32
      %dma_wait3A_47 = arith.constant 0 : i32
      %dma_wait3A_48 = tpu.memref_slice %arg14[%dma_wait3A_46, %dma_wait3A_47] : memref<10240x128xf32, #tpu.memory_space<vmem_shared>> -> memref<10240x128xf32, #tpu.memory_space<vmem_shared>>
      tpu.wait_indirect_dma semaphore(%arg13 : memref<!tpu.dma_semaphore, #tpu.memory_space<semaphore_mem>>) src(%arg9 : memref<128x128xf32, #tpu.memory_space<vmem>>) dst(%dma_wait3A_48 : memref<10240x128xf32, #tpu.memory_space<vmem_shared>>)
      %add3A_49 = arith.constant 40 : i32
      %add3A_50 = arith.addi %add3A_14, %add3A_49 : i32
      %run_scoped3A_51 = arith.constant 0 : i32
      "tpu.region"() ({
        %run_scoped3A_87 = tpu.sem_alloc : memref<!tpu.dma_semaphore, #tpu.memory_space<semaphore_mem>>
        %dma_start3A_88 = arith.constant 0 : i32
        %dma_start3A_89 = tpu.memref_slice %arg3[%run_scoped3A_51, %add3A_50, %dma_start3A_88] : memref<2x2560x128xi32, #tpu.memory_space<hbm>> -> memref<1x40x128xi32, #tpu.memory_space<hbm>>
        %dma_start3A_90 = tpu.memref_squeeze %dma_start3A_89 : memref<1x40x128xi32, #tpu.memory_space<hbm>> -> memref<40x128xi32, #tpu.memory_space<hbm>>
        %dma_start3A_91 = arith.constant 0 : i32
        %dma_start3A_92 = tpu.memref_slice %arg3[%run_scoped3A_51, %add3A_50, %dma_start3A_91] : memref<2x2560x128xi32, #tpu.memory_space<hbm>> -> memref<1x40x128xi32, #tpu.memory_space<hbm>>
        %dma_start3A_93 = tpu.memref_squeeze %dma_start3A_92 : memref<1x40x128xi32, #tpu.memory_space<hbm>> -> memref<40x128xi32, #tpu.memory_space<hbm>>
        tpu.enqueue_dma source(%dma_start3A_93 : memref<40x128xi32, #tpu.memory_space<hbm>>) target(%arg6 : memref<40x128xi32, #tpu.memory_space<vmem>>) target_semaphore(%run_scoped3A_87 : memref<!tpu.dma_semaphore, #tpu.memory_space<semaphore_mem>>)
        %dma_wait3A_94 = arith.constant 0 : i32
        %dma_wait3A_95 = tpu.memref_slice %arg3[%run_scoped3A_51, %add3A_50, %dma_wait3A_94] : memref<2x2560x128xi32, #tpu.memory_space<hbm>> -> memref<1x40x128xi32, #tpu.memory_space<hbm>>
        %dma_wait3A_96 = tpu.memref_squeeze %dma_wait3A_95 : memref<1x40x128xi32, #tpu.memory_space<hbm>> -> memref<40x128xi32, #tpu.memory_space<hbm>>
        %dma_wait3A_97 = arith.constant 0 : i32
        %dma_wait3A_98 = tpu.memref_slice %arg3[%run_scoped3A_51, %add3A_50, %dma_wait3A_97] : memref<2x2560x128xi32, #tpu.memory_space<hbm>> -> memref<1x40x128xi32, #tpu.memory_space<hbm>>
        %dma_wait3A_99 = tpu.memref_squeeze %dma_wait3A_98 : memref<1x40x128xi32, #tpu.memory_space<hbm>> -> memref<40x128xi32, #tpu.memory_space<hbm>>
        tpu.wait_dma2 semaphore(%run_scoped3A_87 : memref<!tpu.dma_semaphore, #tpu.memory_space<semaphore_mem>>) src(%dma_wait3A_99 : memref<40x128xi32, #tpu.memory_space<hbm>>) dst(%arg6 : memref<40x128xi32, #tpu.memory_space<vmem>>)
        tpu.yield
      }) : () -> ()
      %run_scoped3A_52 = arith.constant 1 : i32
      "tpu.region"() ({
        %run_scoped3A_87 = tpu.sem_alloc : memref<!tpu.dma_semaphore, #tpu.memory_space<semaphore_mem>>
        %dma_start3A_88 = arith.constant 0 : i32
        %dma_start3A_89 = tpu.memref_slice %arg3[%run_scoped3A_52, %add3A_50, %dma_start3A_88] : memref<2x2560x128xi32, #tpu.memory_space<hbm>> -> memref<1x40x128xi32, #tpu.memory_space<hbm>>
        %dma_start3A_90 = tpu.memref_squeeze %dma_start3A_89 : memref<1x40x128xi32, #tpu.memory_space<hbm>> -> memref<40x128xi32, #tpu.memory_space<hbm>>
        %dma_start3A_91 = arith.constant 0 : i32
        %dma_start3A_92 = tpu.memref_slice %arg3[%run_scoped3A_52, %add3A_50, %dma_start3A_91] : memref<2x2560x128xi32, #tpu.memory_space<hbm>> -> memref<1x40x128xi32, #tpu.memory_space<hbm>>
        %dma_start3A_93 = tpu.memref_squeeze %dma_start3A_92 : memref<1x40x128xi32, #tpu.memory_space<hbm>> -> memref<40x128xi32, #tpu.memory_space<hbm>>
        tpu.enqueue_dma source(%dma_start3A_93 : memref<40x128xi32, #tpu.memory_space<hbm>>) target(%arg7 : memref<40x128xi32, #tpu.memory_space<vmem>>) target_semaphore(%run_scoped3A_87 : memref<!tpu.dma_semaphore, #tpu.memory_space<semaphore_mem>>)
        %dma_wait3A_94 = arith.constant 0 : i32
        %dma_wait3A_95 = tpu.memref_slice %arg3[%run_scoped3A_52, %add3A_50, %dma_wait3A_94] : memref<2x2560x128xi32, #tpu.memory_space<hbm>> -> memref<1x40x128xi32, #tpu.memory_space<hbm>>
        %dma_wait3A_96 = tpu.memref_squeeze %dma_wait3A_95 : memref<1x40x128xi32, #tpu.memory_space<hbm>> -> memref<40x128xi32, #tpu.memory_space<hbm>>
        %dma_wait3A_97 = arith.constant 0 : i32
        %dma_wait3A_98 = tpu.memref_slice %arg3[%run_scoped3A_52, %add3A_50, %dma_wait3A_97] : memref<2x2560x128xi32, #tpu.memory_space<hbm>> -> memref<1x40x128xi32, #tpu.memory_space<hbm>>
        %dma_wait3A_99 = tpu.memref_squeeze %dma_wait3A_98 : memref<1x40x128xi32, #tpu.memory_space<hbm>> -> memref<40x128xi32, #tpu.memory_space<hbm>>
        tpu.wait_dma2 semaphore(%run_scoped3A_87 : memref<!tpu.dma_semaphore, #tpu.memory_space<semaphore_mem>>) src(%dma_wait3A_99 : memref<40x128xi32, #tpu.memory_space<hbm>>) dst(%arg7 : memref<40x128xi32, #tpu.memory_space<vmem>>)
        tpu.yield
      }) : () -> ()
      %dma_start3A_53 = arith.constant 0 : i32
      %dma_start3A_54 = arith.constant 0 : i32
      %dma_start3A_55 = tpu.memref_slice %arg6[%dma_start3A_53, %dma_start3A_54] : memref<40x128xi32, #tpu.memory_space<vmem>> -> memref<1x128xi32, #tpu.memory_space<vmem>>
      %dma_start3A_56 = tpu.memref_squeeze %dma_start3A_55 : memref<1x128xi32, #tpu.memory_space<vmem>> -> memref<128xi32, #tpu.memory_space<vmem>>
      %dma_start3A_57 = arith.constant 0 : i32
      %dma_start3A_58 = arith.constant 0 : i32
      %dma_start3A_59 = tpu.memref_slice %arg2[%dma_start3A_57, %dma_start3A_58] : memref<10240x128xf32, #tpu.memory_space<hbm>> -> memref<10240x128xf32, #tpu.memory_space<hbm>>
      tpu.enqueue_indirect_dma source(%dma_start3A_59 : memref<10240x128xf32, #tpu.memory_space<hbm>>) target(%arg8 : memref<128x128xf32, #tpu.memory_space<vmem>>) offsets(%dma_start3A_56 : memref<128xi32, #tpu.memory_space<vmem>>) semaphore(%arg10 : memref<!tpu.dma_semaphore, #tpu.memory_space<semaphore_mem>>)
      %dma_start3A_60 = arith.constant 1 : i32
      %dma_start3A_61 = arith.constant 0 : i32
      %dma_start3A_62 = tpu.memref_slice %arg6[%dma_start3A_60, %dma_start3A_61] : memref<40x128xi32, #tpu.memory_space<vmem>> -> memref<1x128xi32, #tpu.memory_space<vmem>>
      %dma_start3A_63 = tpu.memref_squeeze %dma_start3A_62 : memref<1x128xi32, #tpu.memory_space<vmem>> -> memref<128xi32, #tpu.memory_space<vmem>>
      %dma_start3A_64 = arith.constant 0 : i32
      %dma_start3A_65 = arith.constant 0 : i32
      %dma_start3A_66 = tpu.memref_slice %arg2[%dma_start3A_64, %dma_start3A_65] : memref<10240x128xf32, #tpu.memory_space<hbm>> -> memref<10240x128xf32, #tpu.memory_space<hbm>>
      tpu.enqueue_indirect_dma source(%dma_start3A_66 : memref<10240x128xf32, #tpu.memory_space<hbm>>) target(%arg9 : memref<128x128xf32, #tpu.memory_space<vmem>>) offsets(%dma_start3A_63 : memref<128xi32, #tpu.memory_space<vmem>>) semaphore(%arg11 : memref<!tpu.dma_semaphore, #tpu.memory_space<semaphore_mem>>)
      %scan3A_67 = arith.constant 0 : i32
      %scan3A_68 = arith.constant 0 : i32
      %scan3A_69 = arith.constant 20 : i32
      %scan3A_70 = arith.addi %scan3A_68, %scan3A_69 : i32
      %scan3A_71 = arith.constant 1 : i32
      scf.for %scan3A_87 = %scan3A_68 to %scan3A_70 step %scan3A_71  : i32 {
        %mul3A_88 = arith.constant 2 : i32
        %mul3A_89 = arith.muli %scan3A_87, %mul3A_88 : i32
        %dma_wait3A_90 = arith.constant 0 : i32
        %dma_wait3A_91 = tpu.memref_slice %arg6[%mul3A_89, %dma_wait3A_90] : memref<40x128xi32, #tpu.memory_space<vmem>> -> memref<1x128xi32, #tpu.memory_space<vmem>>
        %dma_wait3A_92 = tpu.memref_squeeze %dma_wait3A_91 : memref<1x128xi32, #tpu.memory_space<vmem>> -> memref<128xi32, #tpu.memory_space<vmem>>
        %dma_wait3A_93 = arith.constant 0 : i32
        %dma_wait3A_94 = arith.constant 0 : i32
        %dma_wait3A_95 = tpu.memref_slice %arg2[%dma_wait3A_93, %dma_wait3A_94] : memref<10240x128xf32, #tpu.memory_space<hbm>> -> memref<10240x128xf32, #tpu.memory_space<hbm>>
        tpu.wait_indirect_dma semaphore(%arg10 : memref<!tpu.dma_semaphore, #tpu.memory_space<semaphore_mem>>) src(%dma_wait3A_95 : memref<10240x128xf32, #tpu.memory_space<hbm>>) dst(%arg8 : memref<128x128xf32, #tpu.memory_space<vmem>>)
        %dma_start3A_96 = arith.constant 0 : i32
        %dma_start3A_97 = tpu.memref_slice %arg7[%mul3A_89, %dma_start3A_96] : memref<40x128xi32, #tpu.memory_space<vmem>> -> memref<1x128xi32, #tpu.memory_space<vmem>>
        %dma_start3A_98 = tpu.memref_squeeze %dma_start3A_97 : memref<1x128xi32, #tpu.memory_space<vmem>> -> memref<128xi32, #tpu.memory_space<vmem>>
        %dma_start3A_99 = arith.constant 0 : i32
        %dma_start3A_100 = arith.constant 0 : i32
        %dma_start3A_101 = tpu.memref_slice %arg14[%dma_start3A_99, %dma_start3A_100] : memref<10240x128xf32, #tpu.memory_space<vmem_shared>> -> memref<10240x128xf32, #tpu.memory_space<vmem_shared>>
        tpu.enqueue_indirect_dma source(%arg8 : memref<128x128xf32, #tpu.memory_space<vmem>>) target(%dma_start3A_101 : memref<10240x128xf32, #tpu.memory_space<vmem_shared>>) offsets(%dma_start3A_98 : memref<128xi32, #tpu.memory_space<vmem>>) semaphore(%arg12 : memref<!tpu.dma_semaphore, #tpu.memory_space<semaphore_mem>>) {add = true}
        %add3A_102 = arith.constant 1 : i32
        %add3A_103 = arith.addi %mul3A_89, %add3A_102 : i32
        %dma_wait3A_104 = arith.constant 0 : i32
        %dma_wait3A_105 = tpu.memref_slice %arg6[%add3A_103, %dma_wait3A_104] : memref<40x128xi32, #tpu.memory_space<vmem>> -> memref<1x128xi32, #tpu.memory_space<vmem>>
        %dma_wait3A_106 = tpu.memref_squeeze %dma_wait3A_105 : memref<1x128xi32, #tpu.memory_space<vmem>> -> memref<128xi32, #tpu.memory_space<vmem>>
        %dma_wait3A_107 = arith.constant 0 : i32
        %dma_wait3A_108 = arith.constant 0 : i32
        %dma_wait3A_109 = tpu.memref_slice %arg2[%dma_wait3A_107, %dma_wait3A_108] : memref<10240x128xf32, #tpu.memory_space<hbm>> -> memref<10240x128xf32, #tpu.memory_space<hbm>>
        tpu.wait_indirect_dma semaphore(%arg11 : memref<!tpu.dma_semaphore, #tpu.memory_space<semaphore_mem>>) src(%dma_wait3A_109 : memref<10240x128xf32, #tpu.memory_space<hbm>>) dst(%arg9 : memref<128x128xf32, #tpu.memory_space<vmem>>)
        %add3A_110 = arith.constant 1 : i32
        %add3A_111 = arith.addi %mul3A_89, %add3A_110 : i32
        %dma_start3A_112 = arith.constant 0 : i32
        %dma_start3A_113 = tpu.memref_slice %arg7[%add3A_111, %dma_start3A_112] : memref<40x128xi32, #tpu.memory_space<vmem>> -> memref<1x128xi32, #tpu.memory_space<vmem>>
        %dma_start3A_114 = tpu.memref_squeeze %dma_start3A_113 : memref<1x128xi32, #tpu.memory_space<vmem>> -> memref<128xi32, #tpu.memory_space<vmem>>
        %dma_start3A_115 = arith.constant 0 : i32
        %dma_start3A_116 = arith.constant 0 : i32
        %dma_start3A_117 = tpu.memref_slice %arg14[%dma_start3A_115, %dma_start3A_116] : memref<10240x128xf32, #tpu.memory_space<vmem_shared>> -> memref<10240x128xf32, #tpu.memory_space<vmem_shared>>
        tpu.enqueue_indirect_dma source(%arg9 : memref<128x128xf32, #tpu.memory_space<vmem>>) target(%dma_start3A_117 : memref<10240x128xf32, #tpu.memory_space<vmem_shared>>) offsets(%dma_start3A_114 : memref<128xi32, #tpu.memory_space<vmem>>) semaphore(%arg13 : memref<!tpu.dma_semaphore, #tpu.memory_space<semaphore_mem>>) {add = true}
        %add3A_118 = arith.constant 2 : i32
        %add3A_119 = arith.addi %mul3A_89, %add3A_118 : i32
        %lt3A = arith.constant 40 : i32
        %lt3A_120 = arith.cmpi slt, %add3A_119, %lt3A : i32
        %convert_element_type3A_121 = arith.extui %lt3A_120 : i1 to i32
        %cond3A_122 = arith.constant 0 : i32
        %cond3A_123 = arith.cmpi ne, %convert_element_type3A_121, %cond3A_122 : i32
        scf.if %cond3A_123 {
          %dma_wait3A_131 = arith.constant 0 : i32
          %dma_wait3A_132 = arith.constant 0 : i32
          %dma_wait3A_133 = tpu.memref_slice %arg7[%dma_wait3A_131, %dma_wait3A_132] : memref<40x128xi32, #tpu.memory_space<vmem>> -> memref<1x128xi32, #tpu.memory_space<vmem>>
          %dma_wait3A_134 = tpu.memref_squeeze %dma_wait3A_133 : memref<1x128xi32, #tpu.memory_space<vmem>> -> memref<128xi32, #tpu.memory_space<vmem>>
          %dma_wait3A_135 = arith.constant 0 : i32
          %dma_wait3A_136 = arith.constant 0 : i32
          %dma_wait3A_137 = tpu.memref_slice %arg14[%dma_wait3A_135, %dma_wait3A_136] : memref<10240x128xf32, #tpu.memory_space<vmem_shared>> -> memref<10240x128xf32, #tpu.memory_space<vmem_shared>>
          tpu.wait_indirect_dma semaphore(%arg12 : memref<!tpu.dma_semaphore, #tpu.memory_space<semaphore_mem>>) src(%arg8 : memref<128x128xf32, #tpu.memory_space<vmem>>) dst(%dma_wait3A_137 : memref<10240x128xf32, #tpu.memory_space<vmem_shared>>)
          %add3A_138 = arith.constant 2 : i32
          %add3A_139 = arith.addi %mul3A_89, %add3A_138 : i32
          %dma_start3A_140 = arith.constant 0 : i32
          %dma_start3A_141 = tpu.memref_slice %arg6[%add3A_139, %dma_start3A_140] : memref<40x128xi32, #tpu.memory_space<vmem>> -> memref<1x128xi32, #tpu.memory_space<vmem>>
          %dma_start3A_142 = tpu.memref_squeeze %dma_start3A_141 : memref<1x128xi32, #tpu.memory_space<vmem>> -> memref<128xi32, #tpu.memory_space<vmem>>
          %dma_start3A_143 = arith.constant 0 : i32
          %dma_start3A_144 = arith.constant 0 : i32
          %dma_start3A_145 = tpu.memref_slice %arg2[%dma_start3A_143, %dma_start3A_144] : memref<10240x128xf32, #tpu.memory_space<hbm>> -> memref<10240x128xf32, #tpu.memory_space<hbm>>
          tpu.enqueue_indirect_dma source(%dma_start3A_145 : memref<10240x128xf32, #tpu.memory_space<hbm>>) target(%arg8 : memref<128x128xf32, #tpu.memory_space<vmem>>) offsets(%dma_start3A_142 : memref<128xi32, #tpu.memory_space<vmem>>) semaphore(%arg10 : memref<!tpu.dma_semaphore, #tpu.memory_space<semaphore_mem>>)
        } else {
        }
        %add3A_124 = arith.constant 3 : i32
        %add3A_125 = arith.addi %mul3A_89, %add3A_124 : i32
        %lt3A_126 = arith.constant 40 : i32
        %lt3A_127 = arith.cmpi slt, %add3A_125, %lt3A_126 : i32
        %convert_element_type3A_128 = arith.extui %lt3A_127 : i1 to i32
        %cond3A_129 = arith.constant 0 : i32
        %cond3A_130 = arith.cmpi ne, %convert_element_type3A_128, %cond3A_129 : i32
        scf.if %cond3A_130 {
          %dma_wait3A_131 = arith.constant 0 : i32
          %dma_wait3A_132 = arith.constant 0 : i32
          %dma_wait3A_133 = tpu.memref_slice %arg7[%dma_wait3A_131, %dma_wait3A_132] : memref<40x128xi32, #tpu.memory_space<vmem>> -> memref<1x128xi32, #tpu.memory_space<vmem>>
          %dma_wait3A_134 = tpu.memref_squeeze %dma_wait3A_133 : memref<1x128xi32, #tpu.memory_space<vmem>> -> memref<128xi32, #tpu.memory_space<vmem>>
          %dma_wait3A_135 = arith.constant 0 : i32
          %dma_wait3A_136 = arith.constant 0 : i32
          %dma_wait3A_137 = tpu.memref_slice %arg14[%dma_wait3A_135, %dma_wait3A_136] : memref<10240x128xf32, #tpu.memory_space<vmem_shared>> -> memref<10240x128xf32, #tpu.memory_space<vmem_shared>>
          tpu.wait_indirect_dma semaphore(%arg13 : memref<!tpu.dma_semaphore, #tpu.memory_space<semaphore_mem>>) src(%arg9 : memref<128x128xf32, #tpu.memory_space<vmem>>) dst(%dma_wait3A_137 : memref<10240x128xf32, #tpu.memory_space<vmem_shared>>)
          %add3A_138 = arith.constant 3 : i32
          %add3A_139 = arith.addi %mul3A_89, %add3A_138 : i32
          %dma_start3A_140 = arith.constant 0 : i32
          %dma_start3A_141 = tpu.memref_slice %arg6[%add3A_139, %dma_start3A_140] : memref<40x128xi32, #tpu.memory_space<vmem>> -> memref<1x128xi32, #tpu.memory_space<vmem>>
          %dma_start3A_142 = tpu.memref_squeeze %dma_start3A_141 : memref<1x128xi32, #tpu.memory_space<vmem>> -> memref<128xi32, #tpu.memory_space<vmem>>
          %dma_start3A_143 = arith.constant 0 : i32
          %dma_start3A_144 = arith.constant 0 : i32
          %dma_start3A_145 = tpu.memref_slice %arg2[%dma_start3A_143, %dma_start3A_144] : memref<10240x128xf32, #tpu.memory_space<hbm>> -> memref<10240x128xf32, #tpu.memory_space<hbm>>
          tpu.enqueue_indirect_dma source(%dma_start3A_145 : memref<10240x128xf32, #tpu.memory_space<hbm>>) target(%arg9 : memref<128x128xf32, #tpu.memory_space<vmem>>) offsets(%dma_start3A_142 : memref<128xi32, #tpu.memory_space<vmem>>) semaphore(%arg11 : memref<!tpu.dma_semaphore, #tpu.memory_space<semaphore_mem>>)
        } else {
        }
      }
      %scan3A_72 = arith.constant 20 : i32
      %dma_wait3A_73 = arith.constant 0 : i32
      %dma_wait3A_74 = arith.constant 0 : i32
      %dma_wait3A_75 = tpu.memref_slice %arg7[%dma_wait3A_73, %dma_wait3A_74] : memref<40x128xi32, #tpu.memory_space<vmem>> -> memref<1x128xi32, #tpu.memory_space<vmem>>
      %dma_wait3A_76 = tpu.memref_squeeze %dma_wait3A_75 : memref<1x128xi32, #tpu.memory_space<vmem>> -> memref<128xi32, #tpu.memory_space<vmem>>
      %dma_wait3A_77 = arith.constant 0 : i32
      %dma_wait3A_78 = arith.constant 0 : i32
      %dma_wait3A_79 = tpu.memref_slice %arg14[%dma_wait3A_77, %dma_wait3A_78] : memref<10240x128xf32, #tpu.memory_space<vmem_shared>> -> memref<10240x128xf32, #tpu.memory_space<vmem_shared>>
      tpu.wait_indirect_dma semaphore(%arg12 : memref<!tpu.dma_semaphore, #tpu.memory_space<semaphore_mem>>) src(%arg8 : memref<128x128xf32, #tpu.memory_space<vmem>>) dst(%dma_wait3A_79 : memref<10240x128xf32, #tpu.memory_space<vmem_shared>>)
      %dma_wait3A_80 = arith.constant 0 : i32
      %dma_wait3A_81 = arith.constant 0 : i32
      %dma_wait3A_82 = tpu.memref_slice %arg7[%dma_wait3A_80, %dma_wait3A_81] : memref<40x128xi32, #tpu.memory_space<vmem>> -> memref<1x128xi32, #tpu.memory_space<vmem>>
      %dma_wait3A_83 = tpu.memref_squeeze %dma_wait3A_82 : memref<1x128xi32, #tpu.memory_space<vmem>> -> memref<128xi32, #tpu.memory_space<vmem>>
      %dma_wait3A_84 = arith.constant 0 : i32
      %dma_wait3A_85 = arith.constant 0 : i32
      %dma_wait3A_86 = tpu.memref_slice %arg14[%dma_wait3A_84, %dma_wait3A_85] : memref<10240x128xf32, #tpu.memory_space<vmem_shared>> -> memref<10240x128xf32, #tpu.memory_space<vmem_shared>>
      tpu.wait_indirect_dma semaphore(%arg13 : memref<!tpu.dma_semaphore, #tpu.memory_space<semaphore_mem>>) src(%arg9 : memref<128x128xf32, #tpu.memory_space<vmem>>) dst(%dma_wait3A_86 : memref<10240x128xf32, #tpu.memory_space<vmem_shared>>)
    } else {
    }
    %barrier3A_10 = arith.constant 0 : index
    tpu.barrier barrier_id(%barrier3A_10)
    "tpu.region"() ({
      %run_scoped3A = tpu.sem_alloc : memref<!tpu.dma_semaphore, #tpu.memory_space<semaphore_mem>>
      %dma_start3A = arith.constant 0 : i32
      %dma_start3A_11 = tpu.memref_slice %arg5[%arg0, %mul3A_2, %dma_start3A] : memref<2x10240x128xf32, #tpu.memory_space<hbm>> -> memref<1x640x128xf32, #tpu.memory_space<hbm>>
      %dma_start3A_12 = tpu.memref_squeeze %dma_start3A_11 : memref<1x640x128xf32, #tpu.memory_space<hbm>> -> memref<640x128xf32, #tpu.memory_space<hbm>>
      %dma_start3A_13 = arith.constant 0 : i32
      %dma_start3A_14 = tpu.memref_slice %arg14[%mul3A_2, %dma_start3A_13] : memref<10240x128xf32, #tpu.memory_space<vmem_shared>> -> memref<640x128xf32, #tpu.memory_space<vmem_shared>>
      tpu.enqueue_dma source(%dma_start3A_14 : memref<640x128xf32, #tpu.memory_space<vmem_shared>>) target(%dma_start3A_12 : memref<640x128xf32, #tpu.memory_space<hbm>>) target_semaphore(%run_scoped3A : memref<!tpu.dma_semaphore, #tpu.memory_space<semaphore_mem>>)
      %dma_wait3A = arith.constant 0 : i32
      %dma_wait3A_15 = tpu.memref_slice %arg5[%arg0, %mul3A_2, %dma_wait3A] : memref<2x10240x128xf32, #tpu.memory_space<hbm>> -> memref<1x640x128xf32, #tpu.memory_space<hbm>>
      %dma_wait3A_16 = tpu.memref_squeeze %dma_wait3A_15 : memref<1x640x128xf32, #tpu.memory_space<hbm>> -> memref<640x128xf32, #tpu.memory_space<hbm>>
      %dma_wait3A_17 = arith.constant 0 : i32
      %dma_wait3A_18 = tpu.memref_slice %arg14[%mul3A_2, %dma_wait3A_17] : memref<10240x128xf32, #tpu.memory_space<vmem_shared>> -> memref<640x128xf32, #tpu.memory_space<vmem_shared>>
      tpu.wait_dma2 semaphore(%run_scoped3A : memref<!tpu.dma_semaphore, #tpu.memory_space<semaphore_mem>>) src(%dma_wait3A_18 : memref<640x128xf32, #tpu.memory_space<vmem_shared>>) dst(%dma_wait3A_16 : memref<640x128xf32, #tpu.memory_space<hbm>>)
      tpu.yield
    }) : () -> ()
    return
  }
}

module attributes {stable_mosaic.version = 14 : i64} {
  func.func @_prep_body(%arg0: memref<10000x128xf32, #tpu.memory_space<vmem>>, %arg1: memref<2x2x10240xf32, #tpu.memory_space<vmem>>, %arg2: memref<10240x128xf32, #tpu.memory_space<vmem>>) attributes {dimension_semantics = [], scalar_prefetch = 0 : i64, scratch_operands = 0 : i64, tpu.core_type = #tpu.core_type<tc>} {
    %get3A = arith.constant 0 : index
    %get3A_0 = arith.constant 0 : index
    %get3A_1 = arith.constant 0 : index
    %get3A_2 = vector.load %arg1[%get3A, %get3A_0, %get3A_1] : memref<2x2x10240xf32, #tpu.memory_space<vmem>>, vector<2x2x10240xf32>
    %get3A_3 = arith.constant 0 : index
    %get3A_4 = arith.constant 0 : index
    %get3A_5 = vector.load %arg0[%get3A_3, %get3A_4] : memref<10000x128xf32, #tpu.memory_space<vmem>>, vector<10000x128xf32>
    %slice3A = vector.extract_strided_slice %get3A_2 {offsets = [0, 0, 0], sizes = [1, 1, 10000], strides = [1, 1, 1]} : vector<2x2x10240xf32> to vector<1x1x10000xf32>
    %squeeze3A = vector.shape_cast %slice3A : vector<1x1x10000xf32> to vector<10000xf32>
    %slice3A_6 = vector.extract_strided_slice %get3A_2 {offsets = [1, 0, 0], sizes = [1, 1, 10000], strides = [1, 1, 1]} : vector<2x2x10240xf32> to vector<1x1x10000xf32>
    %squeeze3A_7 = vector.shape_cast %slice3A_6 : vector<1x1x10000xf32> to vector<10000xf32>
    %add3A = arith.addf %squeeze3A, %squeeze3A_7 : vector<10000xf32>
    %max3A = arith.constant 1.000000e+00 : f32
    %max3A_8 = vector.broadcast %max3A : f32 to vector<10000xf32>
    %max3A_9 = arith.maximumf %add3A, %max3A_8 : vector<10000xf32>
    %rsqrt3A = math.rsqrt %max3A_9 : vector<10000xf32>
    %broadcast_in_dim3A = vector.shape_cast %rsqrt3A : vector<10000xf32> to vector<10000x1xf32>
    %mul3A = vector.broadcast %broadcast_in_dim3A : vector<10000x1xf32> to vector<10000x128xf32>
    %mul3A_10 = arith.mulf %get3A_5, %mul3A : vector<10000x128xf32>
    %swap3A = arith.constant 0 : index
    %swap3A_11 = arith.constant 0 : index
    %swap3A_12 = vector.load %arg2[%swap3A, %swap3A_11] : memref<10240x128xf32, #tpu.memory_space<vmem>>, vector<10000x128xf32>
    tpu.vector_store %arg2[%swap3A, %swap3A_11], %mul3A_10 {strides = array<i32>} : memref<10240x128xf32, #tpu.memory_space<vmem>>, vector<10000x128xf32>,
    %broadcast_in_dim3A_13 = arith.constant 0.000000e+00 : f32
    %broadcast_in_dim3A_14 = vector.broadcast %broadcast_in_dim3A_13 : f32 to vector<240x128xf32>
    %swap3A_15 = arith.constant 10000 : index
    %swap3A_16 = arith.constant 0 : index
    %swap3A_17 = vector.load %arg2[%swap3A_15, %swap3A_16] : memref<10240x128xf32, #tpu.memory_space<vmem>>, vector<240x128xf32>
    tpu.vector_store %arg2[%swap3A_15, %swap3A_16], %broadcast_in_dim3A_14 {strides = array<i32>} : memref<10240x128xf32, #tpu.memory_space<vmem>>, vector<240x128xf32>,
    return
  }
}

module attributes {stable_mosaic.version = 14 : i64} {
  func.func @_dense0_body(%arg0: memref<2x10240x128xf32, #tpu.memory_space<vmem>>, %arg1: memref<2x2x10240xf32, #tpu.memory_space<vmem>>, %arg2: memref<128x128xf32, #tpu.memory_space<vmem>>, %arg3: memref<128xf32, #tpu.memory_space<vmem>>, %arg4: memref<128xf32, #tpu.memory_space<vmem>>, %arg5: memref<128xf32, #tpu.memory_space<vmem>>, %arg6: memref<10000x128xf32, #tpu.memory_space<vmem>>, %arg7: memref<10240x128xf32, #tpu.memory_space<vmem>>) attributes {dimension_semantics = [], scalar_prefetch = 0 : i64, scratch_operands = 0 : i64, tpu.core_type = #tpu.core_type<tc>} {
    %get3A = arith.constant 0 : index
    %get3A_0 = arith.constant 0 : index
    %get3A_1 = arith.constant 0 : index
    %get3A_2 = vector.load %arg1[%get3A, %get3A_0, %get3A_1] : memref<2x2x10240xf32, #tpu.memory_space<vmem>>, vector<2x2x10240xf32>
    %get3A_3 = arith.constant 0 : index
    %get3A_4 = arith.constant 0 : index
    %get3A_5 = arith.constant 0 : index
    %get3A_6 = vector.load %arg0[%get3A_3, %get3A_4, %get3A_5] : memref<2x10240x128xf32, #tpu.memory_space<vmem>>, vector<1x10000x128xf32>
    %get3A_7 = vector.shape_cast %get3A_6 : vector<1x10000x128xf32> to vector<10000x128xf32>
    %get3A_8 = arith.constant 1 : index
    %get3A_9 = arith.constant 0 : index
    %get3A_10 = arith.constant 0 : index
    %get3A_11 = vector.load %arg0[%get3A_8, %get3A_9, %get3A_10] : memref<2x10240x128xf32, #tpu.memory_space<vmem>>, vector<1x10000x128xf32>
    %get3A_12 = vector.shape_cast %get3A_11 : vector<1x10000x128xf32> to vector<10000x128xf32>
    %add3A = arith.addf %get3A_7, %get3A_12 : vector<10000x128xf32>
    %slice3A = vector.extract_strided_slice %get3A_2 {offsets = [0, 1, 0], sizes = [1, 1, 10000], strides = [1, 1, 1]} : vector<2x2x10240xf32> to vector<1x1x10000xf32>
    %squeeze3A = vector.shape_cast %slice3A : vector<1x1x10000xf32> to vector<10000xf32>
    %slice3A_13 = vector.extract_strided_slice %get3A_2 {offsets = [1, 1, 0], sizes = [1, 1, 10000], strides = [1, 1, 1]} : vector<2x2x10240xf32> to vector<1x1x10000xf32>
    %squeeze3A_14 = vector.shape_cast %slice3A_13 : vector<1x1x10000xf32> to vector<10000xf32>
    %add3A_15 = arith.addf %squeeze3A, %squeeze3A_14 : vector<10000xf32>
    %max3A = arith.constant 1.000000e+00 : f32
    %max3A_16 = vector.broadcast %max3A : f32 to vector<10000xf32>
    %max3A_17 = arith.maximumf %add3A_15, %max3A_16 : vector<10000xf32>
    %rsqrt3A = math.rsqrt %max3A_17 : vector<10000xf32>
    %broadcast_in_dim3A = vector.shape_cast %rsqrt3A : vector<10000xf32> to vector<10000x1xf32>
    %mul3A = vector.broadcast %broadcast_in_dim3A : vector<10000x1xf32> to vector<10000x128xf32>
    %mul3A_18 = arith.mulf %add3A, %mul3A : vector<10000x128xf32>
    %get3A_19 = arith.constant 0 : index
    %get3A_20 = arith.constant 0 : index
    %get3A_21 = vector.load %arg2[%get3A_19, %get3A_20] : memref<128x128xf32, #tpu.memory_space<vmem>>, vector<128x128xf32>
    %dot_general3A = arith.constant dense<0.000000e+00> : vector<10000x128xf32>
    %dot_general3A_22 = tpu.matmul %mul3A_18, %get3A_21, %dot_general3A {dimension_numbers = #tpu.dot_dimension_numbers<[1], [0], [0], [1], [0, 0, 1, 1], [], []>, transpose_lhs_hint = false} : vector<10000x128xf32>, vector<128x128xf32>, vector<10000x128xf32> -> vector<10000x128xf32>
    %get3A_23 = arith.constant 0 : index
    %get3A_24 = vector.load %arg3[%get3A_23] : memref<128xf32, #tpu.memory_space<vmem>>, vector<128xf32>
    %broadcast_in_dim3A_25 = vector.shape_cast %get3A_24 : vector<128xf32> to vector<1x128xf32>
    %add3A_26 = vector.broadcast %broadcast_in_dim3A_25 : vector<1x128xf32> to vector<10000x128xf32>
    %add3A_27 = arith.addf %dot_general3A_22, %add3A_26 : vector<10000x128xf32>
    %reduce_sum3A = arith.constant dense<0.000000e+00> : vector<128xf32>
    %reduce_sum3A_28 = vector.multi_reduction <add>, %add3A_27, %reduce_sum3A [0] : vector<10000x128xf32> to vector<128xf32>
    %broadcast_in_dim3A_29 = vector.shape_cast %reduce_sum3A_28 : vector<128xf32> to vector<1x128xf32>
    %div3A = arith.constant 1.000000e+04 : f32
    %div3A_30 = vector.broadcast %div3A : f32 to vector<1x128xf32>
    %div3A_31 = arith.divf %broadcast_in_dim3A_29, %div3A_30 : vector<1x128xf32>
    %sub3A = vector.broadcast %div3A_31 : vector<1x128xf32> to vector<10000x128xf32>
    %sub3A_32 = arith.subf %add3A_27, %sub3A : vector<10000x128xf32>
    %integer_pow3A = arith.mulf %sub3A_32, %sub3A_32 : vector<10000x128xf32>
    %reduce_sum3A_33 = arith.constant dense<0.000000e+00> : vector<128xf32>
    %reduce_sum3A_34 = vector.multi_reduction <add>, %integer_pow3A, %reduce_sum3A_33 [0] : vector<10000x128xf32> to vector<128xf32>
    %broadcast_in_dim3A_35 = vector.shape_cast %reduce_sum3A_34 : vector<128xf32> to vector<1x128xf32>
    %div3A_36 = arith.constant 1.000000e+04 : f32
    %div3A_37 = vector.broadcast %div3A_36 : f32 to vector<1x128xf32>
    %div3A_38 = arith.divf %broadcast_in_dim3A_35, %div3A_37 : vector<1x128xf32>
    %sub3A_39 = vector.broadcast %div3A_31 : vector<1x128xf32> to vector<10000x128xf32>
    %sub3A_40 = arith.subf %add3A_27, %sub3A_39 : vector<10000x128xf32>
    %add3A_41 = arith.constant 9.99999974E-6 : f32
    %add3A_42 = vector.broadcast %add3A_41 : f32 to vector<1x128xf32>
    %add3A_43 = arith.addf %div3A_38, %add3A_42 : vector<1x128xf32>
    %rsqrt3A_44 = math.rsqrt %add3A_43 : vector<1x128xf32>
    %mul3A_45 = vector.broadcast %rsqrt3A_44 : vector<1x128xf32> to vector<10000x128xf32>
    %mul3A_46 = arith.mulf %sub3A_40, %mul3A_45 : vector<10000x128xf32>
    %get3A_47 = arith.constant 0 : index
    %get3A_48 = vector.load %arg4[%get3A_47] : memref<128xf32, #tpu.memory_space<vmem>>, vector<128xf32>
    %broadcast_in_dim3A_49 = vector.shape_cast %get3A_48 : vector<128xf32> to vector<1x128xf32>
    %mul3A_50 = vector.broadcast %broadcast_in_dim3A_49 : vector<1x128xf32> to vector<10000x128xf32>
    %mul3A_51 = arith.mulf %mul3A_46, %mul3A_50 : vector<10000x128xf32>
    %get3A_52 = arith.constant 0 : index
    %get3A_53 = vector.load %arg5[%get3A_52] : memref<128xf32, #tpu.memory_space<vmem>>, vector<128xf32>
    %broadcast_in_dim3A_54 = vector.shape_cast %get3A_53 : vector<128xf32> to vector<1x128xf32>
    %add3A_55 = vector.broadcast %broadcast_in_dim3A_54 : vector<1x128xf32> to vector<10000x128xf32>
    %add3A_56 = arith.addf %mul3A_51, %add3A_55 : vector<10000x128xf32>
    %max3A_57 = arith.constant 0.000000e+00 : f32
    %max3A_58 = vector.broadcast %max3A_57 : f32 to vector<10000x128xf32>
    %max3A_59 = arith.maximumf %add3A_56, %max3A_58 : vector<10000x128xf32>
    %swap3A = arith.constant 0 : index
    %swap3A_60 = arith.constant 0 : index
    %swap3A_61 = vector.load %arg6[%swap3A, %swap3A_60] : memref<10000x128xf32, #tpu.memory_space<vmem>>, vector<10000x128xf32>
    tpu.vector_store %arg6[%swap3A, %swap3A_60], %max3A_59 {strides = array<i32>} : memref<10000x128xf32, #tpu.memory_space<vmem>>, vector<10000x128xf32>,
    %slice3A_62 = vector.extract_strided_slice %get3A_2 {offsets = [0, 0, 0], sizes = [1, 1, 10000], strides = [1, 1, 1]} : vector<2x2x10240xf32> to vector<1x1x10000xf32>
    %squeeze3A_63 = vector.shape_cast %slice3A_62 : vector<1x1x10000xf32> to vector<10000xf32>
    %slice3A_64 = vector.extract_strided_slice %get3A_2 {offsets = [1, 0, 0], sizes = [1, 1, 10000], strides = [1, 1, 1]} : vector<2x2x10240xf32> to vector<1x1x10000xf32>
    %squeeze3A_65 = vector.shape_cast %slice3A_64 : vector<1x1x10000xf32> to vector<10000xf32>
    %add3A_66 = arith.addf %squeeze3A_63, %squeeze3A_65 : vector<10000xf32>
    %max3A_67 = arith.constant 1.000000e+00 : f32
    %max3A_68 = vector.broadcast %max3A_67 : f32 to vector<10000xf32>
    %max3A_69 = arith.maximumf %add3A_66, %max3A_68 : vector<10000xf32>
    %rsqrt3A_70 = math.rsqrt %max3A_69 : vector<10000xf32>
    %broadcast_in_dim3A_71 = vector.shape_cast %rsqrt3A_70 : vector<10000xf32> to vector<10000x1xf32>
    %mul3A_72 = vector.broadcast %broadcast_in_dim3A_71 : vector<10000x1xf32> to vector<10000x128xf32>
    %mul3A_73 = arith.mulf %max3A_59, %mul3A_72 : vector<10000x128xf32>
    %swap3A_74 = arith.constant 0 : index
    %swap3A_75 = arith.constant 0 : index
    %swap3A_76 = vector.load %arg7[%swap3A_74, %swap3A_75] : memref<10240x128xf32, #tpu.memory_space<vmem>>, vector<10000x128xf32>
    tpu.vector_store %arg7[%swap3A_74, %swap3A_75], %mul3A_73 {strides = array<i32>} : memref<10240x128xf32, #tpu.memory_space<vmem>>, vector<10000x128xf32>,
    %broadcast_in_dim3A_77 = arith.constant 0.000000e+00 : f32
    %broadcast_in_dim3A_78 = vector.broadcast %broadcast_in_dim3A_77 : f32 to vector<240x128xf32>
    %swap3A_79 = arith.constant 10000 : index
    %swap3A_80 = arith.constant 0 : index
    %swap3A_81 = vector.load %arg7[%swap3A_79, %swap3A_80] : memref<10240x128xf32, #tpu.memory_space<vmem>>, vector<240x128xf32>
    tpu.vector_store %arg7[%swap3A_79, %swap3A_80], %broadcast_in_dim3A_78 {strides = array<i32>} : memref<10240x128xf32, #tpu.memory_space<vmem>>, vector<240x128xf32>,
    return
  }
}

module attributes {stable_mosaic.version = 14 : i64} {
  func.func @_final_body(%arg0: memref<2x10240x128xf32, #tpu.memory_space<vmem>>, %arg1: memref<2x2x10240xf32, #tpu.memory_space<vmem>>, %arg2: memref<128x128xf32, #tpu.memory_space<vmem>>, %arg3: memref<128xf32, #tpu.memory_space<vmem>>, %arg4: memref<128xf32, #tpu.memory_space<vmem>>, %arg5: memref<128xf32, #tpu.memory_space<vmem>>, %arg6: memref<10000x128xf32, #tpu.memory_space<vmem>>, %arg7: memref<128x128xf32, #tpu.memory_space<vmem>>, %arg8: memref<128xf32, #tpu.memory_space<vmem>>, %arg9: memref<1x128xf32, #tpu.memory_space<vmem>>) attributes {dimension_semantics = [], scalar_prefetch = 0 : i64, scratch_operands = 0 : i64, tpu.core_type = #tpu.core_type<tc>} {
    %get3A = arith.constant 0 : index
    %get3A_0 = arith.constant 0 : index
    %get3A_1 = arith.constant 0 : index
    %get3A_2 = vector.load %arg1[%get3A, %get3A_0, %get3A_1] : memref<2x2x10240xf32, #tpu.memory_space<vmem>>, vector<2x2x10240xf32>
    %get3A_3 = arith.constant 0 : index
    %get3A_4 = arith.constant 0 : index
    %get3A_5 = arith.constant 0 : index
    %get3A_6 = vector.load %arg0[%get3A_3, %get3A_4, %get3A_5] : memref<2x10240x128xf32, #tpu.memory_space<vmem>>, vector<1x10000x128xf32>
    %get3A_7 = vector.shape_cast %get3A_6 : vector<1x10000x128xf32> to vector<10000x128xf32>
    %get3A_8 = arith.constant 1 : index
    %get3A_9 = arith.constant 0 : index
    %get3A_10 = arith.constant 0 : index
    %get3A_11 = vector.load %arg0[%get3A_8, %get3A_9, %get3A_10] : memref<2x10240x128xf32, #tpu.memory_space<vmem>>, vector<1x10000x128xf32>
    %get3A_12 = vector.shape_cast %get3A_11 : vector<1x10000x128xf32> to vector<10000x128xf32>
    %add3A = arith.addf %get3A_7, %get3A_12 : vector<10000x128xf32>
    %slice3A = vector.extract_strided_slice %get3A_2 {offsets = [0, 1, 0], sizes = [1, 1, 10000], strides = [1, 1, 1]} : vector<2x2x10240xf32> to vector<1x1x10000xf32>
    %squeeze3A = vector.shape_cast %slice3A : vector<1x1x10000xf32> to vector<10000xf32>
    %slice3A_13 = vector.extract_strided_slice %get3A_2 {offsets = [1, 1, 0], sizes = [1, 1, 10000], strides = [1, 1, 1]} : vector<2x2x10240xf32> to vector<1x1x10000xf32>
    %squeeze3A_14 = vector.shape_cast %slice3A_13 : vector<1x1x10000xf32> to vector<10000xf32>
    %add3A_15 = arith.addf %squeeze3A, %squeeze3A_14 : vector<10000xf32>
    %max3A = arith.constant 1.000000e+00 : f32
    %max3A_16 = vector.broadcast %max3A : f32 to vector<10000xf32>
    %max3A_17 = arith.maximumf %add3A_15, %max3A_16 : vector<10000xf32>
    %rsqrt3A = math.rsqrt %max3A_17 : vector<10000xf32>
    %broadcast_in_dim3A = vector.shape_cast %rsqrt3A : vector<10000xf32> to vector<10000x1xf32>
    %mul3A = vector.broadcast %broadcast_in_dim3A : vector<10000x1xf32> to vector<10000x128xf32>
    %mul3A_18 = arith.mulf %add3A, %mul3A : vector<10000x128xf32>
    %get3A_19 = arith.constant 0 : index
    %get3A_20 = arith.constant 0 : index
    %get3A_21 = vector.load %arg2[%get3A_19, %get3A_20] : memref<128x128xf32, #tpu.memory_space<vmem>>, vector<128x128xf32>
    %dot_general3A = arith.constant dense<0.000000e+00> : vector<10000x128xf32>
    %dot_general3A_22 = tpu.matmul %mul3A_18, %get3A_21, %dot_general3A {dimension_numbers = #tpu.dot_dimension_numbers<[1], [0], [0], [1], [0, 0, 1, 1], [], []>, transpose_lhs_hint = false} : vector<10000x128xf32>, vector<128x128xf32>, vector<10000x128xf32> -> vector<10000x128xf32>
    %get3A_23 = arith.constant 0 : index
    %get3A_24 = vector.load %arg3[%get3A_23] : memref<128xf32, #tpu.memory_space<vmem>>, vector<128xf32>
    %broadcast_in_dim3A_25 = vector.shape_cast %get3A_24 : vector<128xf32> to vector<1x128xf32>
    %add3A_26 = vector.broadcast %broadcast_in_dim3A_25 : vector<1x128xf32> to vector<10000x128xf32>
    %add3A_27 = arith.addf %dot_general3A_22, %add3A_26 : vector<10000x128xf32>
    %reduce_sum3A = arith.constant dense<0.000000e+00> : vector<128xf32>
    %reduce_sum3A_28 = vector.multi_reduction <add>, %add3A_27, %reduce_sum3A [0] : vector<10000x128xf32> to vector<128xf32>
    %broadcast_in_dim3A_29 = vector.shape_cast %reduce_sum3A_28 : vector<128xf32> to vector<1x128xf32>
    %div3A = arith.constant 1.000000e+04 : f32
    %div3A_30 = vector.broadcast %div3A : f32 to vector<1x128xf32>
    %div3A_31 = arith.divf %broadcast_in_dim3A_29, %div3A_30 : vector<1x128xf32>
    %sub3A = vector.broadcast %div3A_31 : vector<1x128xf32> to vector<10000x128xf32>
    %sub3A_32 = arith.subf %add3A_27, %sub3A : vector<10000x128xf32>
    %integer_pow3A = arith.mulf %sub3A_32, %sub3A_32 : vector<10000x128xf32>
    %reduce_sum3A_33 = arith.constant dense<0.000000e+00> : vector<128xf32>
    %reduce_sum3A_34 = vector.multi_reduction <add>, %integer_pow3A, %reduce_sum3A_33 [0] : vector<10000x128xf32> to vector<128xf32>
    %broadcast_in_dim3A_35 = vector.shape_cast %reduce_sum3A_34 : vector<128xf32> to vector<1x128xf32>
    %div3A_36 = arith.constant 1.000000e+04 : f32
    %div3A_37 = vector.broadcast %div3A_36 : f32 to vector<1x128xf32>
    %div3A_38 = arith.divf %broadcast_in_dim3A_35, %div3A_37 : vector<1x128xf32>
    %sub3A_39 = vector.broadcast %div3A_31 : vector<1x128xf32> to vector<10000x128xf32>
    %sub3A_40 = arith.subf %add3A_27, %sub3A_39 : vector<10000x128xf32>
    %add3A_41 = arith.constant 9.99999974E-6 : f32
    %add3A_42 = vector.broadcast %add3A_41 : f32 to vector<1x128xf32>
    %add3A_43 = arith.addf %div3A_38, %add3A_42 : vector<1x128xf32>
    %rsqrt3A_44 = math.rsqrt %add3A_43 : vector<1x128xf32>
    %mul3A_45 = vector.broadcast %rsqrt3A_44 : vector<1x128xf32> to vector<10000x128xf32>
    %mul3A_46 = arith.mulf %sub3A_40, %mul3A_45 : vector<10000x128xf32>
    %get3A_47 = arith.constant 0 : index
    %get3A_48 = vector.load %arg4[%get3A_47] : memref<128xf32, #tpu.memory_space<vmem>>, vector<128xf32>
    %broadcast_in_dim3A_49 = vector.shape_cast %get3A_48 : vector<128xf32> to vector<1x128xf32>
    %mul3A_50 = vector.broadcast %broadcast_in_dim3A_49 : vector<1x128xf32> to vector<10000x128xf32>
    %mul3A_51 = arith.mulf %mul3A_46, %mul3A_50 : vector<10000x128xf32>
    %get3A_52 = arith.constant 0 : index
    %get3A_53 = vector.load %arg5[%get3A_52] : memref<128xf32, #tpu.memory_space<vmem>>, vector<128xf32>
    %broadcast_in_dim3A_54 = vector.shape_cast %get3A_53 : vector<128xf32> to vector<1x128xf32>
    %add3A_55 = vector.broadcast %broadcast_in_dim3A_54 : vector<1x128xf32> to vector<10000x128xf32>
    %add3A_56 = arith.addf %mul3A_51, %add3A_55 : vector<10000x128xf32>
    %max3A_57 = arith.constant 0.000000e+00 : f32
    %max3A_58 = vector.broadcast %max3A_57 : f32 to vector<10000x128xf32>
    %max3A_59 = arith.maximumf %add3A_56, %max3A_58 : vector<10000x128xf32>
    %get3A_60 = arith.constant 0 : index
    %get3A_61 = arith.constant 0 : index
    %get3A_62 = vector.load %arg6[%get3A_60, %get3A_61] : memref<10000x128xf32, #tpu.memory_space<vmem>>, vector<10000x128xf32>
    %add3A_63 = arith.addf %max3A_59, %get3A_62 : vector<10000x128xf32>
    %reduce_sum3A_64 = arith.constant dense<0.000000e+00> : vector<128xf32>
    %reduce_sum3A_65 = vector.multi_reduction <add>, %add3A_63, %reduce_sum3A_64 [0] : vector<10000x128xf32> to vector<128xf32>
    %broadcast_in_dim3A_66 = vector.shape_cast %reduce_sum3A_65 : vector<128xf32> to vector<1x128xf32>
    %get3A_67 = arith.constant 0 : index
    %get3A_68 = arith.constant 0 : index
    %get3A_69 = vector.load %arg7[%get3A_67, %get3A_68] : memref<128x128xf32, #tpu.memory_space<vmem>>, vector<128x128xf32>
    %dot_general3A_70 = arith.constant dense<0.000000e+00> : vector<1x128xf32>
    %dot_general3A_71 = tpu.matmul %broadcast_in_dim3A_66, %get3A_69, %dot_general3A_70 {dimension_numbers = #tpu.dot_dimension_numbers<[1], [0], [0], [1], [0, 0, 1, 1], [], []>, transpose_lhs_hint = false} : vector<1x128xf32>, vector<128x128xf32>, vector<1x128xf32> -> vector<1x128xf32>
    %get3A_72 = arith.constant 0 : index
    %get3A_73 = vector.load %arg8[%get3A_72] : memref<128xf32, #tpu.memory_space<vmem>>, vector<128xf32>
    %broadcast_in_dim3A_74 = vector.shape_cast %get3A_73 : vector<128xf32> to vector<1x128xf32>
    %add3A_75 = arith.addf %dot_general3A_71, %broadcast_in_dim3A_74 : vector<1x128xf32>
    %swap3A = arith.constant 0 : index
    %swap3A_76 = arith.constant 0 : index
    %swap3A_77 = vector.load %arg9[%swap3A, %swap3A_76] : memref<1x128xf32, #tpu.memory_space<vmem>>, vector<1x128xf32>
    tpu.vector_store %arg9[%swap3A, %swap3A_76], %add3A_75 {strides = array<i32>} : memref<1x128xf32, #tpu.memory_space<vmem>>, vector<1x128xf32>,
    return
  }
}

</mosaic_0001>

<sc_bundles>
// kernel: kernel.11.cloned.1.call-start
scs
__scs_entry_jumppad:
0x0: {  	(pc) =	sbr.rel $0x88, $3  }
0x1: {  	(tag) =	ssettag $0x0;
	lr =	simm.s32 $0x1  }
0x2: {  	[smem:$0x3F95] =	sst lr;
	_ =	strace $0xD0000000  }
0x3: {  	_ = 	snop  }
0x4: {  	_ = 	snop  }
0x5: {  	_ = 	snop  }
0x6: {  	_ = 	snop  }
0x7: {  	_ = 	snop  }
__scs_overlays_trampoline_lowered:
0x8: {  	[smem:$0x3FA4] =	sst s0  }
0x9: {  	[smem:$0x3FA5] =	sst s1  }
0xa: {  	[smem:$0x3FA6] =	sst s2  }
0xb: {  	[smem:$0x3FA7] =	sst s3  }
0xc: {  	[smem:$0x3FA8] =	sst s4  }
0xd: {  	[smem:$0x3FA9] =	sst s5  }
0xe: {  	[smem:$0x3FAA] =	sst s6  }
0xf: {  	[smem:$0x3FAB] =	sst s7  }
0x10: {  	[smem:$0x3FAC] =	sst s8  }
0x11: {  	[smem:$0x3FAD] =	sst s9;
	s0 =	simm.s32 @!p0 $0x0  }
0x12: {  	s1 =	sld [smem:$0x3F93];
	s0 =	simm.s32 @p0 $0x1  }
0x13: {  	[smem:$0x3FAE] =	sst s0;
	s0 =	simm.s32 @!p1 $0x0  }
0x14: {  	s2 =	sld [smem:$0x3F92];
	s0 =	simm.s32 @p1 $0x1  }
0x15: {  	[smem:$0x3FAF] =	sst s0;
	s0 =	simm.s32 @!p2 $0x0  }
0x16: {  	s3 =	sld [smem:$0x3FDB];
	s0 =	simm.s32 @p2 $0x1  }
0x17: {  	s4 =	simm.s32 $0x1BF5;
	[smem:$0x3FB1] =	sst s0  }
0x18: {  	s0 =	sld [smem:$0x3F94];
	_ =	swait.ge [sflag:s4], $0x0  }
0x19: {  	s7 =	sld [smem:$0x3F95]  }
0x1a: {  	s8 =	sadd.s32 $0xFFFFE003, lr  }
0x1b: {  	s9 =	sadd.s32 $0xFFFFFEF7, lr;
	s5 =	simm.s32 $0xFFFFFFFF;
	p2 =	slt.u32 s8, $0xFFFFF086  }
0x1c: {  	p1 =	slt.u32 s9, $0xF7A;
	s5 =	simm.s32 @!p2 $0x0  }
0x1d: {  	s5 =	simm.s32 @p1 $0x1;
	p0 =	seq.s32 s7, s2  }
0x1e: {  	s7 =	smul.u32 @!p0 $0xF7A, s2;
	p2 =	seq.s32 @!p0 s5, $0x0  }
0x1f: {  	s9 =	smul.u32 $0xF7A, s1;
	s8 =	simm.s32 @!p0 $0x1BF5;
	p2 =	por !p2, p0  }
0x20: {  	[sflag:s8] =	ssyncset.s32 @!p0 $0xFFFFF086;
	s6 =	sadd.s32 @!p0 s3, s7;
	s7 =	simm.s32 @!p0 $0x108  }
0x21: {  	s3 =	sadd.s32 s3, s9;
	s6 =	sadd.s32 @!p0 $0x88, s6;
	s7 =	simm.s32 @p2 $0x1082  }
0x22: {  	[simem:s7], [sflag:s8] =	dma.local @!p0 [hbm:s6], $0xF7A  }
0x23: {  	s9 =	sor.u32 $0xD0000000, s2;
	s6 =	simm.s32 $0x108;
	_ =	swait.ge @!p0 [sflag:s8], $0x0  }
0x24: {  	s3 =	sadd.s32 $0x88, s3;
	s6 =	simm.s32 @!p1 $0x1082;
	[sflag:s4] =	ssyncset.s32 $0xFFFFF086  }
0x25: {  	[simem:s6], [sflag:s4] =	dma.local [hbm:s3], $0xF7A  }
0x26: {  	[smem:$0x3F95] =	sst s1;
	(tag) =	ssettag s2;
	_ =	strace s9  }
0x27: {  	s1 =	sld [smem:$0x3FA5]  }
0x28: {  	s2 =	sld [smem:$0x3FA6]  }
0x29: {  	s4 =	sld [smem:$0x3FA8]  }
0x2a: {  	p0 =	seq.s32 s5, $0x0;
	s5 =	sld [smem:$0x3FA9]  }
0x2b: {  	s6 =	sld [smem:$0x3FAA]  }
0x2c: {  	s7 =	sld [smem:$0x3FAB]  }
0x2d: {  	s3 =	simm.s32 $0x108;
	s8 =	sld [smem:$0x3FAC]  }
0x2e: {  	s3 =	simm.s32 @!p0 $0x1082;
	s9 =	sld [smem:$0x3FAD]  }
0x2f: {  	lr =	sadd.s32 s0, s3;
	s0 =	sld [smem:$0x3FA4]  }
0x30: {  	s3 =	sld [smem:$0x3FA7]  }
0x31: {  	[smem:$0x3FB0] =	sst s10  }
0x32: {  	s10 =	sld [smem:$0x3FAE];
	_ =	sdelay $0x3  }
0x33: {  	p0 =	seq.s32 s10, $0x1;
	s10 =	sld [smem:$0x3FB0];
	_ =	sdelay $0x3  }
0x34: {  	[smem:$0x3FB0] =	sst s10  }
0x35: {  	s10 =	sld [smem:$0x3FAF];
	_ =	sdelay $0x3  }
0x36: {  	p1 =	seq.s32 s10, $0x1;
	s10 =	sld [smem:$0x3FB0];
	_ =	sdelay $0x3  }
0x37: {  	[smem:$0x3FB0] =	sst s10  }
0x38: {  	s10 =	sld [smem:$0x3FB1]  }
0x39: {  	_ = 	snop;
	(pc) =	sbr.ind lr, $3  }
0x3a: {  	_ = 	snop  }
0x3b: {  	_ = 	snop  }
0x3c: {  	p2 =	seq.s32 s10, $0x1;
	s10 =	sld [smem:$0x3FB0]  }
0x3d: {  	_ =	shalt  }
0x3e: {  	_ =	shalt  }
0x3f: {  	_ =	shalt  }
0x40: {  	_ =	shalt  }
0x41: {  	_ =	shalt  }
0x42: {  	_ =	shalt  }
0x43: {  	_ =	shalt  }
0x44: {  	_ =	shalt  }
0x45: {  	_ =	shalt  }
0x46: {  	_ =	shalt  }
0x47: {  	_ =	shalt  }
0x48: {  	_ =	shalt  }
0x49: {  	_ =	shalt  }
0x4a: {  	_ =	shalt  }
0x4b: {  	_ =	shalt  }
0x4c: {  	_ =	shalt  }
0x4d: {  	_ =	shalt  }
0x4e: {  	_ =	shalt  }
0x4f: {  	_ =	shalt  }
0x50: {  	_ =	shalt  }
0x51: {  	_ =	shalt  }
0x52: {  	_ =	shalt  }
0x53: {  	_ =	shalt  }
0x54: {  	_ =	shalt  }
0x55: {  	_ =	shalt  }
0x56: {  	_ =	shalt  }
0x57: {  	_ =	shalt  }
0x58: {  	_ =	shalt  }
0x59: {  	_ =	shalt  }
0x5a: {  	_ =	shalt  }
0x5b: {  	_ =	shalt  }
0x5c: {  	_ =	shalt  }
0x5d: {  	_ =	shalt  }
0x5e: {  	_ =	shalt  }
0x5f: {  	_ =	shalt  }
0x60: {  	_ =	shalt  }
0x61: {  	_ =	shalt  }
0x62: {  	_ =	shalt  }
0x63: {  	_ =	shalt  }
0x64: {  	_ =	shalt  }
0x65: {  	_ =	shalt  }
0x66: {  	_ =	shalt  }
0x67: {  	_ =	shalt  }
0x68: {  	_ =	shalt  }
0x69: {  	_ =	shalt  }
0x6a: {  	_ =	shalt  }
0x6b: {  	_ =	shalt  }
0x6c: {  	_ =	shalt  }
0x6d: {  	_ =	shalt  }
0x6e: {  	_ =	shalt  }
0x6f: {  	_ =	shalt  }
0x70: {  	_ =	shalt  }
0x71: {  	_ =	shalt  }
0x72: {  	_ =	shalt  }
0x73: {  	_ =	shalt  }
0x74: {  	_ =	shalt  }
0x75: {  	_ =	shalt  }
0x76: {  	_ =	shalt  }
0x77: {  	_ =	shalt  }
0x78: {  	_ =	shalt  }
0x79: {  	_ =	shalt  }
0x7a: {  	_ =	shalt  }
0x7b: {  	_ =	shalt  }
0x7c: {  	_ =	shalt  }
0x7d: {  	_ =	shalt  }
0x7e: {  	_ =	shalt  }
0x7f: {  	_ =	shalt  }
0x80: {  	_ =	shalt  }
0x81: {  	_ =	shalt  }
0x82: {  	_ =	shalt  }
0x83: {  	_ =	shalt  }
0x84: {  	_ =	shalt  }
0x85: {  	_ =	shalt  }
0x86: {  	_ =	shalt  }
0x87: {  	_ =	shalt  }
.Lfunc_end0:
.L_simem_size_0:
called_computation.1_lowered:
.L_overlay_start_0:
0x88: {  	s2 =	sld [smem:$0x3FD9]  }
0x89: {  	s3 =	sld [smem:$0x3FFE];
	_ =	sdelay $0x1  }
0x8a: {  	s1 =	srdreg.scid  }
0x8b: {  	s0 =	sand.u32 $0x1, s1  }
0x8c: {  	s16 =	sshll.u32 s0, $0xA;
	s2 =	sadd.s32 s3, s2  }
0x8d: {  	s2 =	sadd.s32 s2, s16  }
0x8e: {  	[smem:$0x3FBC] =	sst s2  }
0x8f: {  	_ = 	snop  }
0x90: {  	(tm) =	ssettm $0x1  }
0x91: {  	s17 =	sld [smem:$0x3FFB];
	_ =	sdelay $0x3  }
0x92: {  	_ =	strace s17  }
0x93: {  	s2 =	sld [smem:$0x3FFC];
	_ =	sdelay $0x3  }
0x94: {  	_ =	strace s2  }
0x95: {  	s2 =	sld [smem:$0x3FFD];
	_ =	sdelay $0x3  }
0x96: {  	_ =	strace s2  }
0x97: {  	_ =	strace $0x8FFFFFFF  }
0x98: {  	s18 =	sld [smem:$0x3FDB];
	_ =	sdelay $0x1  }
0x99: {  	s19 =	simm.s32 $_scs_section_size  }
0x9a: {  	s4 =	simm.s32 $_size__tile_overlayer_lowered;
	s5 =	simm.s32 $_tile_overlayer_lowered  }
0x9b: {  	s22 =	simm.s32 $0x1BFF;
	s21 =	sshll.u32 s5, $0x1;
	s2 =	sadd.s32 s19, s18  }
0x9c: {  	s6 =	simm.s32 $0x0;
	s20 =	sshll.u32 s4, $0x1;
	s4 =	sadd.s32 s21, s2  }
0x9d: {  	[timem:s6], [sflag:s22] =	dma.local [hbm:s4], s20  }
0x9e: {  	_ =	swait.ge [sflag:s22], s20  }
0x9f: {  	s3 =	ssub.s32 $0x0, s20;
	[sflag:s22] =	ssyncset.done $0x0  }
0xa0: {  	[sflag:s22] =	ssyncadd.s32 s3;
	_ =	sdelay $0x1  }
0xa1: {  	s23 =	simm.s32 $0x1B8B  }
0xa2: {  	_ =	swait.ge [sflag:s23], $0x1  }
0xa3: {  	[sflag:s23] =	ssyncset.done $0x0  }
0xa4: {  	s25 =	simm.s32 $0x1B8E;
	s24 =	sld [smem:$0x3FFE];
	[sflag:s23] =	ssyncadd.s32 $0xFFFFFFFF  }
0xa5: {  	s26 =	simm.s32 $execute0_lowered;
	[smem:$0x3FD2] =	sst s25  }
0xa6: {  	s4 =	sshll.u32 s26, $0x1;
	_ =	strace $0x80000049;
	[dreg:$0x1] =	wrdreg $0xFFFFFFFF  }
0xa7: {  	s28 =	simm.s32 $_size_execute0_lowered;
	s2 =	sadd.s32 s2, s4;
	[dreg:$0x0] =	wrdreg $0x0  }
0xa8: {  	s4 =	sshll.u32 s28, $0x1;
	[dreg:$0x2] =	wrdreg s2  }
0xa9: {  	[dreg:$0x3] =	wrdreg s4  }
0xaa: {  	[dreg:$0x4] =	wrdreg $0xC0  }
0xab: {  	_ =	task [dreg:s6], $0x5FFFF  }
0xac: {  	[dreg:$0x1] =	wrdreg $0xFFFFFFFF  }
0xad: {  	[dreg:$0x0] =	wrdreg $0x60  }
0xae: {  	[dreg:$0x2] =	wrdreg s24  }
0xaf: {  	[dreg:$0x3] =	wrdreg $0xA8000  }
0xb0: {  	[dreg:$0x4] =	wrdreg $0x9  }
0xb1: {  	_ =	task.clear_ibuf [dreg:s6], $0x5FFFF;
	_ =	strace $0x90000049  }
0xb2: {  	s29 =	simm.s32 $0x9;
	_ =	strace $0x8000004B  }
0xb3: {  	_ =	swait.ge [sflag:s29], $0x1  }
0xb4: {  	[sflag:s29] =	ssyncadd.s32 $0xFFFFFFFF  }
0xb5: {  	_ =	strace $0x9000004B  }
0xb6: {  	_ =	sfence  }
0xb7: {  	s30 =	sld [smem:$0x0];
	_ =	sdelay $0x2  }
0xb8: {  	s31 =	sshll.u32 s1, $0xD;
	s1 =	sshrl.u32 s1, $0x2  }
0xb9: {  	s3 =	sand.u32 $0x4000, s31;
	s1 =	sadd.s32 s1, s30  }
0xba: {  	s0 =	sor.u32 s3, s0;
	s1 =	sshll.u32 s1, $0x11  }
0xbb: {  	s0 =	sor.u32 s1, s0  }
0xbc: {  	s0 =	sadd.s32 $0x8F2B, s0  }
0xbd: {  	[sflag:s0] =	ssyncadd.remote.s32 $0x1  }
0xbe: {  	_ =	sfence.sel $0xFFFF  }
0xbf: {  	[dreg:$0x0] =	wrdreg $0xFFFFFFFF;
	(pc) =	sbr.abs _section_cstart, $3  }
0xc0: {  	[dreg:$0x1] =	wrdreg $0xFFFFFFFF  }
0xc1: {  	_ =	task.clear_ibuf [dreg:s6], $0x2FFFF;
	_ =	strace $0x9FFFFFFF  }
0xc2: {  	(tm) =	ssettm $0x7FFFFFFF  }
0xc3: {  	_ =	shalt  }
tec
execute0_lowered:
.L_overlay_start_1:
0x0: {  	(tag) =	ssettag $0x1  }
0x1: {  	s6 =	rddreg [dreg:$0x0];
	s0 =	stileid.u32  }
0x2: {  	s1 =	srdreg.scid;
	s2 =	rddreg [dreg:$0x1];
	s3 =	simm.s32 $0x0  }
0x3: {  	s18 =	simm.s32 $0x5;
	s19 =	simm.s32 $0x1400;
	s20 =	simm.s32 $0x80  }
0x4: {  	s21 =	simm.s32 $0x2800;
	s22 =	simm.s32 $0x6800;
	s23 =	simm.s32 $0x1  }
0x5: {  	s24 =	simm.s32 $0x2;
	s28 =	simm.s32 $0x2700;
	s5 =	smul.u32 $0x2800, s0  }
0x6: {  	s29 =	simm.s32 $0x2780;
	s7 =	sand.u32 $0x1, s1;
	s9 =	smul.u32 $0x14000, s0  }
0x7: {  	[smem:$0x7FF] =	sst s3;
	s4 =	sadd.s32 $0x17400, s6;
	s25 =	smul.u32 $0x50000, s0  }
0x8: {  	s31 =	sshll.u32 s0, $0x6;
	s8 =	smul.u32 $0x140000, s7;
	_ =	strace $0x8000004A  }
0x9: {  	s10 =	ssub.s32 $0x2, s7;
	p0 =	seq.s32 s7, $0x1;
	s5 =	sshrl.u32 s5, $0x3  }
0xa: {  	s26 =	sshrl.u32 s10, $0x1;
	s30 =	sshrl.u32 s25, $0x2;
	s25 =	simm.s32 $0x3  }
0xb: {  	s14 =	sadd.s32 s5, s6;
	s8 =	sadd.s32 s9, s8;
	s5 =	sadd.s32 $0x3F400, s6  }
0xc: {  	s16 =	ssub.s32 s10, s26;
	s17 =	sadd.s32 s30, s2;
	s26 =	simm.s32 $0x4  }
.Ltmp0:
0xd: {  	s8 =	sshrl.u32 s8, $0x3;
	s7 =	sadd.s32 $0x3400, s14;
	(pc) =	sbr.rel .LBB2_1-.Ltmp0, $4  }
0xe: {  	s9 =	sadd.s32 $0x3680, s14;
	s10 =	sadd.s32 $0xD680, s14;
	s11 =	sadd.s32 $0x8400, s14  }
0xf: {  	s12 =	sadd.s32 $0x12400, s14;
	s13 =	sadd.s32 $0x8680, s14;
	s16 =	smax.u32 s16, $0x1  }
0x10: {  	s17 =	sshrl.u32 s17, $0x3;
	s15 =	sadd.s32 s8, s6;
	s6 =	sor.u32 $0x1C05, s31  }
0x11: {  	s8 =	sadd.s32 $0xD400, s14;
	s14 =	sadd.s32 $0x12680, s14;
	s15 =	sadd.s32 $0x41C00, s15  }
.LBB2_11:
0x12: {  	[tilespmem:s22], [sflag:$0x2] =	stream.indirect.gather [hbm4b:s4+s20], $0x80, s31, s20, $0xb8;
	[tilespmem:$0x1E800] =	vst v63  }
.LBB2_12:
0x13: {  	_ =	swait.ge [sflag:s23], $0x4000  }
0x14: {  	[sflag:s23] =	ssyncset.done $0x0  }
0x15: {  	[sflag:s23] =	ssyncadd.s32 $0xFFFFC000  }
0x16: {  	[spmem:s2] =	stream.indirect.scatter.add.f32 [tilespmem:s21], [sflag:$0x3], $0x80, s28, s20, $0xb8;
	[tilespmem:$0x1E800] =	vst v63  }
0x17: {  	_ =	swait.ge [sflag:s24], $0x4000  }
0x18: {  	[sflag:s24] =	ssyncset.done $0x0  }
0x19: {  	[sflag:s24] =	ssyncadd.s32 $0xFFFFC000  }
0x1a: {  	[spmem:s2] =	stream.indirect.scatter.add.f32 [tilespmem:s22], [sflag:$0x4], $0x80, s29, s20, $0xb8;
	[tilespmem:$0x1E800] =	vst v63  }
0x1b: {  	_ =	swait.ge [sflag:s25], $0x4000  }
0x1c: {  	[sflag:s25] =	ssyncset.done $0x0  }
0x1d: {  	[sflag:s25] =	ssyncadd.s32 $0xFFFFC000  }
0x1e: {  	_ =	swait.ge [sflag:s26], $0x4000  }
0x1f: {  	s3 =	sadd.s32 $0x1, s3;
	[sflag:s26] =	ssyncset.done $0x0  }
0x20: {  	p1 =	sne.s32 s3, s16;
	[sflag:s26] =	ssyncadd.s32 $0xFFFFC000  }
.Ltmp1:
0x21: {  	[bflag:$0x0] =	sbarrier.arrive $0xFFFF;
	(pc) =	sbr.rel @!p1 .LBB2_13-.Ltmp1, $4  }
0x22: {  	[hbm:s15], [sflag:s6] =	dma.local [spmem:s17], $0x2800  }
0x23: {  	_ =	swait.ge [sflag:s18], $0x2800  }
0x24: {  	[sflag:s18] =	ssyncset.done $0x0  }
0x25: {  	[sflag:s18] =	ssyncadd.s32 $0xFFFFD800  }
.LBB2_1:
0x26: {  	[spmem:s17], [sflag:s6] =	dma.local [hbm:s5], $0x2800  }
.Ltmp2:
0x27: {  	_ =	swait.ge [sflag:s18], $0x2800;
	(pc) =	sbr.rel @!p0 .LBB2_2-.Ltmp2, $3  }
0x28: {  	[sflag:s18] =	ssyncset.done $0x0  }
0x29: {  	[sflag:s18] =	ssyncadd.s32 $0xFFFFD800  }
0x2a: {  	[bflag:$0x0] =	sbarrier.arrive $0xFFFF;
	_ =	sdelay $0x1  }
0x2b: {  	s1 =	simm.s32 $0x0  }
0x2c: {  	[tilespmem:s1], [sflag:$0x5] =	stream.linear.gather [hbm4b:s11+s1], $0x1400, $0x38;
	[tilespmem:$0x1E800] =	vst v63  }
0x2d: {  	_ =	swait.ge [sflag:s18], $0x1400  }
0x2e: {  	[sflag:s18] =	ssyncset.done $0x0  }
0x2f: {  	[sflag:s18] =	ssyncadd.s32 $0xFFFFEC00  }
0x30: {  	[tilespmem:s19], [sflag:$0x5] =	stream.linear.gather [hbm4b:s12+s1], $0x1400, $0x38;
	[tilespmem:$0x1E800] =	vst v63  }
0x31: {  	_ =	swait.ge [sflag:s18], $0x1400  }
0x32: {  	[sflag:s18] =	ssyncset.done $0x0  }
0x33: {  	[sflag:s18] =	ssyncadd.s32 $0xFFFFEC00  }
0x34: {  	[tilespmem:s21], [sflag:$0x1] =	stream.indirect.gather [hbm4b:s4+s20], $0x80, s1, s20, $0xb8;
	[tilespmem:$0x1E800] =	vst v63  }
0x35: {  	_ = 	snop  }
0x36: {  	[tilespmem:s22], [sflag:$0x2] =	stream.indirect.gather [hbm4b:s4+s20], $0x80, s20, s20, $0xb8;
	[tilespmem:$0x1E800] =	vst v63  }
0x37: {  	_ =	swait.ge [sflag:s23], $0x4000  }
0x38: {  	[sflag:s23] =	ssyncset.done $0x0  }
0x39: {  	s1 =	simm.s32 $0x1400;
	[sflag:s23] =	ssyncadd.s32 $0xFFFFC000  }
0x3a: {  	[spmem:s2] =	stream.indirect.scatter.add.f32 [tilespmem:s21], [sflag:$0x3], $0x80, s1, s20, $0xb8;
	[tilespmem:$0x1E800] =	vst v63  }
0x3b: {  	_ =	swait.ge [sflag:s24], $0x4000  }
0x3c: {  	[sflag:s24] =	ssyncset.done $0x0  }
0x3d: {  	s1 =	simm.s32 $0x1480;
	[sflag:s24] =	ssyncadd.s32 $0xFFFFC000  }
0x3e: {  	[spmem:s2] =	stream.indirect.scatter.add.f32 [tilespmem:s22], [sflag:$0x4], $0x80, s1, s20, $0xb8;
	[tilespmem:$0x1E800] =	vst v63  }
0x3f: {  	_ =	swait.ge [sflag:s25], $0x4000  }
0x40: {  	[sflag:s25] =	ssyncset.done $0x0  }
0x41: {  	s1 =	simm.s32 $0x100;
	[sflag:s25] =	ssyncadd.s32 $0xFFFFC000  }
0x42: {  	[tilespmem:s21], [sflag:$0x1] =	stream.indirect.gather [hbm4b:s4+s20], $0x80, s1, s20, $0xb8;
	[tilespmem:$0x1E800] =	vst v63  }
0x43: {  	_ =	swait.ge [sflag:s26], $0x4000  }
0x44: {  	[sflag:s26] =	ssyncset.done $0x0  }
0x45: {  	s30 =	simm.s32 $0x400;
	s31 =	simm.s32 $0x180;
	[sflag:s26] =	ssyncadd.s32 $0xFFFFC000  }
.LBB2_8:
0x46: {  	[tilespmem:s22], [sflag:$0x2] =	stream.indirect.gather [hbm4b:s4+s20], $0x80, s31, s20, $0xb8;
	[tilespmem:$0x1E800] =	vst v63  }
0x47: {  	s1 =	smov.u32 s30  }
0x48: {  	p1 =	sne.s32 s30, $0x4800;
	s30 =	sadd.s32 $0x400, s30;
	_ =	swait.ge [sflag:s23], $0x4000  }
0x49: {  	s1 =	sshra.s32 s1, $0x2;
	[sflag:s23] =	ssyncset.done $0x0  }
0x4a: {  	s31 =	sadd.s32 $0x1400, s1;
	[sflag:s23] =	ssyncadd.s32 $0xFFFFC000  }
0x4b: {  	[spmem:s2] =	stream.indirect.scatter.add.f32 [tilespmem:s21], [sflag:$0x3], $0x80, s31, s20, $0xb8;
	[tilespmem:$0x1E800] =	vst v63  }
0x4c: {  	_ =	swait.ge [sflag:s24], $0x4000  }
0x4d: {  	[sflag:s24] =	ssyncset.done $0x0  }
0x4e: {  	s31 =	sadd.s32 $0x1480, s1;
	[sflag:s24] =	ssyncadd.s32 $0xFFFFC000  }
0x4f: {  	[spmem:s2] =	stream.indirect.scatter.add.f32 [tilespmem:s22], [sflag:$0x4], $0x80, s31, s20, $0xb8;
	[tilespmem:$0x1E800] =	vst v63  }
0x50: {  	_ =	swait.ge [sflag:s25], $0x4000  }
0x51: {  	[sflag:s25] =	ssyncset.done $0x0  }
.Ltmp3:
0x52: {  	s31 =	sadd.s32 $0x100, s1;
	[sflag:s25] =	ssyncadd.s32 $0xFFFFC000;
	(pc) =	sbr.rel @p1 .LBB2_8-.Ltmp3, $4  }
0x53: {  	[tilespmem:s21], [sflag:$0x1] =	stream.indirect.gather [hbm4b:s4+s20], $0x80, s31, s20, $0xb8;
	[tilespmem:$0x1E800] =	vst v63  }
0x54: {  	_ =	swait.ge [sflag:s26], $0x4000  }
0x55: {  	[sflag:s26] =	ssyncset.done $0x0  }
0x56: {  	s31 =	sadd.s32 $0x180, s1;
	[sflag:s26] =	ssyncadd.s32 $0xFFFFC000  }
0x57: {  	[tilespmem:s22], [sflag:$0x2] =	stream.indirect.gather [hbm4b:s4+s20], $0x80, s31, s20, $0xb8;
	[tilespmem:$0x1E800] =	vst v63  }
0x58: {  	_ =	swait.ge [sflag:s23], $0x4000  }
0x59: {  	[sflag:s23] =	ssyncset.done $0x0  }
0x5a: {  	[sflag:s23] =	ssyncadd.s32 $0xFFFFC000  }
0x5b: {  	[spmem:s2] =	stream.indirect.scatter.add.f32 [tilespmem:s21], [sflag:$0x3], $0x80, s28, s20, $0xb8;
	[tilespmem:$0x1E800] =	vst v63  }
0x5c: {  	_ =	swait.ge [sflag:s24], $0x4000  }
0x5d: {  	[sflag:s24] =	ssyncset.done $0x0  }
0x5e: {  	[sflag:s24] =	ssyncadd.s32 $0xFFFFC000  }
0x5f: {  	[spmem:s2] =	stream.indirect.scatter.add.f32 [tilespmem:s22], [sflag:$0x4], $0x80, s29, s20, $0xb8;
	[tilespmem:$0x1E800] =	vst v63  }
0x60: {  	_ =	swait.ge [sflag:s25], $0x4000  }
0x61: {  	[sflag:s25] =	ssyncset.done $0x0  }
0x62: {  	[sflag:s25] =	ssyncadd.s32 $0xFFFFC000  }
0x63: {  	_ =	swait.ge [sflag:s26], $0x4000  }
0x64: {  	[sflag:s26] =	ssyncset.done $0x0  }
0x65: {  	s1 =	simm.s32 $0x0;
	[sflag:s26] =	ssyncadd.s32 $0xFFFFC000  }
0x66: {  	[tilespmem:s1], [sflag:$0x5] =	stream.linear.gather [hbm4b:s13+s1], $0x1400, $0x38;
	[tilespmem:$0x1E800] =	vst v63  }
0x67: {  	_ =	swait.ge [sflag:s18], $0x1400  }
0x68: {  	[sflag:s18] =	ssyncset.done $0x0  }
0x69: {  	[sflag:s18] =	ssyncadd.s32 $0xFFFFEC00  }
0x6a: {  	[tilespmem:s19], [sflag:$0x5] =	stream.linear.gather [hbm4b:s14+s1], $0x1400, $0x38;
	[tilespmem:$0x1E800] =	vst v63  }
0x6b: {  	_ =	swait.ge [sflag:s18], $0x1400  }
0x6c: {  	[sflag:s18] =	ssyncset.done $0x0  }
0x6d: {  	[sflag:s18] =	ssyncadd.s32 $0xFFFFEC00  }
0x6e: {  	[tilespmem:s21], [sflag:$0x1] =	stream.indirect.gather [hbm4b:s4+s20], $0x80, s1, s20, $0xb8;
	[tilespmem:$0x1E800] =	vst v63  }
0x6f: {  	_ = 	snop  }
0x70: {  	[tilespmem:s22], [sflag:$0x2] =	stream.indirect.gather [hbm4b:s4+s20], $0x80, s20, s20, $0xb8;
	[tilespmem:$0x1E800] =	vst v63  }
0x71: {  	_ =	swait.ge [sflag:s23], $0x4000  }
0x72: {  	[sflag:s23] =	ssyncset.done $0x0  }
0x73: {  	s1 =	simm.s32 $0x1400;
	[sflag:s23] =	ssyncadd.s32 $0xFFFFC000  }
0x74: {  	[spmem:s2] =	stream.indirect.scatter.add.f32 [tilespmem:s21], [sflag:$0x3], $0x80, s1, s20, $0xb8;
	[tilespmem:$0x1E800] =	vst v63  }
0x75: {  	_ =	swait.ge [sflag:s24], $0x4000  }
0x76: {  	[sflag:s24] =	ssyncset.done $0x0  }
0x77: {  	s1 =	simm.s32 $0x1480;
	[sflag:s24] =	ssyncadd.s32 $0xFFFFC000  }
0x78: {  	[spmem:s2] =	stream.indirect.scatter.add.f32 [tilespmem:s22], [sflag:$0x4], $0x80, s1, s20, $0xb8;
	[tilespmem:$0x1E800] =	vst v63  }
0x79: {  	_ =	swait.ge [sflag:s25], $0x4000  }
0x7a: {  	[sflag:s25] =	ssyncset.done $0x0  }
0x7b: {  	s1 =	simm.s32 $0x100;
	[sflag:s25] =	ssyncadd.s32 $0xFFFFC000  }
0x7c: {  	[tilespmem:s21], [sflag:$0x1] =	stream.indirect.gather [hbm4b:s4+s20], $0x80, s1, s20, $0xb8;
	[tilespmem:$0x1E800] =	vst v63  }
0x7d: {  	_ =	swait.ge [sflag:s26], $0x4000  }
0x7e: {  	[sflag:s26] =	ssyncset.done $0x0  }
0x7f: {  	s30 =	simm.s32 $0x400;
	s31 =	simm.s32 $0x180;
	[sflag:s26] =	ssyncadd.s32 $0xFFFFC000  }
.LBB2_10:
0x80: {  	[tilespmem:s22], [sflag:$0x2] =	stream.indirect.gather [hbm4b:s4+s20], $0x80, s31, s20, $0xb8;
	[tilespmem:$0x1E800] =	vst v63  }
0x81: {  	s1 =	smov.u32 s30  }
0x82: {  	p1 =	sne.s32 s30, $0x4800;
	s30 =	sadd.s32 $0x400, s30;
	_ =	swait.ge [sflag:s23], $0x4000  }
0x83: {  	s1 =	sshra.s32 s1, $0x2;
	[sflag:s23] =	ssyncset.done $0x0  }
0x84: {  	s31 =	sadd.s32 $0x1400, s1;
	[sflag:s23] =	ssyncadd.s32 $0xFFFFC000  }
0x85: {  	[spmem:s2] =	stream.indirect.scatter.add.f32 [tilespmem:s21], [sflag:$0x3], $0x80, s31, s20, $0xb8;
	[tilespmem:$0x1E800] =	vst v63  }
0x86: {  	_ =	swait.ge [sflag:s24], $0x4000  }
0x87: {  	[sflag:s24] =	ssyncset.done $0x0  }
0x88: {  	s31 =	sadd.s32 $0x1480, s1;
	[sflag:s24] =	ssyncadd.s32 $0xFFFFC000  }
0x89: {  	[spmem:s2] =	stream.indirect.scatter.add.f32 [tilespmem:s22], [sflag:$0x4], $0x80, s31, s20, $0xb8;
	[tilespmem:$0x1E800] =	vst v63  }
0x8a: {  	_ =	swait.ge [sflag:s25], $0x4000  }
0x8b: {  	[sflag:s25] =	ssyncset.done $0x0  }
.Ltmp4:
0x8c: {  	s31 =	sadd.s32 $0x100, s1;
	[sflag:s25] =	ssyncadd.s32 $0xFFFFC000;
	(pc) =	sbr.rel @p1 .LBB2_10-.Ltmp4, $4  }
0x8d: {  	[tilespmem:s21], [sflag:$0x1] =	stream.indirect.gather [hbm4b:s4+s20], $0x80, s31, s20, $0xb8;
	[tilespmem:$0x1E800] =	vst v63  }
0x8e: {  	_ =	swait.ge [sflag:s26], $0x4000  }
0x8f: {  	[sflag:s26] =	ssyncset.done $0x0  }
0x90: {  	s31 =	sadd.s32 $0x180, s1;
	[sflag:s26] =	ssyncadd.s32 $0xFFFFC000  }
.Ltmp5:
0x91: {  	_ = 	snop;
	(pc) =	sbr.rel .LBB2_11-.Ltmp5, $1  }
0x92: {  	_ =	sdelay $0x3  }
.LBB2_2:
0x93: {  	s30 =	simm.s32 $0x0  }
0x94: {  	[tilespmem:s30], [sflag:$0x5] =	stream.linear.gather [hbm4b:s7+s30], $0x1400, $0x38;
	[tilespmem:$0x1E800] =	vst v63  }
0x95: {  	_ =	swait.ge [sflag:s18], $0x1400  }
0x96: {  	[sflag:s18] =	ssyncset.done $0x0  }
0x97: {  	[sflag:s18] =	ssyncadd.s32 $0xFFFFEC00  }
0x98: {  	[tilespmem:s19], [sflag:$0x5] =	stream.linear.gather [hbm4b:s8+s30], $0x1400, $0x38;
	[tilespmem:$0x1E800] =	vst v63  }
0x99: {  	_ =	swait.ge [sflag:s18], $0x1400  }
0x9a: {  	[sflag:s18] =	ssyncset.done $0x0  }
0x9b: {  	[sflag:s18] =	ssyncadd.s32 $0xFFFFEC00  }
0x9c: {  	[tilespmem:s21], [sflag:$0x1] =	stream.indirect.gather [hbm4b:s4+s20], $0x80, s30, s20, $0xb8;
	[tilespmem:$0x1E800] =	vst v63  }
0x9d: {  	_ = 	snop  }
0x9e: {  	[tilespmem:s22], [sflag:$0x2] =	stream.indirect.gather [hbm4b:s4+s20], $0x80, s20, s20, $0xb8;
	[tilespmem:$0x1E800] =	vst v63  }
0x9f: {  	_ =	swait.ge [sflag:s23], $0x4000  }
0xa0: {  	[sflag:s23] =	ssyncset.done $0x0  }
0xa1: {  	s30 =	simm.s32 $0x1400;
	[sflag:s23] =	ssyncadd.s32 $0xFFFFC000  }
0xa2: {  	[spmem:s2] =	stream.indirect.scatter.add.f32 [tilespmem:s21], [sflag:$0x3], $0x80, s30, s20, $0xb8;
	[tilespmem:$0x1E800] =	vst v63  }
0xa3: {  	_ =	swait.ge [sflag:s24], $0x4000  }
0xa4: {  	[sflag:s24] =	ssyncset.done $0x0  }
0xa5: {  	s30 =	simm.s32 $0x1480;
	[sflag:s24] =	ssyncadd.s32 $0xFFFFC000  }
0xa6: {  	[spmem:s2] =	stream.indirect.scatter.add.f32 [tilespmem:s22], [sflag:$0x4], $0x80, s30, s20, $0xb8;
	[tilespmem:$0x1E800] =	vst v63  }
0xa7: {  	_ =	swait.ge [sflag:s25], $0x4000  }
0xa8: {  	[sflag:s25] =	ssyncset.done $0x0  }
0xa9: {  	s30 =	simm.s32 $0x100;
	[sflag:s25] =	ssyncadd.s32 $0xFFFFC000  }
0xaa: {  	[tilespmem:s21], [sflag:$0x1] =	stream.indirect.gather [hbm4b:s4+s20], $0x80, s30, s20, $0xb8;
	[tilespmem:$0x1E800] =	vst v63  }
0xab: {  	_ =	swait.ge [sflag:s26], $0x4000  }
0xac: {  	[sflag:s26] =	ssyncset.done $0x0  }
0xad: {  	s31 =	simm.s32 $0x180;
	s30 =	simm.s32 $0x400;
	[sflag:s26] =	ssyncadd.s32 $0xFFFFC000  }
.LBB2_3:
0xae: {  	[tilespmem:s22], [sflag:$0x2] =	stream.indirect.gather [hbm4b:s4+s20], $0x80, s31, s20, $0xb8;
	[tilespmem:$0x1E800] =	vst v63  }
0xaf: {  	s31 =	smov.u32 s30  }
0xb0: {  	p1 =	sne.s32 s30, $0x4800;
	s30 =	sadd.s32 $0x400, s30;
	_ =	swait.ge [sflag:s23], $0x4000  }
0xb1: {  	s31 =	sshra.s32 s31, $0x2;
	[sflag:s23] =	ssyncset.done $0x0  }
0xb2: {  	s1 =	sadd.s32 $0x1400, s31;
	[sflag:s23] =	ssyncadd.s32 $0xFFFFC000  }
0xb3: {  	[spmem:s2] =	stream.indirect.scatter.add.f32 [tilespmem:s21], [sflag:$0x3], $0x80, s1, s20, $0xb8;
	[tilespmem:$0x1E800] =	vst v63  }
0xb4: {  	_ =	swait.ge [sflag:s24], $0x4000  }
0xb5: {  	[sflag:s24] =	ssyncset.done $0x0  }
0xb6: {  	s1 =	sadd.s32 $0x1480, s31;
	[sflag:s24] =	ssyncadd.s32 $0xFFFFC000  }
0xb7: {  	[spmem:s2] =	stream.indirect.scatter.add.f32 [tilespmem:s22], [sflag:$0x4], $0x80, s1, s20, $0xb8;
	[tilespmem:$0x1E800] =	vst v63  }
0xb8: {  	_ =	swait.ge [sflag:s25], $0x4000  }
0xb9: {  	[sflag:s25] =	ssyncset.done $0x0  }
.Ltmp6:
0xba: {  	s1 =	sadd.s32 $0x100, s31;
	[sflag:s25] =	ssyncadd.s32 $0xFFFFC000;
	(pc) =	sbr.rel @p1 .LBB2_3-.Ltmp6, $4  }
0xbb: {  	[tilespmem:s21], [sflag:$0x1] =	stream.indirect.gather [hbm4b:s4+s20], $0x80, s1, s20, $0xb8;
	[tilespmem:$0x1E800] =	vst v63  }
0xbc: {  	_ =	swait.ge [sflag:s26], $0x4000  }
0xbd: {  	[sflag:s26] =	ssyncset.done $0x0  }
0xbe: {  	s31 =	sadd.s32 $0x180, s31;
	[sflag:s26] =	ssyncadd.s32 $0xFFFFC000  }
0xbf: {  	[tilespmem:s22], [sflag:$0x2] =	stream.indirect.gather [hbm4b:s4+s20], $0x80, s31, s20, $0xb8;
	[tilespmem:$0x1E800] =	vst v63  }
0xc0: {  	_ =	swait.ge [sflag:s23], $0x4000  }
0xc1: {  	[sflag:s23] =	ssyncset.done $0x0  }
0xc2: {  	[sflag:s23] =	ssyncadd.s32 $0xFFFFC000  }
0xc3: {  	[spmem:s2] =	stream.indirect.scatter.add.f32 [tilespmem:s21], [sflag:$0x3], $0x80, s28, s20, $0xb8;
	[tilespmem:$0x1E800] =	vst v63  }
0xc4: {  	_ =	swait.ge [sflag:s24], $0x4000  }
0xc5: {  	[sflag:s24] =	ssyncset.done $0x0  }
0xc6: {  	[sflag:s24] =	ssyncadd.s32 $0xFFFFC000  }
0xc7: {  	[spmem:s2] =	stream.indirect.scatter.add.f32 [tilespmem:s22], [sflag:$0x4], $0x80, s29, s20, $0xb8;
	[tilespmem:$0x1E800] =	vst v63  }
0xc8: {  	_ =	swait.ge [sflag:s25], $0x4000  }
0xc9: {  	[sflag:s25] =	ssyncset.done $0x0  }
0xca: {  	[sflag:s25] =	ssyncadd.s32 $0xFFFFC000  }
0xcb: {  	_ =	swait.ge [sflag:s26], $0x4000  }
0xcc: {  	[sflag:s26] =	ssyncset.done $0x0  }
0xcd: {  	s1 =	simm.s32 $0x0;
	[sflag:s26] =	ssyncadd.s32 $0xFFFFC000  }
0xce: {  	[tilespmem:s1], [sflag:$0x5] =	stream.linear.gather [hbm4b:s9+s1], $0x1400, $0x38;
	[tilespmem:$0x1E800] =	vst v63  }
0xcf: {  	_ =	swait.ge [sflag:s18], $0x1400  }
0xd0: {  	[sflag:s18] =	ssyncset.done $0x0  }
0xd1: {  	[sflag:s18] =	ssyncadd.s32 $0xFFFFEC00  }
0xd2: {  	[tilespmem:s19], [sflag:$0x5] =	stream.linear.gather [hbm4b:s10+s1], $0x1400, $0x38;
	[tilespmem:$0x1E800] =	vst v63  }
0xd3: {  	_ =	swait.ge [sflag:s18], $0x1400  }
0xd4: {  	[sflag:s18] =	ssyncset.done $0x0  }
0xd5: {  	[sflag:s18] =	ssyncadd.s32 $0xFFFFEC00  }
0xd6: {  	[tilespmem:s21], [sflag:$0x1] =	stream.indirect.gather [hbm4b:s4+s20], $0x80, s1, s20, $0xb8;
	[tilespmem:$0x1E800] =	vst v63  }
0xd7: {  	_ = 	snop  }
0xd8: {  	[tilespmem:s22], [sflag:$0x2] =	stream.indirect.gather [hbm4b:s4+s20], $0x80, s20, s20, $0xb8;
	[tilespmem:$0x1E800] =	vst v63  }
0xd9: {  	_ =	swait.ge [sflag:s23], $0x4000  }
0xda: {  	[sflag:s23] =	ssyncset.done $0x0  }
0xdb: {  	s1 =	simm.s32 $0x1400;
	[sflag:s23] =	ssyncadd.s32 $0xFFFFC000  }
0xdc: {  	[spmem:s2] =	stream.indirect.scatter.add.f32 [tilespmem:s21], [sflag:$0x3], $0x80, s1, s20, $0xb8;
	[tilespmem:$0x1E800] =	vst v63  }
0xdd: {  	_ =	swait.ge [sflag:s24], $0x4000  }
0xde: {  	[sflag:s24] =	ssyncset.done $0x0  }
0xdf: {  	s1 =	simm.s32 $0x1480;
	[sflag:s24] =	ssyncadd.s32 $0xFFFFC000  }
0xe0: {  	[spmem:s2] =	stream.indirect.scatter.add.f32 [tilespmem:s22], [sflag:$0x4], $0x80, s1, s20, $0xb8;
	[tilespmem:$0x1E800] =	vst v63  }
0xe1: {  	_ =	swait.ge [sflag:s25], $0x4000  }
0xe2: {  	[sflag:s25] =	ssyncset.done $0x0  }
0xe3: {  	s1 =	simm.s32 $0x100;
	[sflag:s25] =	ssyncadd.s32 $0xFFFFC000  }
0xe4: {  	[tilespmem:s21], [sflag:$0x1] =	stream.indirect.gather [hbm4b:s4+s20], $0x80, s1, s20, $0xb8;
	[tilespmem:$0x1E800] =	vst v63  }
0xe5: {  	_ =	swait.ge [sflag:s26], $0x4000  }
0xe6: {  	[sflag:s26] =	ssyncset.done $0x0  }
0xe7: {  	s30 =	simm.s32 $0x400;
	s31 =	simm.s32 $0x180;
	[sflag:s26] =	ssyncadd.s32 $0xFFFFC000  }
.LBB2_5:
0xe8: {  	[tilespmem:s22], [sflag:$0x2] =	stream.indirect.gather [hbm4b:s4+s20], $0x80, s31, s20, $0xb8;
	[tilespmem:$0x1E800] =	vst v63  }
0xe9: {  	s1 =	smov.u32 s30  }
0xea: {  	p1 =	seq.s32 s30, $0x4800;
	s30 =	sadd.s32 $0x400, s30;
	_ =	swait.ge [sflag:s23], $0x4000  }
0xeb: {  	s1 =	sshra.s32 s1, $0x2;
	[sflag:s23] =	ssyncset.done $0x0  }
0xec: {  	s31 =	sadd.s32 $0x1400, s1;
	[sflag:s23] =	ssyncadd.s32 $0xFFFFC000  }
0xed: {  	[spmem:s2] =	stream.indirect.scatter.add.f32 [tilespmem:s21], [sflag:$0x3], $0x80, s31, s20, $0xb8;
	[tilespmem:$0x1E800] =	vst v63  }
0xee: {  	_ =	swait.ge [sflag:s24], $0x4000  }
0xef: {  	[sflag:s24] =	ssyncset.done $0x0  }
0xf0: {  	s31 =	sadd.s32 $0x1480, s1;
	[sflag:s24] =	ssyncadd.s32 $0xFFFFC000  }
0xf1: {  	[spmem:s2] =	stream.indirect.scatter.add.f32 [tilespmem:s22], [sflag:$0x4], $0x80, s31, s20, $0xb8;
	[tilespmem:$0x1E800] =	vst v63  }
0xf2: {  	_ =	swait.ge [sflag:s25], $0x4000  }
0xf3: {  	[sflag:s25] =	ssyncset.done $0x0  }
.Ltmp7:
0xf4: {  	s31 =	sadd.s32 $0x100, s1;
	[sflag:s25] =	ssyncadd.s32 $0xFFFFC000;
	(pc) =	sbr.rel @!p1 .LBB2_5-.Ltmp7, $4  }
0xf5: {  	[tilespmem:s21], [sflag:$0x1] =	stream.indirect.gather [hbm4b:s4+s20], $0x80, s31, s20, $0xb8;
	[tilespmem:$0x1E800] =	vst v63  }
0xf6: {  	_ =	swait.ge [sflag:s26], $0x4000  }
0xf7: {  	[sflag:s26] =	ssyncset.done $0x0  }
0xf8: {  	s31 =	sadd.s32 $0x180, s1;
	[sflag:s26] =	ssyncadd.s32 $0xFFFFC000  }
.Ltmp8:
0xf9: {  	(pc) =	sbr.rel .LBB2_12-.Ltmp8, $2  }
0xfa: {  	_ =	sdelay $0x2  }
0xfb: {  	[tilespmem:s22], [sflag:$0x2] =	stream.indirect.gather [hbm4b:s4+s20], $0x80, s31, s20, $0xb8;
	[tilespmem:$0x1E800] =	vst v63  }
.LBB2_13:
0xfc: {  	_ =	sfence.sel $0x180000  }
0xfd: {  	[bflag:$0x0] =	sbarrier.arrive $0xFFFF  }
0xfe: {  	_ =	strace $0x9000004A  }
0xff: {  	[bflag:$0x2] =	sbarrier.arrive $0xFFFF  }
0x100: {  	p0 =	sne.s32 s0, $0x0;
	s0 =	rddreg [dreg:$0x2]  }
0x101: {  	s0 =	sadd.s32 @!p0 $0x100000, s0  }
0x102: {  	[sflag:s0] =	ssyncadd.tile.s32 @!p0 $0x1;
	_ =	shalt  }
.Lfunc_end2:
_tile_overlayer_lowered:
.L_overlay_start_2:
0x103: {  	(tag) =	ssettag $0x2  }
0x104: {  	s0 =	rddreg [dreg:$0x0];
	s2 =	stileid.u32  }
0x105: {  	s1 =	rddreg [dreg:$0x1];
	p0 =	sne.s32 s2, $0x0  }
0x106: {  	s3 =	rddreg [dreg:$0x2];
	[bflag:$0x3] =	sbarrier.arrive $0xFFFF;
	s2 =	simm.s32 @!p0 $0x1C05  }
0x107: {  	[timem:s3], [sflag:s2] =	dma.local @!p0 [hbm:s0], s1  }
0x108: {  	s0 =	simm.s32 @!p0 $0x5  }
0x109: {  	_ =	swait.ge @!p0 [sflag:s0], s1  }
0x10a: {  	s1 =	ssub.s32 @!p0 $0x0, s1;
	[sflag:s0] =	ssyncset.done @!p0 $0x0  }
0x10b: {  	[sflag:s0] =	ssyncadd.s32 @!p0 s1  }
0x10c: {  	[bflag:$0x3] =	sbarrier.arrive $0xFFFF  }
0x10d: {  	_ =	shalt  }

// kernel: kernel.14.cloned.1.call-start
scs
__scs_entry_jumppad:
0x0: {  	(pc) =	sbr.rel $0x88, $3  }
0x1: {  	(tag) =	ssettag $0x0;
	lr =	simm.s32 $0x1  }
0x2: {  	[smem:$0x3F95] =	sst lr;
	_ =	strace $0xD0000000  }
0x3: {  	_ = 	snop  }
0x4: {  	_ = 	snop  }
0x5: {  	_ = 	snop  }
0x6: {  	_ = 	snop  }
0x7: {  	_ = 	snop  }
__scs_overlays_trampoline_lowered:
0x8: {  	[smem:$0x3FA4] =	sst s0  }
0x9: {  	[smem:$0x3FA5] =	sst s1  }
0xa: {  	[smem:$0x3FA6] =	sst s2  }
0xb: {  	[smem:$0x3FA7] =	sst s3  }
0xc: {  	[smem:$0x3FA8] =	sst s4  }
0xd: {  	[smem:$0x3FA9] =	sst s5  }
0xe: {  	[smem:$0x3FAA] =	sst s6  }
0xf: {  	[smem:$0x3FAB] =	sst s7  }
0x10: {  	[smem:$0x3FAC] =	sst s8  }
0x11: {  	[smem:$0x3FAD] =	sst s9;
	s0 =	simm.s32 @!p0 $0x0  }
0x12: {  	s1 =	sld [smem:$0x3F93];
	s0 =	simm.s32 @p0 $0x1  }
0x13: {  	[smem:$0x3FAE] =	sst s0;
	s0 =	simm.s32 @!p1 $0x0  }
0x14: {  	s2 =	sld [smem:$0x3F92];
	s0 =	simm.s32 @p1 $0x1  }
0x15: {  	[smem:$0x3FAF] =	sst s0;
	s0 =	simm.s32 @!p2 $0x0  }
0x16: {  	s3 =	sld [smem:$0x3FDB];
	s0 =	simm.s32 @p2 $0x1  }
0x17: {  	s4 =	simm.s32 $0x1BF5;
	[smem:$0x3FB1] =	sst s0  }
0x18: {  	s0 =	sld [smem:$0x3F94];
	_ =	swait.ge [sflag:s4], $0x0  }
0x19: {  	s7 =	sld [smem:$0x3F95]  }
0x1a: {  	s8 =	sadd.s32 $0xFFFFE003, lr  }
0x1b: {  	s9 =	sadd.s32 $0xFFFFFEF7, lr;
	s5 =	simm.s32 $0xFFFFFFFF;
	p2 =	slt.u32 s8, $0xFFFFF086  }
0x1c: {  	p1 =	slt.u32 s9, $0xF7A;
	s5 =	simm.s32 @!p2 $0x0  }
0x1d: {  	s5 =	simm.s32 @p1 $0x1;
	p0 =	seq.s32 s7, s2  }
0x1e: {  	s7 =	smul.u32 @!p0 $0xF7A, s2;
	p2 =	seq.s32 @!p0 s5, $0x0  }
0x1f: {  	s9 =	smul.u32 $0xF7A, s1;
	s8 =	simm.s32 @!p0 $0x1BF5;
	p2 =	por !p2, p0  }
0x20: {  	[sflag:s8] =	ssyncset.s32 @!p0 $0xFFFFF086;
	s6 =	sadd.s32 @!p0 s3, s7;
	s7 =	simm.s32 @!p0 $0x108  }
0x21: {  	s3 =	sadd.s32 s3, s9;
	s6 =	sadd.s32 @!p0 $0x88, s6;
	s7 =	simm.s32 @p2 $0x1082  }
0x22: {  	[simem:s7], [sflag:s8] =	dma.local @!p0 [hbm:s6], $0xF7A  }
0x23: {  	s9 =	sor.u32 $0xD0000000, s2;
	s6 =	simm.s32 $0x108;
	_ =	swait.ge @!p0 [sflag:s8], $0x0  }
0x24: {  	s3 =	sadd.s32 $0x88, s3;
	s6 =	simm.s32 @!p1 $0x1082;
	[sflag:s4] =	ssyncset.s32 $0xFFFFF086  }
0x25: {  	[simem:s6], [sflag:s4] =	dma.local [hbm:s3], $0xF7A  }
0x26: {  	[smem:$0x3F95] =	sst s1;
	(tag) =	ssettag s2;
	_ =	strace s9  }
0x27: {  	s1 =	sld [smem:$0x3FA5]  }
0x28: {  	s2 =	sld [smem:$0x3FA6]  }
0x29: {  	s4 =	sld [smem:$0x3FA8]  }
0x2a: {  	p0 =	seq.s32 s5, $0x0;
	s5 =	sld [smem:$0x3FA9]  }
0x2b: {  	s6 =	sld [smem:$0x3FAA]  }
0x2c: {  	s7 =	sld [smem:$0x3FAB]  }
0x2d: {  	s3 =	simm.s32 $0x108;
	s8 =	sld [smem:$0x3FAC]  }
0x2e: {  	s3 =	simm.s32 @!p0 $0x1082;
	s9 =	sld [smem:$0x3FAD]  }
0x2f: {  	lr =	sadd.s32 s0, s3;
	s0 =	sld [smem:$0x3FA4]  }
0x30: {  	s3 =	sld [smem:$0x3FA7]  }
0x31: {  	[smem:$0x3FB0] =	sst s10  }
0x32: {  	s10 =	sld [smem:$0x3FAE];
	_ =	sdelay $0x3  }
0x33: {  	p0 =	seq.s32 s10, $0x1;
	s10 =	sld [smem:$0x3FB0];
	_ =	sdelay $0x3  }
0x34: {  	[smem:$0x3FB0] =	sst s10  }
0x35: {  	s10 =	sld [smem:$0x3FAF];
	_ =	sdelay $0x3  }
0x36: {  	p1 =	seq.s32 s10, $0x1;
	s10 =	sld [smem:$0x3FB0];
	_ =	sdelay $0x3  }
0x37: {  	[smem:$0x3FB0] =	sst s10  }
0x38: {  	s10 =	sld [smem:$0x3FB1]  }
0x39: {  	_ = 	snop;
	(pc) =	sbr.ind lr, $3  }
0x3a: {  	_ = 	snop  }
0x3b: {  	_ = 	snop  }
0x3c: {  	p2 =	seq.s32 s10, $0x1;
	s10 =	sld [smem:$0x3FB0]  }
0x3d: {  	_ =	shalt  }
0x3e: {  	_ =	shalt  }
0x3f: {  	_ =	shalt  }
0x40: {  	_ =	shalt  }
0x41: {  	_ =	shalt  }
0x42: {  	_ =	shalt  }
0x43: {  	_ =	shalt  }
0x44: {  	_ =	shalt  }
0x45: {  	_ =	shalt  }
0x46: {  	_ =	shalt  }
0x47: {  	_ =	shalt  }
0x48: {  	_ =	shalt  }
0x49: {  	_ =	shalt  }
0x4a: {  	_ =	shalt  }
0x4b: {  	_ =	shalt  }
0x4c: {  	_ =	shalt  }
0x4d: {  	_ =	shalt  }
0x4e: {  	_ =	shalt  }
0x4f: {  	_ =	shalt  }
0x50: {  	_ =	shalt  }
0x51: {  	_ =	shalt  }
0x52: {  	_ =	shalt  }
0x53: {  	_ =	shalt  }
0x54: {  	_ =	shalt  }
0x55: {  	_ =	shalt  }
0x56: {  	_ =	shalt  }
0x57: {  	_ =	shalt  }
0x58: {  	_ =	shalt  }
0x59: {  	_ =	shalt  }
0x5a: {  	_ =	shalt  }
0x5b: {  	_ =	shalt  }
0x5c: {  	_ =	shalt  }
0x5d: {  	_ =	shalt  }
0x5e: {  	_ =	shalt  }
0x5f: {  	_ =	shalt  }
0x60: {  	_ =	shalt  }
0x61: {  	_ =	shalt  }
0x62: {  	_ =	shalt  }
0x63: {  	_ =	shalt  }
0x64: {  	_ =	shalt  }
0x65: {  	_ =	shalt  }
0x66: {  	_ =	shalt  }
0x67: {  	_ =	shalt  }
0x68: {  	_ =	shalt  }
0x69: {  	_ =	shalt  }
0x6a: {  	_ =	shalt  }
0x6b: {  	_ =	shalt  }
0x6c: {  	_ =	shalt  }
0x6d: {  	_ =	shalt  }
0x6e: {  	_ =	shalt  }
0x6f: {  	_ =	shalt  }
0x70: {  	_ =	shalt  }
0x71: {  	_ =	shalt  }
0x72: {  	_ =	shalt  }
0x73: {  	_ =	shalt  }
0x74: {  	_ =	shalt  }
0x75: {  	_ =	shalt  }
0x76: {  	_ =	shalt  }
0x77: {  	_ =	shalt  }
0x78: {  	_ =	shalt  }
0x79: {  	_ =	shalt  }
0x7a: {  	_ =	shalt  }
0x7b: {  	_ =	shalt  }
0x7c: {  	_ =	shalt  }
0x7d: {  	_ =	shalt  }
0x7e: {  	_ =	shalt  }
0x7f: {  	_ =	shalt  }
0x80: {  	_ =	shalt  }
0x81: {  	_ =	shalt  }
0x82: {  	_ =	shalt  }
0x83: {  	_ =	shalt  }
0x84: {  	_ =	shalt  }
0x85: {  	_ =	shalt  }
0x86: {  	_ =	shalt  }
0x87: {  	_ =	shalt  }
.Lfunc_end0:
.L_simem_size_0:
called_computation.2_lowered:
.L_overlay_start_0:
0x88: {  	s2 =	sld [smem:$0x3FD9]  }
0x89: {  	s3 =	sld [smem:$0x3FFE];
	_ =	sdelay $0x1  }
0x8a: {  	s1 =	srdreg.scid  }
0x8b: {  	s0 =	sand.u32 $0x1, s1  }
0x8c: {  	s16 =	sshll.u32 s0, $0xA;
	s2 =	sadd.s32 s3, s2  }
0x8d: {  	s2 =	sadd.s32 s2, s16  }
0x8e: {  	[smem:$0x3FBC] =	sst s2  }
0x8f: {  	_ = 	snop  }
0x90: {  	(tm) =	ssettm $0x1  }
0x91: {  	s17 =	sld [smem:$0x3FFB];
	_ =	sdelay $0x3  }
0x92: {  	_ =	strace s17  }
0x93: {  	s2 =	sld [smem:$0x3FFC];
	_ =	sdelay $0x3  }
0x94: {  	_ =	strace s2  }
0x95: {  	s2 =	sld [smem:$0x3FFD];
	_ =	sdelay $0x3  }
0x96: {  	_ =	strace s2  }
0x97: {  	_ =	strace $0x8FFFFFFF  }
0x98: {  	s18 =	sld [smem:$0x3FDB];
	_ =	sdelay $0x1  }
0x99: {  	s19 =	simm.s32 $_scs_section_size  }
0x9a: {  	s4 =	simm.s32 $_size__tile_overlayer_lowered;
	s5 =	simm.s32 $_tile_overlayer_lowered  }
0x9b: {  	s22 =	simm.s32 $0x1BFF;
	s21 =	sshll.u32 s5, $0x1;
	s2 =	sadd.s32 s19, s18  }
0x9c: {  	s6 =	simm.s32 $0x0;
	s20 =	sshll.u32 s4, $0x1;
	s4 =	sadd.s32 s21, s2  }
0x9d: {  	[timem:s6], [sflag:s22] =	dma.local [hbm:s4], s20  }
0x9e: {  	_ =	swait.ge [sflag:s22], s20  }
0x9f: {  	s3 =	ssub.s32 $0x0, s20;
	[sflag:s22] =	ssyncset.done $0x0  }
0xa0: {  	[sflag:s22] =	ssyncadd.s32 s3;
	_ =	sdelay $0x1  }
0xa1: {  	s23 =	simm.s32 $0x1B8B  }
0xa2: {  	_ =	swait.ge [sflag:s23], $0x1  }
0xa3: {  	[sflag:s23] =	ssyncset.done $0x0  }
0xa4: {  	s25 =	simm.s32 $0x1B8E;
	s24 =	sld [smem:$0x3FFE];
	[sflag:s23] =	ssyncadd.s32 $0xFFFFFFFF  }
0xa5: {  	s26 =	simm.s32 $execute0_lowered;
	[smem:$0x3FD2] =	sst s25  }
0xa6: {  	s4 =	sshll.u32 s26, $0x1;
	_ =	strace $0x8000004C;
	[dreg:$0x1] =	wrdreg $0xFFFFFFFF  }
0xa7: {  	s28 =	simm.s32 $_size_execute0_lowered;
	s2 =	sadd.s32 s2, s4;
	[dreg:$0x0] =	wrdreg $0x0  }
0xa8: {  	s4 =	sshll.u32 s28, $0x1;
	[dreg:$0x2] =	wrdreg s2  }
0xa9: {  	[dreg:$0x3] =	wrdreg s4  }
0xaa: {  	[dreg:$0x4] =	wrdreg $0xC0  }
0xab: {  	_ =	task [dreg:s6], $0x5FFFF  }
0xac: {  	[dreg:$0x1] =	wrdreg $0xFFFFFFFF  }
0xad: {  	[dreg:$0x0] =	wrdreg $0x60  }
0xae: {  	[dreg:$0x2] =	wrdreg s24  }
0xaf: {  	[dreg:$0x3] =	wrdreg $0xA8000  }
0xb0: {  	[dreg:$0x4] =	wrdreg $0x9  }
0xb1: {  	_ =	task.clear_ibuf [dreg:s6], $0x5FFFF;
	_ =	strace $0x9000004C  }
0xb2: {  	s29 =	simm.s32 $0x9;
	_ =	strace $0x8000004E  }
0xb3: {  	_ =	swait.ge [sflag:s29], $0x1  }
0xb4: {  	[sflag:s29] =	ssyncadd.s32 $0xFFFFFFFF  }
0xb5: {  	_ =	strace $0x9000004E  }
0xb6: {  	_ =	sfence  }
0xb7: {  	s30 =	sld [smem:$0x0];
	_ =	sdelay $0x2  }
0xb8: {  	s31 =	sshll.u32 s1, $0xD;
	s1 =	sshrl.u32 s1, $0x2  }
0xb9: {  	s3 =	sand.u32 $0x4000, s31;
	s1 =	sadd.s32 s1, s30  }
0xba: {  	s0 =	sor.u32 s3, s0;
	s1 =	sshll.u32 s1, $0x11  }
0xbb: {  	s0 =	sor.u32 s1, s0  }
0xbc: {  	s0 =	sadd.s32 $0x8F2B, s0  }
0xbd: {  	[sflag:s0] =	ssyncadd.remote.s32 $0x1  }
0xbe: {  	_ =	sfence.sel $0xFFFF  }
0xbf: {  	[dreg:$0x0] =	wrdreg $0xFFFFFFFF;
	(pc) =	sbr.abs _section_cstart, $3  }
0xc0: {  	[dreg:$0x1] =	wrdreg $0xFFFFFFFF  }
0xc1: {  	_ =	task.clear_ibuf [dreg:s6], $0x2FFFF;
	_ =	strace $0x9FFFFFFF  }
0xc2: {  	(tm) =	ssettm $0x7FFFFFFF  }
0xc3: {  	_ =	shalt  }
tec
execute0_lowered:
.L_overlay_start_1:
0x0: {  	(tag) =	ssettag $0x1  }
0x1: {  	s6 =	rddreg [dreg:$0x0];
	s0 =	stileid.u32  }
0x2: {  	s1 =	srdreg.scid;
	s2 =	rddreg [dreg:$0x1];
	s3 =	simm.s32 $0x0  }
0x3: {  	s18 =	simm.s32 $0x5;
	s19 =	simm.s32 $0x1400;
	s20 =	simm.s32 $0x80  }
0x4: {  	s21 =	simm.s32 $0x2800;
	s22 =	simm.s32 $0x6800;
	s23 =	simm.s32 $0x1  }
0x5: {  	s24 =	simm.s32 $0x2;
	s28 =	simm.s32 $0x2700;
	s5 =	smul.u32 $0x2800, s0  }
0x6: {  	s29 =	simm.s32 $0x2780;
	s7 =	sand.u32 $0x1, s1;
	s9 =	smul.u32 $0x14000, s0  }
0x7: {  	[smem:$0x7FF] =	sst s3;
	s4 =	sadd.s32 $0x17400, s6;
	s25 =	smul.u32 $0x50000, s0  }
0x8: {  	s31 =	sshll.u32 s0, $0x6;
	s8 =	smul.u32 $0x140000, s7;
	_ =	strace $0x8000004D  }
0x9: {  	s10 =	ssub.s32 $0x2, s7;
	p0 =	seq.s32 s7, $0x1;
	s5 =	sshrl.u32 s5, $0x3  }
0xa: {  	s26 =	sshrl.u32 s10, $0x1;
	s30 =	sshrl.u32 s25, $0x2;
	s25 =	simm.s32 $0x3  }
0xb: {  	s14 =	sadd.s32 s5, s6;
	s8 =	sadd.s32 s9, s8;
	s5 =	sadd.s32 $0x3F400, s6  }
0xc: {  	s16 =	ssub.s32 s10, s26;
	s17 =	sadd.s32 s30, s2;
	s26 =	simm.s32 $0x4  }
.Ltmp0:
0xd: {  	s8 =	sshrl.u32 s8, $0x3;
	s7 =	sadd.s32 $0x3400, s14;
	(pc) =	sbr.rel .LBB2_1-.Ltmp0, $4  }
0xe: {  	s9 =	sadd.s32 $0x3680, s14;
	s10 =	sadd.s32 $0xD680, s14;
	s11 =	sadd.s32 $0x8400, s14  }
0xf: {  	s12 =	sadd.s32 $0x12400, s14;
	s13 =	sadd.s32 $0x8680, s14;
	s16 =	smax.u32 s16, $0x1  }
0x10: {  	s17 =	sshrl.u32 s17, $0x3;
	s15 =	sadd.s32 s8, s6;
	s6 =	sor.u32 $0x1C05, s31  }
0x11: {  	s8 =	sadd.s32 $0xD400, s14;
	s14 =	sadd.s32 $0x12680, s14;
	s15 =	sadd.s32 $0x41C00, s15  }
.LBB2_11:
0x12: {  	[tilespmem:s22], [sflag:$0x2] =	stream.indirect.gather [hbm4b:s4+s20], $0x80, s31, s20, $0xb8;
	[tilespmem:$0x1E800] =	vst v63  }
.LBB2_12:
0x13: {  	_ =	swait.ge [sflag:s23], $0x4000  }
0x14: {  	[sflag:s23] =	ssyncset.done $0x0  }
0x15: {  	[sflag:s23] =	ssyncadd.s32 $0xFFFFC000  }
0x16: {  	[spmem:s2] =	stream.indirect.scatter.add.f32 [tilespmem:s21], [sflag:$0x3], $0x80, s28, s20, $0xb8;
	[tilespmem:$0x1E800] =	vst v63  }
0x17: {  	_ =	swait.ge [sflag:s24], $0x4000  }
0x18: {  	[sflag:s24] =	ssyncset.done $0x0  }
0x19: {  	[sflag:s24] =	ssyncadd.s32 $0xFFFFC000  }
0x1a: {  	[spmem:s2] =	stream.indirect.scatter.add.f32 [tilespmem:s22], [sflag:$0x4], $0x80, s29, s20, $0xb8;
	[tilespmem:$0x1E800] =	vst v63  }
0x1b: {  	_ =	swait.ge [sflag:s25], $0x4000  }
0x1c: {  	[sflag:s25] =	ssyncset.done $0x0  }
0x1d: {  	[sflag:s25] =	ssyncadd.s32 $0xFFFFC000  }
0x1e: {  	_ =	swait.ge [sflag:s26], $0x4000  }
0x1f: {  	s3 =	sadd.s32 $0x1, s3;
	[sflag:s26] =	ssyncset.done $0x0  }
0x20: {  	p1 =	sne.s32 s3, s16;
	[sflag:s26] =	ssyncadd.s32 $0xFFFFC000  }
.Ltmp1:
0x21: {  	[bflag:$0x0] =	sbarrier.arrive $0xFFFF;
	(pc) =	sbr.rel @!p1 .LBB2_13-.Ltmp1, $4  }
0x22: {  	[hbm:s15], [sflag:s6] =	dma.local [spmem:s17], $0x2800  }
0x23: {  	_ =	swait.ge [sflag:s18], $0x2800  }
0x24: {  	[sflag:s18] =	ssyncset.done $0x0  }
0x25: {  	[sflag:s18] =	ssyncadd.s32 $0xFFFFD800  }
.LBB2_1:
0x26: {  	[spmem:s17], [sflag:s6] =	dma.local [hbm:s5], $0x2800  }
.Ltmp2:
0x27: {  	_ =	swait.ge [sflag:s18], $0x2800;
	(pc) =	sbr.rel @!p0 .LBB2_2-.Ltmp2, $3  }
0x28: {  	[sflag:s18] =	ssyncset.done $0x0  }
0x29: {  	[sflag:s18] =	ssyncadd.s32 $0xFFFFD800  }
0x2a: {  	[bflag:$0x0] =	sbarrier.arrive $0xFFFF;
	_ =	sdelay $0x1  }
0x2b: {  	s1 =	simm.s32 $0x0  }
0x2c: {  	[tilespmem:s1], [sflag:$0x5] =	stream.linear.gather [hbm4b:s11+s1], $0x1400, $0x38;
	[tilespmem:$0x1E800] =	vst v63  }
0x2d: {  	_ =	swait.ge [sflag:s18], $0x1400  }
0x2e: {  	[sflag:s18] =	ssyncset.done $0x0  }
0x2f: {  	[sflag:s18] =	ssyncadd.s32 $0xFFFFEC00  }
0x30: {  	[tilespmem:s19], [sflag:$0x5] =	stream.linear.gather [hbm4b:s12+s1], $0x1400, $0x38;
	[tilespmem:$0x1E800] =	vst v63  }
0x31: {  	_ =	swait.ge [sflag:s18], $0x1400  }
0x32: {  	[sflag:s18] =	ssyncset.done $0x0  }
0x33: {  	[sflag:s18] =	ssyncadd.s32 $0xFFFFEC00  }
0x34: {  	[tilespmem:s21], [sflag:$0x1] =	stream.indirect.gather [hbm4b:s4+s20], $0x80, s1, s20, $0xb8;
	[tilespmem:$0x1E800] =	vst v63  }
0x35: {  	_ = 	snop  }
0x36: {  	[tilespmem:s22], [sflag:$0x2] =	stream.indirect.gather [hbm4b:s4+s20], $0x80, s20, s20, $0xb8;
	[tilespmem:$0x1E800] =	vst v63  }
0x37: {  	_ =	swait.ge [sflag:s23], $0x4000  }
0x38: {  	[sflag:s23] =	ssyncset.done $0x0  }
0x39: {  	s1 =	simm.s32 $0x1400;
	[sflag:s23] =	ssyncadd.s32 $0xFFFFC000  }
0x3a: {  	[spmem:s2] =	stream.indirect.scatter.add.f32 [tilespmem:s21], [sflag:$0x3], $0x80, s1, s20, $0xb8;
	[tilespmem:$0x1E800] =	vst v63  }
0x3b: {  	_ =	swait.ge [sflag:s24], $0x4000  }
0x3c: {  	[sflag:s24] =	ssyncset.done $0x0  }
0x3d: {  	s1 =	simm.s32 $0x1480;
	[sflag:s24] =	ssyncadd.s32 $0xFFFFC000  }
0x3e: {  	[spmem:s2] =	stream.indirect.scatter.add.f32 [tilespmem:s22], [sflag:$0x4], $0x80, s1, s20, $0xb8;
	[tilespmem:$0x1E800] =	vst v63  }
0x3f: {  	_ =	swait.ge [sflag:s25], $0x4000  }
0x40: {  	[sflag:s25] =	ssyncset.done $0x0  }
0x41: {  	s1 =	simm.s32 $0x100;
	[sflag:s25] =	ssyncadd.s32 $0xFFFFC000  }
0x42: {  	[tilespmem:s21], [sflag:$0x1] =	stream.indirect.gather [hbm4b:s4+s20], $0x80, s1, s20, $0xb8;
	[tilespmem:$0x1E800] =	vst v63  }
0x43: {  	_ =	swait.ge [sflag:s26], $0x4000  }
0x44: {  	[sflag:s26] =	ssyncset.done $0x0  }
0x45: {  	s30 =	simm.s32 $0x400;
	s31 =	simm.s32 $0x180;
	[sflag:s26] =	ssyncadd.s32 $0xFFFFC000  }
.LBB2_8:
0x46: {  	[tilespmem:s22], [sflag:$0x2] =	stream.indirect.gather [hbm4b:s4+s20], $0x80, s31, s20, $0xb8;
	[tilespmem:$0x1E800] =	vst v63  }
0x47: {  	s1 =	smov.u32 s30  }
0x48: {  	p1 =	sne.s32 s30, $0x4800;
	s30 =	sadd.s32 $0x400, s30;
	_ =	swait.ge [sflag:s23], $0x4000  }
0x49: {  	s1 =	sshra.s32 s1, $0x2;
	[sflag:s23] =	ssyncset.done $0x0  }
0x4a: {  	s31 =	sadd.s32 $0x1400, s1;
	[sflag:s23] =	ssyncadd.s32 $0xFFFFC000  }
0x4b: {  	[spmem:s2] =	stream.indirect.scatter.add.f32 [tilespmem:s21], [sflag:$0x3], $0x80, s31, s20, $0xb8;
	[tilespmem:$0x1E800] =	vst v63  }
0x4c: {  	_ =	swait.ge [sflag:s24], $0x4000  }
0x4d: {  	[sflag:s24] =	ssyncset.done $0x0  }
0x4e: {  	s31 =	sadd.s32 $0x1480, s1;
	[sflag:s24] =	ssyncadd.s32 $0xFFFFC000  }
0x4f: {  	[spmem:s2] =	stream.indirect.scatter.add.f32 [tilespmem:s22], [sflag:$0x4], $0x80, s31, s20, $0xb8;
	[tilespmem:$0x1E800] =	vst v63  }
0x50: {  	_ =	swait.ge [sflag:s25], $0x4000  }
0x51: {  	[sflag:s25] =	ssyncset.done $0x0  }
.Ltmp3:
0x52: {  	s31 =	sadd.s32 $0x100, s1;
	[sflag:s25] =	ssyncadd.s32 $0xFFFFC000;
	(pc) =	sbr.rel @p1 .LBB2_8-.Ltmp3, $4  }
0x53: {  	[tilespmem:s21], [sflag:$0x1] =	stream.indirect.gather [hbm4b:s4+s20], $0x80, s31, s20, $0xb8;
	[tilespmem:$0x1E800] =	vst v63  }
0x54: {  	_ =	swait.ge [sflag:s26], $0x4000  }
0x55: {  	[sflag:s26] =	ssyncset.done $0x0  }
0x56: {  	s31 =	sadd.s32 $0x180, s1;
	[sflag:s26] =	ssyncadd.s32 $0xFFFFC000  }
0x57: {  	[tilespmem:s22], [sflag:$0x2] =	stream.indirect.gather [hbm4b:s4+s20], $0x80, s31, s20, $0xb8;
	[tilespmem:$0x1E800] =	vst v63  }
0x58: {  	_ =	swait.ge [sflag:s23], $0x4000  }
0x59: {  	[sflag:s23] =	ssyncset.done $0x0  }
0x5a: {  	[sflag:s23] =	ssyncadd.s32 $0xFFFFC000  }
0x5b: {  	[spmem:s2] =	stream.indirect.scatter.add.f32 [tilespmem:s21], [sflag:$0x3], $0x80, s28, s20, $0xb8;
	[tilespmem:$0x1E800] =	vst v63  }
0x5c: {  	_ =	swait.ge [sflag:s24], $0x4000  }
0x5d: {  	[sflag:s24] =	ssyncset.done $0x0  }
0x5e: {  	[sflag:s24] =	ssyncadd.s32 $0xFFFFC000  }
0x5f: {  	[spmem:s2] =	stream.indirect.scatter.add.f32 [tilespmem:s22], [sflag:$0x4], $0x80, s29, s20, $0xb8;
	[tilespmem:$0x1E800] =	vst v63  }
0x60: {  	_ =	swait.ge [sflag:s25], $0x4000  }
0x61: {  	[sflag:s25] =	ssyncset.done $0x0  }
0x62: {  	[sflag:s25] =	ssyncadd.s32 $0xFFFFC000  }
0x63: {  	_ =	swait.ge [sflag:s26], $0x4000  }
0x64: {  	[sflag:s26] =	ssyncset.done $0x0  }
0x65: {  	s1 =	simm.s32 $0x0;
	[sflag:s26] =	ssyncadd.s32 $0xFFFFC000  }
0x66: {  	[tilespmem:s1], [sflag:$0x5] =	stream.linear.gather [hbm4b:s13+s1], $0x1400, $0x38;
	[tilespmem:$0x1E800] =	vst v63  }
0x67: {  	_ =	swait.ge [sflag:s18], $0x1400  }
0x68: {  	[sflag:s18] =	ssyncset.done $0x0  }
0x69: {  	[sflag:s18] =	ssyncadd.s32 $0xFFFFEC00  }
0x6a: {  	[tilespmem:s19], [sflag:$0x5] =	stream.linear.gather [hbm4b:s14+s1], $0x1400, $0x38;
	[tilespmem:$0x1E800] =	vst v63  }
0x6b: {  	_ =	swait.ge [sflag:s18], $0x1400  }
0x6c: {  	[sflag:s18] =	ssyncset.done $0x0  }
0x6d: {  	[sflag:s18] =	ssyncadd.s32 $0xFFFFEC00  }
0x6e: {  	[tilespmem:s21], [sflag:$0x1] =	stream.indirect.gather [hbm4b:s4+s20], $0x80, s1, s20, $0xb8;
	[tilespmem:$0x1E800] =	vst v63  }
0x6f: {  	_ = 	snop  }
0x70: {  	[tilespmem:s22], [sflag:$0x2] =	stream.indirect.gather [hbm4b:s4+s20], $0x80, s20, s20, $0xb8;
	[tilespmem:$0x1E800] =	vst v63  }
0x71: {  	_ =	swait.ge [sflag:s23], $0x4000  }
0x72: {  	[sflag:s23] =	ssyncset.done $0x0  }
0x73: {  	s1 =	simm.s32 $0x1400;
	[sflag:s23] =	ssyncadd.s32 $0xFFFFC000  }
0x74: {  	[spmem:s2] =	stream.indirect.scatter.add.f32 [tilespmem:s21], [sflag:$0x3], $0x80, s1, s20, $0xb8;
	[tilespmem:$0x1E800] =	vst v63  }
0x75: {  	_ =	swait.ge [sflag:s24], $0x4000  }
0x76: {  	[sflag:s24] =	ssyncset.done $0x0  }
0x77: {  	s1 =	simm.s32 $0x1480;
	[sflag:s24] =	ssyncadd.s32 $0xFFFFC000  }
0x78: {  	[spmem:s2] =	stream.indirect.scatter.add.f32 [tilespmem:s22], [sflag:$0x4], $0x80, s1, s20, $0xb8;
	[tilespmem:$0x1E800] =	vst v63  }
0x79: {  	_ =	swait.ge [sflag:s25], $0x4000  }
0x7a: {  	[sflag:s25] =	ssyncset.done $0x0  }
0x7b: {  	s1 =	simm.s32 $0x100;
	[sflag:s25] =	ssyncadd.s32 $0xFFFFC000  }
0x7c: {  	[tilespmem:s21], [sflag:$0x1] =	stream.indirect.gather [hbm4b:s4+s20], $0x80, s1, s20, $0xb8;
	[tilespmem:$0x1E800] =	vst v63  }
0x7d: {  	_ =	swait.ge [sflag:s26], $0x4000  }
0x7e: {  	[sflag:s26] =	ssyncset.done $0x0  }
0x7f: {  	s30 =	simm.s32 $0x400;
	s31 =	simm.s32 $0x180;
	[sflag:s26] =	ssyncadd.s32 $0xFFFFC000  }
.LBB2_10:
0x80: {  	[tilespmem:s22], [sflag:$0x2] =	stream.indirect.gather [hbm4b:s4+s20], $0x80, s31, s20, $0xb8;
	[tilespmem:$0x1E800] =	vst v63  }
0x81: {  	s1 =	smov.u32 s30  }
0x82: {  	p1 =	sne.s32 s30, $0x4800;
	s30 =	sadd.s32 $0x400, s30;
	_ =	swait.ge [sflag:s23], $0x4000  }
0x83: {  	s1 =	sshra.s32 s1, $0x2;
	[sflag:s23] =	ssyncset.done $0x0  }
0x84: {  	s31 =	sadd.s32 $0x1400, s1;
	[sflag:s23] =	ssyncadd.s32 $0xFFFFC000  }
0x85: {  	[spmem:s2] =	stream.indirect.scatter.add.f32 [tilespmem:s21], [sflag:$0x3], $0x80, s31, s20, $0xb8;
	[tilespmem:$0x1E800] =	vst v63  }
0x86: {  	_ =	swait.ge [sflag:s24], $0x4000  }
0x87: {  	[sflag:s24] =	ssyncset.done $0x0  }
0x88: {  	s31 =	sadd.s32 $0x1480, s1;
	[sflag:s24] =	ssyncadd.s32 $0xFFFFC000  }
0x89: {  	[spmem:s2] =	stream.indirect.scatter.add.f32 [tilespmem:s22], [sflag:$0x4], $0x80, s31, s20, $0xb8;
	[tilespmem:$0x1E800] =	vst v63  }
0x8a: {  	_ =	swait.ge [sflag:s25], $0x4000  }
0x8b: {  	[sflag:s25] =	ssyncset.done $0x0  }
.Ltmp4:
0x8c: {  	s31 =	sadd.s32 $0x100, s1;
	[sflag:s25] =	ssyncadd.s32 $0xFFFFC000;
	(pc) =	sbr.rel @p1 .LBB2_10-.Ltmp4, $4  }
0x8d: {  	[tilespmem:s21], [sflag:$0x1] =	stream.indirect.gather [hbm4b:s4+s20], $0x80, s31, s20, $0xb8;
	[tilespmem:$0x1E800] =	vst v63  }
0x8e: {  	_ =	swait.ge [sflag:s26], $0x4000  }
0x8f: {  	[sflag:s26] =	ssyncset.done $0x0  }
0x90: {  	s31 =	sadd.s32 $0x180, s1;
	[sflag:s26] =	ssyncadd.s32 $0xFFFFC000  }
.Ltmp5:
0x91: {  	_ = 	snop;
	(pc) =	sbr.rel .LBB2_11-.Ltmp5, $1  }
0x92: {  	_ =	sdelay $0x3  }
.LBB2_2:
0x93: {  	s30 =	simm.s32 $0x0  }
0x94: {  	[tilespmem:s30], [sflag:$0x5] =	stream.linear.gather [hbm4b:s7+s30], $0x1400, $0x38;
	[tilespmem:$0x1E800] =	vst v63  }
0x95: {  	_ =	swait.ge [sflag:s18], $0x1400  }
0x96: {  	[sflag:s18] =	ssyncset.done $0x0  }
0x97: {  	[sflag:s18] =	ssyncadd.s32 $0xFFFFEC00  }
0x98: {  	[tilespmem:s19], [sflag:$0x5] =	stream.linear.gather [hbm4b:s8+s30], $0x1400, $0x38;
	[tilespmem:$0x1E800] =	vst v63  }
0x99: {  	_ =	swait.ge [sflag:s18], $0x1400  }
0x9a: {  	[sflag:s18] =	ssyncset.done $0x0  }
0x9b: {  	[sflag:s18] =	ssyncadd.s32 $0xFFFFEC00  }
0x9c: {  	[tilespmem:s21], [sflag:$0x1] =	stream.indirect.gather [hbm4b:s4+s20], $0x80, s30, s20, $0xb8;
	[tilespmem:$0x1E800] =	vst v63  }
0x9d: {  	_ = 	snop  }
0x9e: {  	[tilespmem:s22], [sflag:$0x2] =	stream.indirect.gather [hbm4b:s4+s20], $0x80, s20, s20, $0xb8;
	[tilespmem:$0x1E800] =	vst v63  }
0x9f: {  	_ =	swait.ge [sflag:s23], $0x4000  }
0xa0: {  	[sflag:s23] =	ssyncset.done $0x0  }
0xa1: {  	s30 =	simm.s32 $0x1400;
	[sflag:s23] =	ssyncadd.s32 $0xFFFFC000  }
0xa2: {  	[spmem:s2] =	stream.indirect.scatter.add.f32 [tilespmem:s21], [sflag:$0x3], $0x80, s30, s20, $0xb8;
	[tilespmem:$0x1E800] =	vst v63  }
0xa3: {  	_ =	swait.ge [sflag:s24], $0x4000  }
0xa4: {  	[sflag:s24] =	ssyncset.done $0x0  }
0xa5: {  	s30 =	simm.s32 $0x1480;
	[sflag:s24] =	ssyncadd.s32 $0xFFFFC000  }
0xa6: {  	[spmem:s2] =	stream.indirect.scatter.add.f32 [tilespmem:s22], [sflag:$0x4], $0x80, s30, s20, $0xb8;
	[tilespmem:$0x1E800] =	vst v63  }
0xa7: {  	_ =	swait.ge [sflag:s25], $0x4000  }
0xa8: {  	[sflag:s25] =	ssyncset.done $0x0  }
0xa9: {  	s30 =	simm.s32 $0x100;
	[sflag:s25] =	ssyncadd.s32 $0xFFFFC000  }
0xaa: {  	[tilespmem:s21], [sflag:$0x1] =	stream.indirect.gather [hbm4b:s4+s20], $0x80, s30, s20, $0xb8;
	[tilespmem:$0x1E800] =	vst v63  }
0xab: {  	_ =	swait.ge [sflag:s26], $0x4000  }
0xac: {  	[sflag:s26] =	ssyncset.done $0x0  }
0xad: {  	s31 =	simm.s32 $0x180;
	s30 =	simm.s32 $0x400;
	[sflag:s26] =	ssyncadd.s32 $0xFFFFC000  }
.LBB2_3:
0xae: {  	[tilespmem:s22], [sflag:$0x2] =	stream.indirect.gather [hbm4b:s4+s20], $0x80, s31, s20, $0xb8;
	[tilespmem:$0x1E800] =	vst v63  }
0xaf: {  	s31 =	smov.u32 s30  }
0xb0: {  	p1 =	sne.s32 s30, $0x4800;
	s30 =	sadd.s32 $0x400, s30;
	_ =	swait.ge [sflag:s23], $0x4000  }
0xb1: {  	s31 =	sshra.s32 s31, $0x2;
	[sflag:s23] =	ssyncset.done $0x0  }
0xb2: {  	s1 =	sadd.s32 $0x1400, s31;
	[sflag:s23] =	ssyncadd.s32 $0xFFFFC000  }
0xb3: {  	[spmem:s2] =	stream.indirect.scatter.add.f32 [tilespmem:s21], [sflag:$0x3], $0x80, s1, s20, $0xb8;
	[tilespmem:$0x1E800] =	vst v63  }
0xb4: {  	_ =	swait.ge [sflag:s24], $0x4000  }
0xb5: {  	[sflag:s24] =	ssyncset.done $0x0  }
0xb6: {  	s1 =	sadd.s32 $0x1480, s31;
	[sflag:s24] =	ssyncadd.s32 $0xFFFFC000  }
0xb7: {  	[spmem:s2] =	stream.indirect.scatter.add.f32 [tilespmem:s22], [sflag:$0x4], $0x80, s1, s20, $0xb8;
	[tilespmem:$0x1E800] =	vst v63  }
0xb8: {  	_ =	swait.ge [sflag:s25], $0x4000  }
0xb9: {  	[sflag:s25] =	ssyncset.done $0x0  }
.Ltmp6:
0xba: {  	s1 =	sadd.s32 $0x100, s31;
	[sflag:s25] =	ssyncadd.s32 $0xFFFFC000;
	(pc) =	sbr.rel @p1 .LBB2_3-.Ltmp6, $4  }
0xbb: {  	[tilespmem:s21], [sflag:$0x1] =	stream.indirect.gather [hbm4b:s4+s20], $0x80, s1, s20, $0xb8;
	[tilespmem:$0x1E800] =	vst v63  }
0xbc: {  	_ =	swait.ge [sflag:s26], $0x4000  }
0xbd: {  	[sflag:s26] =	ssyncset.done $0x0  }
0xbe: {  	s31 =	sadd.s32 $0x180, s31;
	[sflag:s26] =	ssyncadd.s32 $0xFFFFC000  }
0xbf: {  	[tilespmem:s22], [sflag:$0x2] =	stream.indirect.gather [hbm4b:s4+s20], $0x80, s31, s20, $0xb8;
	[tilespmem:$0x1E800] =	vst v63  }
0xc0: {  	_ =	swait.ge [sflag:s23], $0x4000  }
0xc1: {  	[sflag:s23] =	ssyncset.done $0x0  }
0xc2: {  	[sflag:s23] =	ssyncadd.s32 $0xFFFFC000  }
0xc3: {  	[spmem:s2] =	stream.indirect.scatter.add.f32 [tilespmem:s21], [sflag:$0x3], $0x80, s28, s20, $0xb8;
	[tilespmem:$0x1E800] =	vst v63  }
0xc4: {  	_ =	swait.ge [sflag:s24], $0x4000  }
0xc5: {  	[sflag:s24] =	ssyncset.done $0x0  }
0xc6: {  	[sflag:s24] =	ssyncadd.s32 $0xFFFFC000  }
0xc7: {  	[spmem:s2] =	stream.indirect.scatter.add.f32 [tilespmem:s22], [sflag:$0x4], $0x80, s29, s20, $0xb8;
	[tilespmem:$0x1E800] =	vst v63  }
0xc8: {  	_ =	swait.ge [sflag:s25], $0x4000  }
0xc9: {  	[sflag:s25] =	ssyncset.done $0x0  }
0xca: {  	[sflag:s25] =	ssyncadd.s32 $0xFFFFC000  }
0xcb: {  	_ =	swait.ge [sflag:s26], $0x4000  }
0xcc: {  	[sflag:s26] =	ssyncset.done $0x0  }
0xcd: {  	s1 =	simm.s32 $0x0;
	[sflag:s26] =	ssyncadd.s32 $0xFFFFC000  }
0xce: {  	[tilespmem:s1], [sflag:$0x5] =	stream.linear.gather [hbm4b:s9+s1], $0x1400, $0x38;
	[tilespmem:$0x1E800] =	vst v63  }
0xcf: {  	_ =	swait.ge [sflag:s18], $0x1400  }
0xd0: {  	[sflag:s18] =	ssyncset.done $0x0  }
0xd1: {  	[sflag:s18] =	ssyncadd.s32 $0xFFFFEC00  }
0xd2: {  	[tilespmem:s19], [sflag:$0x5] =	stream.linear.gather [hbm4b:s10+s1], $0x1400, $0x38;
	[tilespmem:$0x1E800] =	vst v63  }
0xd3: {  	_ =	swait.ge [sflag:s18], $0x1400  }
0xd4: {  	[sflag:s18] =	ssyncset.done $0x0  }
0xd5: {  	[sflag:s18] =	ssyncadd.s32 $0xFFFFEC00  }
0xd6: {  	[tilespmem:s21], [sflag:$0x1] =	stream.indirect.gather [hbm4b:s4+s20], $0x80, s1, s20, $0xb8;
	[tilespmem:$0x1E800] =	vst v63  }
0xd7: {  	_ = 	snop  }
0xd8: {  	[tilespmem:s22], [sflag:$0x2] =	stream.indirect.gather [hbm4b:s4+s20], $0x80, s20, s20, $0xb8;
	[tilespmem:$0x1E800] =	vst v63  }
0xd9: {  	_ =	swait.ge [sflag:s23], $0x4000  }
0xda: {  	[sflag:s23] =	ssyncset.done $0x0  }
0xdb: {  	s1 =	simm.s32 $0x1400;
	[sflag:s23] =	ssyncadd.s32 $0xFFFFC000  }
0xdc: {  	[spmem:s2] =	stream.indirect.scatter.add.f32 [tilespmem:s21], [sflag:$0x3], $0x80, s1, s20, $0xb8;
	[tilespmem:$0x1E800] =	vst v63  }
0xdd: {  	_ =	swait.ge [sflag:s24], $0x4000  }
0xde: {  	[sflag:s24] =	ssyncset.done $0x0  }
0xdf: {  	s1 =	simm.s32 $0x1480;
	[sflag:s24] =	ssyncadd.s32 $0xFFFFC000  }
0xe0: {  	[spmem:s2] =	stream.indirect.scatter.add.f32 [tilespmem:s22], [sflag:$0x4], $0x80, s1, s20, $0xb8;
	[tilespmem:$0x1E800] =	vst v63  }
0xe1: {  	_ =	swait.ge [sflag:s25], $0x4000  }
0xe2: {  	[sflag:s25] =	ssyncset.done $0x0  }
0xe3: {  	s1 =	simm.s32 $0x100;
	[sflag:s25] =	ssyncadd.s32 $0xFFFFC000  }
0xe4: {  	[tilespmem:s21], [sflag:$0x1] =	stream.indirect.gather [hbm4b:s4+s20], $0x80, s1, s20, $0xb8;
	[tilespmem:$0x1E800] =	vst v63  }
0xe5: {  	_ =	swait.ge [sflag:s26], $0x4000  }
0xe6: {  	[sflag:s26] =	ssyncset.done $0x0  }
0xe7: {  	s30 =	simm.s32 $0x400;
	s31 =	simm.s32 $0x180;
	[sflag:s26] =	ssyncadd.s32 $0xFFFFC000  }
.LBB2_5:
0xe8: {  	[tilespmem:s22], [sflag:$0x2] =	stream.indirect.gather [hbm4b:s4+s20], $0x80, s31, s20, $0xb8;
	[tilespmem:$0x1E800] =	vst v63  }
0xe9: {  	s1 =	smov.u32 s30  }
0xea: {  	p1 =	seq.s32 s30, $0x4800;
	s30 =	sadd.s32 $0x400, s30;
	_ =	swait.ge [sflag:s23], $0x4000  }
0xeb: {  	s1 =	sshra.s32 s1, $0x2;
	[sflag:s23] =	ssyncset.done $0x0  }
0xec: {  	s31 =	sadd.s32 $0x1400, s1;
	[sflag:s23] =	ssyncadd.s32 $0xFFFFC000  }
0xed: {  	[spmem:s2] =	stream.indirect.scatter.add.f32 [tilespmem:s21], [sflag:$0x3], $0x80, s31, s20, $0xb8;
	[tilespmem:$0x1E800] =	vst v63  }
0xee: {  	_ =	swait.ge [sflag:s24], $0x4000  }
0xef: {  	[sflag:s24] =	ssyncset.done $0x0  }
0xf0: {  	s31 =	sadd.s32 $0x1480, s1;
	[sflag:s24] =	ssyncadd.s32 $0xFFFFC000  }
0xf1: {  	[spmem:s2] =	stream.indirect.scatter.add.f32 [tilespmem:s22], [sflag:$0x4], $0x80, s31, s20, $0xb8;
	[tilespmem:$0x1E800] =	vst v63  }
0xf2: {  	_ =	swait.ge [sflag:s25], $0x4000  }
0xf3: {  	[sflag:s25] =	ssyncset.done $0x0  }
.Ltmp7:
0xf4: {  	s31 =	sadd.s32 $0x100, s1;
	[sflag:s25] =	ssyncadd.s32 $0xFFFFC000;
	(pc) =	sbr.rel @!p1 .LBB2_5-.Ltmp7, $4  }
0xf5: {  	[tilespmem:s21], [sflag:$0x1] =	stream.indirect.gather [hbm4b:s4+s20], $0x80, s31, s20, $0xb8;
	[tilespmem:$0x1E800] =	vst v63  }
0xf6: {  	_ =	swait.ge [sflag:s26], $0x4000  }
0xf7: {  	[sflag:s26] =	ssyncset.done $0x0  }
0xf8: {  	s31 =	sadd.s32 $0x180, s1;
	[sflag:s26] =	ssyncadd.s32 $0xFFFFC000  }
.Ltmp8:
0xf9: {  	(pc) =	sbr.rel .LBB2_12-.Ltmp8, $2  }
0xfa: {  	_ =	sdelay $0x2  }
0xfb: {  	[tilespmem:s22], [sflag:$0x2] =	stream.indirect.gather [hbm4b:s4+s20], $0x80, s31, s20, $0xb8;
	[tilespmem:$0x1E800] =	vst v63  }
.LBB2_13:
0xfc: {  	_ =	sfence.sel $0x180000  }
0xfd: {  	[bflag:$0x0] =	sbarrier.arrive $0xFFFF  }
0xfe: {  	_ =	strace $0x9000004D  }
0xff: {  	[bflag:$0x2] =	sbarrier.arrive $0xFFFF  }
0x100: {  	p0 =	sne.s32 s0, $0x0;
	s0 =	rddreg [dreg:$0x2]  }
0x101: {  	s0 =	sadd.s32 @!p0 $0x100000, s0  }
0x102: {  	[sflag:s0] =	ssyncadd.tile.s32 @!p0 $0x1;
	_ =	shalt  }
.Lfunc_end2:
_tile_overlayer_lowered:
.L_overlay_start_2:
0x103: {  	(tag) =	ssettag $0x2  }
0x104: {  	s0 =	rddreg [dreg:$0x0];
	s2 =	stileid.u32  }
0x105: {  	s1 =	rddreg [dreg:$0x1];
	p0 =	sne.s32 s2, $0x0  }
0x106: {  	s3 =	rddreg [dreg:$0x2];
	[bflag:$0x3] =	sbarrier.arrive $0xFFFF;
	s2 =	simm.s32 @!p0 $0x1C05  }
0x107: {  	[timem:s3], [sflag:s2] =	dma.local @!p0 [hbm:s0], s1  }
0x108: {  	s0 =	simm.s32 @!p0 $0x5  }
0x109: {  	_ =	swait.ge @!p0 [sflag:s0], s1  }
0x10a: {  	s1 =	ssub.s32 @!p0 $0x0, s1;
	[sflag:s0] =	ssyncset.done @!p0 $0x0  }
0x10b: {  	[sflag:s0] =	ssyncadd.s32 @!p0 s1  }
0x10c: {  	[bflag:$0x3] =	sbarrier.arrive $0xFFFF  }
0x10d: {  	_ =	shalt  }

// kernel: kernel.8.cloned.1.call-start
scs
__scs_entry_jumppad:
0x0: {  	(pc) =	sbr.rel $0x88, $3  }
0x1: {  	(tag) =	ssettag $0x0;
	lr =	simm.s32 $0x1  }
0x2: {  	[smem:$0x3F95] =	sst lr;
	_ =	strace $0xD0000000  }
0x3: {  	_ = 	snop  }
0x4: {  	_ = 	snop  }
0x5: {  	_ = 	snop  }
0x6: {  	_ = 	snop  }
0x7: {  	_ = 	snop  }
__scs_overlays_trampoline_lowered:
0x8: {  	[smem:$0x3FA4] =	sst s0  }
0x9: {  	[smem:$0x3FA5] =	sst s1  }
0xa: {  	[smem:$0x3FA6] =	sst s2  }
0xb: {  	[smem:$0x3FA7] =	sst s3  }
0xc: {  	[smem:$0x3FA8] =	sst s4  }
0xd: {  	[smem:$0x3FA9] =	sst s5  }
0xe: {  	[smem:$0x3FAA] =	sst s6  }
0xf: {  	[smem:$0x3FAB] =	sst s7  }
0x10: {  	[smem:$0x3FAC] =	sst s8  }
0x11: {  	[smem:$0x3FAD] =	sst s9;
	s0 =	simm.s32 @!p0 $0x0  }
0x12: {  	s1 =	sld [smem:$0x3F93];
	s0 =	simm.s32 @p0 $0x1  }
0x13: {  	[smem:$0x3FAE] =	sst s0;
	s0 =	simm.s32 @!p1 $0x0  }
0x14: {  	s2 =	sld [smem:$0x3F92];
	s0 =	simm.s32 @p1 $0x1  }
0x15: {  	[smem:$0x3FAF] =	sst s0;
	s0 =	simm.s32 @!p2 $0x0  }
0x16: {  	s3 =	sld [smem:$0x3FDB];
	s0 =	simm.s32 @p2 $0x1  }
0x17: {  	s4 =	simm.s32 $0x1BF5;
	[smem:$0x3FB1] =	sst s0  }
0x18: {  	s0 =	sld [smem:$0x3F94];
	_ =	swait.ge [sflag:s4], $0x0  }
0x19: {  	s7 =	sld [smem:$0x3F95]  }
0x1a: {  	s8 =	sadd.s32 $0xFFFFE003, lr  }
0x1b: {  	s9 =	sadd.s32 $0xFFFFFEF7, lr;
	s5 =	simm.s32 $0xFFFFFFFF;
	p2 =	slt.u32 s8, $0xFFFFF086  }
0x1c: {  	p1 =	slt.u32 s9, $0xF7A;
	s5 =	simm.s32 @!p2 $0x0  }
0x1d: {  	s5 =	simm.s32 @p1 $0x1;
	p0 =	seq.s32 s7, s2  }
0x1e: {  	s7 =	smul.u32 @!p0 $0xF7A, s2;
	p2 =	seq.s32 @!p0 s5, $0x0  }
0x1f: {  	s9 =	smul.u32 $0xF7A, s1;
	s8 =	simm.s32 @!p0 $0x1BF5;
	p2 =	por !p2, p0  }
0x20: {  	[sflag:s8] =	ssyncset.s32 @!p0 $0xFFFFF086;
	s6 =	sadd.s32 @!p0 s3, s7;
	s7 =	simm.s32 @!p0 $0x108  }
0x21: {  	s3 =	sadd.s32 s3, s9;
	s6 =	sadd.s32 @!p0 $0x88, s6;
	s7 =	simm.s32 @p2 $0x1082  }
0x22: {  	[simem:s7], [sflag:s8] =	dma.local @!p0 [hbm:s6], $0xF7A  }
0x23: {  	s9 =	sor.u32 $0xD0000000, s2;
	s6 =	simm.s32 $0x108;
	_ =	swait.ge @!p0 [sflag:s8], $0x0  }
0x24: {  	s3 =	sadd.s32 $0x88, s3;
	s6 =	simm.s32 @!p1 $0x1082;
	[sflag:s4] =	ssyncset.s32 $0xFFFFF086  }
0x25: {  	[simem:s6], [sflag:s4] =	dma.local [hbm:s3], $0xF7A  }
0x26: {  	[smem:$0x3F95] =	sst s1;
	(tag) =	ssettag s2;
	_ =	strace s9  }
0x27: {  	s1 =	sld [smem:$0x3FA5]  }
0x28: {  	s2 =	sld [smem:$0x3FA6]  }
0x29: {  	s4 =	sld [smem:$0x3FA8]  }
0x2a: {  	p0 =	seq.s32 s5, $0x0;
	s5 =	sld [smem:$0x3FA9]  }
0x2b: {  	s6 =	sld [smem:$0x3FAA]  }
0x2c: {  	s7 =	sld [smem:$0x3FAB]  }
0x2d: {  	s3 =	simm.s32 $0x108;
	s8 =	sld [smem:$0x3FAC]  }
0x2e: {  	s3 =	simm.s32 @!p0 $0x1082;
	s9 =	sld [smem:$0x3FAD]  }
0x2f: {  	lr =	sadd.s32 s0, s3;
	s0 =	sld [smem:$0x3FA4]  }
0x30: {  	s3 =	sld [smem:$0x3FA7]  }
0x31: {  	[smem:$0x3FB0] =	sst s10  }
0x32: {  	s10 =	sld [smem:$0x3FAE];
	_ =	sdelay $0x3  }
0x33: {  	p0 =	seq.s32 s10, $0x1;
	s10 =	sld [smem:$0x3FB0];
	_ =	sdelay $0x3  }
0x34: {  	[smem:$0x3FB0] =	sst s10  }
0x35: {  	s10 =	sld [smem:$0x3FAF];
	_ =	sdelay $0x3  }
0x36: {  	p1 =	seq.s32 s10, $0x1;
	s10 =	sld [smem:$0x3FB0];
	_ =	sdelay $0x3  }
0x37: {  	[smem:$0x3FB0] =	sst s10  }
0x38: {  	s10 =	sld [smem:$0x3FB1]  }
0x39: {  	_ = 	snop;
	(pc) =	sbr.ind lr, $3  }
0x3a: {  	_ = 	snop  }
0x3b: {  	_ = 	snop  }
0x3c: {  	p2 =	seq.s32 s10, $0x1;
	s10 =	sld [smem:$0x3FB0]  }
0x3d: {  	_ =	shalt  }
0x3e: {  	_ =	shalt  }
0x3f: {  	_ =	shalt  }
0x40: {  	_ =	shalt  }
0x41: {  	_ =	shalt  }
0x42: {  	_ =	shalt  }
0x43: {  	_ =	shalt  }
0x44: {  	_ =	shalt  }
0x45: {  	_ =	shalt  }
0x46: {  	_ =	shalt  }
0x47: {  	_ =	shalt  }
0x48: {  	_ =	shalt  }
0x49: {  	_ =	shalt  }
0x4a: {  	_ =	shalt  }
0x4b: {  	_ =	shalt  }
0x4c: {  	_ =	shalt  }
0x4d: {  	_ =	shalt  }
0x4e: {  	_ =	shalt  }
0x4f: {  	_ =	shalt  }
0x50: {  	_ =	shalt  }
0x51: {  	_ =	shalt  }
0x52: {  	_ =	shalt  }
0x53: {  	_ =	shalt  }
0x54: {  	_ =	shalt  }
0x55: {  	_ =	shalt  }
0x56: {  	_ =	shalt  }
0x57: {  	_ =	shalt  }
0x58: {  	_ =	shalt  }
0x59: {  	_ =	shalt  }
0x5a: {  	_ =	shalt  }
0x5b: {  	_ =	shalt  }
0x5c: {  	_ =	shalt  }
0x5d: {  	_ =	shalt  }
0x5e: {  	_ =	shalt  }
0x5f: {  	_ =	shalt  }
0x60: {  	_ =	shalt  }
0x61: {  	_ =	shalt  }
0x62: {  	_ =	shalt  }
0x63: {  	_ =	shalt  }
0x64: {  	_ =	shalt  }
0x65: {  	_ =	shalt  }
0x66: {  	_ =	shalt  }
0x67: {  	_ =	shalt  }
0x68: {  	_ =	shalt  }
0x69: {  	_ =	shalt  }
0x6a: {  	_ =	shalt  }
0x6b: {  	_ =	shalt  }
0x6c: {  	_ =	shalt  }
0x6d: {  	_ =	shalt  }
0x6e: {  	_ =	shalt  }
0x6f: {  	_ =	shalt  }
0x70: {  	_ =	shalt  }
0x71: {  	_ =	shalt  }
0x72: {  	_ =	shalt  }
0x73: {  	_ =	shalt  }
0x74: {  	_ =	shalt  }
0x75: {  	_ =	shalt  }
0x76: {  	_ =	shalt  }
0x77: {  	_ =	shalt  }
0x78: {  	_ =	shalt  }
0x79: {  	_ =	shalt  }
0x7a: {  	_ =	shalt  }
0x7b: {  	_ =	shalt  }
0x7c: {  	_ =	shalt  }
0x7d: {  	_ =	shalt  }
0x7e: {  	_ =	shalt  }
0x7f: {  	_ =	shalt  }
0x80: {  	_ =	shalt  }
0x81: {  	_ =	shalt  }
0x82: {  	_ =	shalt  }
0x83: {  	_ =	shalt  }
0x84: {  	_ =	shalt  }
0x85: {  	_ =	shalt  }
0x86: {  	_ =	shalt  }
0x87: {  	_ =	shalt  }
.Lfunc_end0:
.L_simem_size_0:
called_computation_lowered:
.L_overlay_start_0:
0x88: {  	s2 =	sld [smem:$0x3FD9]  }
0x89: {  	s3 =	sld [smem:$0x3FFE];
	_ =	sdelay $0x1  }
0x8a: {  	s1 =	srdreg.scid  }
0x8b: {  	s0 =	sand.u32 $0x1, s1  }
0x8c: {  	s17 =	sshll.u32 s0, $0xA;
	s2 =	sadd.s32 s3, s2  }
0x8d: {  	s2 =	sadd.s32 s2, s17  }
0x8e: {  	[smem:$0x3FBC] =	sst s2  }
0x8f: {  	_ = 	snop  }
0x90: {  	s2 =	sld [smem:$0x3FD0];
	(tm) =	ssettm $0x1  }
0x91: {  	s18 =	sld [smem:$0x3FFB];
	_ =	sdelay $0x3  }
0x92: {  	_ =	strace s18  }
0x93: {  	s3 =	sld [smem:$0x3FFC];
	_ =	sdelay $0x3  }
0x94: {  	_ =	strace s3  }
0x95: {  	s3 =	sld [smem:$0x3FFD];
	_ =	sdelay $0x3  }
0x96: {  	_ =	strace s3  }
0x97: {  	_ =	strace $0x8FFFFFFF  }
0x98: {  	s19 =	sld [smem:$0x3FDB];
	_ =	sdelay $0x1  }
0x99: {  	s4 =	simm.s32 $_scs_section_size  }
0x9a: {  	s5 =	simm.s32 $_size__tile_overlayer_lowered;
	s6 =	simm.s32 $_tile_overlayer_lowered  }
0x9b: {  	s22 =	simm.s32 $0x1BFF;
	s21 =	sshll.u32 s6, $0x1;
	s3 =	sadd.s32 s4, s19  }
0x9c: {  	s7 =	simm.s32 $0x0;
	s20 =	sshll.u32 s5, $0x1;
	s5 =	sadd.s32 s21, s3  }
0x9d: {  	[timem:s7], [sflag:s22] =	dma.local [hbm:s5], s20  }
0x9e: {  	_ =	swait.ge [sflag:s22], s20  }
0x9f: {  	s4 =	ssub.s32 $0x0, s20;
	[sflag:s22] =	ssyncset.done $0x0  }
0xa0: {  	[sflag:s22] =	ssyncadd.s32 s4;
	_ =	sdelay $0x1  }
0xa1: {  	s23 =	simm.s32 $0x1B8B  }
0xa2: {  	_ =	swait.ge [sflag:s23], $0x1  }
0xa3: {  	[sflag:s23] =	ssyncset.done $0x0  }
0xa4: {  	s25 =	simm.s32 $0x1B8E;
	s24 =	sld [smem:$0x3FFE];
	[sflag:s23] =	ssyncadd.s32 $0xFFFFFFFF  }
0xa5: {  	s26 =	simm.s32 $execute0_lowered;
	[smem:$0x3FD2] =	sst s25  }
0xa6: {  	s5 =	sshll.u32 s26, $0x1;
	_ =	strace $0x80000046;
	[dreg:$0x1] =	wrdreg $0xFFFFFFFF  }
0xa7: {  	s28 =	simm.s32 $_size_execute0_lowered;
	s3 =	sadd.s32 s3, s5;
	[dreg:$0x0] =	wrdreg $0x0  }
0xa8: {  	s5 =	sshll.u32 s28, $0x1;
	[dreg:$0x2] =	wrdreg s3  }
0xa9: {  	[dreg:$0x3] =	wrdreg s5  }
0xaa: {  	[dreg:$0x4] =	wrdreg $0xC0  }
0xab: {  	_ =	task [dreg:s7], $0x5FFFF  }
0xac: {  	[dreg:$0x1] =	wrdreg $0xFFFFFFFF  }
0xad: {  	[dreg:$0x0] =	wrdreg $0x60  }
0xae: {  	[dreg:$0x2] =	wrdreg s24  }
0xaf: {  	[dreg:$0x3] =	wrdreg s2  }
0xb0: {  	[dreg:$0x4] =	wrdreg $0x50800  }
0xb1: {  	[dreg:$0x5] =	wrdreg $0x53000  }
0xb2: {  	[dreg:$0x6] =	wrdreg $0x9  }
0xb3: {  	_ =	task.clear_ibuf [dreg:s7], $0x7FFFF;
	_ =	strace $0x90000046  }
0xb4: {  	s29 =	simm.s32 $0x9;
	_ =	strace $0x80000048  }
0xb5: {  	_ =	swait.ge [sflag:s29], $0x1  }
0xb6: {  	[sflag:s29] =	ssyncadd.s32 $0xFFFFFFFF  }
0xb7: {  	_ =	strace $0x90000048  }
0xb8: {  	_ =	sfence  }
0xb9: {  	s30 =	sld [smem:$0x0];
	_ =	sdelay $0x2  }
0xba: {  	s31 =	sshll.u32 s1, $0xD;
	s1 =	sshrl.u32 s1, $0x2  }
0xbb: {  	s3 =	sand.u32 $0x4000, s31;
	s1 =	sadd.s32 s1, s30  }
0xbc: {  	s0 =	sor.u32 s3, s0;
	s1 =	sshll.u32 s1, $0x11  }
0xbd: {  	s0 =	sor.u32 s1, s0  }
0xbe: {  	s0 =	sadd.s32 $0x8F2B, s0  }
0xbf: {  	[sflag:s0] =	ssyncadd.remote.s32 $0x1  }
0xc0: {  	_ =	sfence.sel $0xFFFF  }
0xc1: {  	[dreg:$0x0] =	wrdreg $0xFFFFFFFF;
	(pc) =	sbr.abs _section_cstart, $3  }
0xc2: {  	[dreg:$0x1] =	wrdreg $0xFFFFFFFF  }
0xc3: {  	_ =	task.clear_ibuf [dreg:s7], $0x2FFFF;
	_ =	strace $0x9FFFFFFF  }
0xc4: {  	(tm) =	ssettm $0x7FFFFFFF  }
0xc5: {  	_ =	shalt  }
tec
execute0_lowered:
.L_overlay_start_1:
0x0: {  	(tag) =	ssettag $0x1  }
0x1: {  	s7 =	rddreg [dreg:$0x0]  }
0x2: {  	s1 =	rddreg [dreg:$0x1]  }
0x3: {  	s2 =	srdreg.scid;
	s3 =	rddreg [dreg:$0x2]  }
0x4: {  	s0 =	stileid.u32;
	s4 =	rddreg [dreg:$0x3]  }
0x5: {  	s5 =	simm.s32 $0x0;
	s17 =	simm.s32 $0x80;
	s18 =	simm.s32 $0x1  }
0x6: {  	s19 =	simm.s32 $0x2;
	s20 =	simm.s32 $0x20;
	s21 =	simm.s32 $0x10  }
0x7: {  	s22 =	simm.s32 $0x0;
	s8 =	sand.u32 $0x1, s2;
	s10 =	smul.u32 $0x500, s0  }
0x8: {  	s29 =	sshll.u32 s0, $0x1;
	[smem:$0x7FF] =	sst s5;
	s12 =	smul.u32 $0x280, s0  }
0x9: {  	s31 =	sshll.u32 s0, $0x6;
	s2 =	sor.u32 s8, s29;
	s9 =	smul.u32 $0x5000, s8  }
0xa: {  	s8 =	ssub.s32 $0x2, s8;
	s6 =	smul.u32 $0x2800, s2;
	s2 =	rddreg [dreg:$0x4]  }
0xb: {  	_ =	strace $0x80000047;
	s30 =	sshrl.u32 s8, $0x1;
	s15 =	sadd.s32 s12, s3  }
0xc: {  	s16 =	sadd.s32 s12, s4;
	s9 =	sadd.s32 s10, s9;
	s14 =	ssub.s32 s8, s30  }
0xd: {  	s6 =	sshrl.u32 s6, $0x3;
	s9 =	sshrl.u32 s9, $0x3;
	s12 =	smax.u32 s14, $0x1  }
0xe: {  	s14 =	simm.s32 $0x3;
	s11 =	sadd.s32 s6, s7;
	s6 =	sadd.s32 $0x17400, s7  }
0xf: {  	s13 =	sadd.s32 s9, s7;
	s7 =	sor.u32 $0x1C03, s31;
	s8 =	sadd.s32 $0x3400, s11  }
0x10: {  	s9 =	sadd.s32 $0xD400, s11;
	s10 =	sadd.s32 $0x17600, s13;
	s11 =	sadd.s32 $0x17610, s13  }
0x11: {  	s13 =	sshrl.u32 s15, $0x3;
	s15 =	sshrl.u32 s16, $0x3;
	s16 =	simm.s32 $0x5000  }
.LBB2_1:
0x12: {  	[spmem:s13], [sflag:s7] =	dma.local [hbm:s6], $0x50  }
0x13: {  	_ =	swait.ge [sflag:s14], $0x50  }
0x14: {  	[sflag:s14] =	ssyncset.done $0x0  }
0x15: {  	[sflag:s14] =	ssyncadd.s32 $0xFFFFFFB0  }
0x16: {  	[spmem:s15], [sflag:s7] =	dma.local [hbm:s6], $0x50  }
0x17: {  	_ =	swait.ge [sflag:s14], $0x50  }
0x18: {  	[sflag:s14] =	ssyncset.done $0x0  }
0x19: {  	[sflag:s14] =	ssyncadd.s32 $0xFFFFFFB0  }
0x1a: {  	[tilespmem:s16], [sflag:$0x3] =	stream.linear.gather [hbm4b:s1+s5], $0x80, $0x38;
	[tilespmem:$0x5580] =	vst v63  }
0x1b: {  	_ =	swait.ge [sflag:s14], $0x80  }
0x1c: {  	[sflag:s14] =	ssyncset.done $0x0  }
0x1d: {  	[sflag:s14] =	ssyncadd.s32 $0xFFFFFF80  }
0x1e: {  	[tilespmem:s5], [sflag:$0x3] =	stream.linear.gather [hbm4b:s8+s5], $0x2800, $0x38;
	[tilespmem:$0x5580] =	vst v63  }
0x1f: {  	_ =	swait.ge [sflag:s14], $0x2800  }
0x20: {  	[sflag:s14] =	ssyncset.done $0x0  }
0x21: {  	s23 =	simm.s32 $0x2800;
	[sflag:s14] =	ssyncadd.s32 $0xFFFFD800  }
0x22: {  	[tilespmem:s23], [sflag:$0x3] =	stream.linear.gather [hbm4b:s9+s5], $0x2800, $0x38;
	[tilespmem:$0x5580] =	vst v63  }
0x23: {  	_ =	swait.ge [sflag:s14], $0x2800  }
0x24: {  	[sflag:s14] =	ssyncset.done $0x0  }
0x25: {  	[sflag:s14] =	ssyncadd.s32 $0xFFFFD800  }
0x26: {  	p0 =	por $0x1, $0x1;
	[bflag:$0x0] =	sbarrier.arrive $0xFFFF  }
0x27: {  	[spmem:s3] =	stream.indirect.scatter.add.f32 [tilespmem:s16], [sflag:$0x1], $0x1, s5, s17, $0xb8;
	[tilespmem:$0x5580] =	vst v63  }
0x28: {  	s24 =	simm.s32 @!p0 $0x1  }
0x29: {  	[spmem:s4] =	stream.indirect.scatter.add.f32 [tilespmem:s16], [sflag:$0x2], $0x1, s23, s17, $0xb8;
	[tilespmem:$0x5580] =	vst v63  }
0x2a: {  	_ =	swait.ge @!p0 [sflag:s24], $0x80  }
0x2b: {  	[sflag:s24] =	ssyncset.done @!p0 $0x0  }
0x2c: {  	s25 =	simm.s32 $0x0;
	s26 =	simm.s32 @!p0 $0x2;
	[sflag:s24] =	ssyncadd.s32 @!p0 $0xFFFFFF80  }
0x2d: {  	s23 =	simm.s32 $0x1;
	s24 =	simm.s32 $0x2880;
	_ =	swait.ge @!p0 [sflag:s26], $0x80  }
.LBB2_2:
0x2e: {  	[sflag:s26] =	ssyncset.done @!p0 $0x0  }
0x2f: {  	s25 =	sadd.s32 $0x80, s25;
	s28 =	smov.u32 s23;
	s23 =	sadd.s32 $0x1, s23  }
0x30: {  	p1 =	sne.s32 s23, $0x50;
	[sflag:s26] =	ssyncadd.s32 @!p0 $0xFFFFFF80  }
0x31: {  	[spmem:s3] =	stream.indirect.scatter.add.f32 [tilespmem:s16], [sflag:$0x1], $0x1, s25, s17, $0xb8;
	[tilespmem:$0x5580] =	vst v63  }
0x32: {  	p0 =	slt.u32 s28, $0x8  }
0x33: {  	[spmem:s4] =	stream.indirect.scatter.add.f32 [tilespmem:s16], [sflag:$0x2], $0x1, s24, s17, $0xb8;
	[tilespmem:$0x5580] =	vst v63  }
.Ltmp0:
0x34: {  	s28 =	simm.s32 @!p0 $0x1;
	(pc) =	sbr.rel @p1 .LBB2_2-.Ltmp0, $4  }
0x35: {  	_ =	swait.ge @!p0 [sflag:s28], $0x80  }
0x36: {  	s26 =	simm.s32 @!p0 $0x2;
	[sflag:s28] =	ssyncset.done @!p0 $0x0  }
0x37: {  	[sflag:s28] =	ssyncadd.s32 @!p0 $0xFFFFFF80  }
0x38: {  	s24 =	sadd.s32 $0x80, s24;
	_ =	swait.ge @!p0 [sflag:s26], $0x80  }
0x39: {  	[sflag:s26] =	ssyncset.done @!p0 $0x0  }
0x3a: {  	[sflag:s26] =	ssyncadd.s32 @!p0 $0xFFFFFF80  }
0x3b: {  	_ =	swait.ge [sflag:s18], $0x80  }
0x3c: {  	[sflag:s18] =	ssyncset.done $0x0  }
0x3d: {  	[sflag:s18] =	ssyncadd.s32 $0xFFFFFF80  }
0x3e: {  	_ =	swait.ge [sflag:s19], $0x80  }
0x3f: {  	[sflag:s19] =	ssyncset.done $0x0  }
0x40: {  	[sflag:s19] =	ssyncadd.s32 $0xFFFFFF80  }
0x41: {  	_ =	swait.ge [sflag:s18], $0x80  }
0x42: {  	[sflag:s18] =	ssyncset.done $0x0  }
0x43: {  	[sflag:s18] =	ssyncadd.s32 $0xFFFFFF80  }
0x44: {  	_ =	swait.ge [sflag:s19], $0x80  }
0x45: {  	[sflag:s19] =	ssyncset.done $0x0  }
0x46: {  	[sflag:s19] =	ssyncadd.s32 $0xFFFFFF80  }
0x47: {  	_ =	swait.ge [sflag:s18], $0x80  }
0x48: {  	[sflag:s18] =	ssyncset.done $0x0  }
0x49: {  	[sflag:s18] =	ssyncadd.s32 $0xFFFFFF80  }
0x4a: {  	_ =	swait.ge [sflag:s19], $0x80  }
0x4b: {  	[sflag:s19] =	ssyncset.done $0x0  }
0x4c: {  	[sflag:s19] =	ssyncadd.s32 $0xFFFFFF80  }
0x4d: {  	_ =	swait.ge [sflag:s18], $0x80  }
0x4e: {  	[sflag:s18] =	ssyncset.done $0x0  }
0x4f: {  	[sflag:s18] =	ssyncadd.s32 $0xFFFFFF80  }
0x50: {  	_ =	swait.ge [sflag:s19], $0x80  }
0x51: {  	[sflag:s19] =	ssyncset.done $0x0  }
0x52: {  	[sflag:s19] =	ssyncadd.s32 $0xFFFFFF80  }
0x53: {  	_ =	swait.ge [sflag:s18], $0x80  }
0x54: {  	[sflag:s18] =	ssyncset.done $0x0  }
0x55: {  	[sflag:s18] =	ssyncadd.s32 $0xFFFFFF80  }
0x56: {  	_ =	swait.ge [sflag:s19], $0x80  }
0x57: {  	[sflag:s19] =	ssyncset.done $0x0  }
0x58: {  	[sflag:s19] =	ssyncadd.s32 $0xFFFFFF80  }
0x59: {  	_ =	swait.ge [sflag:s18], $0x80  }
0x5a: {  	[sflag:s18] =	ssyncset.done $0x0  }
0x5b: {  	[sflag:s18] =	ssyncadd.s32 $0xFFFFFF80  }
0x5c: {  	_ =	swait.ge [sflag:s19], $0x80  }
0x5d: {  	[sflag:s19] =	ssyncset.done $0x0  }
0x5e: {  	[sflag:s19] =	ssyncadd.s32 $0xFFFFFF80  }
0x5f: {  	_ =	swait.ge [sflag:s18], $0x80  }
0x60: {  	[sflag:s18] =	ssyncset.done $0x0  }
0x61: {  	[sflag:s18] =	ssyncadd.s32 $0xFFFFFF80  }
0x62: {  	_ =	swait.ge [sflag:s19], $0x80  }
0x63: {  	[sflag:s19] =	ssyncset.done $0x0  }
0x64: {  	[sflag:s19] =	ssyncadd.s32 $0xFFFFFF80  }
0x65: {  	_ =	swait.ge [sflag:s18], $0x80  }
0x66: {  	[sflag:s18] =	ssyncset.done $0x0  }
0x67: {  	[sflag:s18] =	ssyncadd.s32 $0xFFFFFF80  }
0x68: {  	_ =	swait.ge [sflag:s19], $0x80  }
0x69: {  	[sflag:s19] =	ssyncset.done $0x0  }
0x6a: {  	[sflag:s19] =	ssyncadd.s32 $0xFFFFFF80  }
0x6b: {  	[bflag:$0x0] =	sbarrier.arrive $0xFFFF  }
0x6c: {  	[hbm:s10@s20], [sflag:s7] =	dma.strided [spmem:s13@s21], $0x50, s18, $0x10   }
0x6d: {  	s22 =	sadd.s32 $0x1, s22;
	_ =	swait.ge [sflag:s14], $0x50  }
0x6e: {  	p0 =	sne.s32 s22, s12;
	[sflag:s14] =	ssyncset.done $0x0  }
.Ltmp1:
0x6f: {  	[sflag:s14] =	ssyncadd.s32 $0xFFFFFFB0;
	(pc) =	sbr.rel @p0 .LBB2_1-.Ltmp1, $4  }
0x70: {  	[hbm:s11@s20], [sflag:s7] =	dma.strided [spmem:s15@s21], $0x50, s18, $0x10   }
0x71: {  	_ =	swait.ge [sflag:s14], $0x50  }
0x72: {  	[sflag:s14] =	ssyncset.done $0x0  }
0x73: {  	[sflag:s14] =	ssyncadd.s32 $0xFFFFFFB0  }
0x74: {  	_ =	sfence.sel $0x180000  }
0x75: {  	[bflag:$0x0] =	sbarrier.arrive $0xFFFF  }
0x76: {  	p0 =	sne.s32 s0, $0x0;
	_ =	strace $0x90000047  }
0x77: {  	s0 =	sadd.s32 @!p0 $0x100000, s2;
	[bflag:$0x2] =	sbarrier.arrive $0xFFFF  }
0x78: {  	[sflag:s0] =	ssyncadd.tile.s32 @!p0 $0x1;
	_ =	shalt  }
.Lfunc_end2:
_tile_overlayer_lowered:
.L_overlay_start_2:
0x79: {  	(tag) =	ssettag $0x2  }
0x7a: {  	s0 =	rddreg [dreg:$0x0];
	s2 =	stileid.u32  }
0x7b: {  	s1 =	rddreg [dreg:$0x1];
	p0 =	sne.s32 s2, $0x0  }
0x7c: {  	s3 =	rddreg [dreg:$0x2];
	[bflag:$0x3] =	sbarrier.arrive $0xFFFF;
	s2 =	simm.s32 @!p0 $0x1C03  }
0x7d: {  	[timem:s3], [sflag:s2] =	dma.local @!p0 [hbm:s0], s1  }
0x7e: {  	s0 =	simm.s32 @!p0 $0x3  }
0x7f: {  	_ =	swait.ge @!p0 [sflag:s0], s1  }
0x80: {  	s1 =	ssub.s32 @!p0 $0x0, s1;
	[sflag:s0] =	ssyncset.done @!p0 $0x0  }
0x81: {  	[sflag:s0] =	ssyncadd.s32 @!p0 s1  }
0x82: {  	[bflag:$0x3] =	sbarrier.arrive $0xFFFF  }
0x83: {  	_ =	shalt  }

</sc_bundles>
